<compile_context>
chip_gen: v7x
topology: tpu7x:2x2x1
jax: 0.10.2.dev20260603
libtpu: 0.0.44.dev20260713+nightly
codegen_flags: <defaults>
</compile_context>

<pallas_src>
import functools
import jax
import jax.numpy as jnp
from jax import lax
from jax.experimental import pallas as pl
from jax.experimental.pallas import tpu as pltpu
from jax.experimental.pallas import tpu_sc as plsc

_NC, _NS = 2, 16
_NW = _NC * _NS
_CH = 40
_NCHUNK = 78
_PER_W = _CH * _NCHUNK


def _sc_body(pred_hbm, out_hbm, buf0, buf1, sem0, sem1):
    wid = lax.axis_index("s") * _NC + lax.axis_index("c")
    row0 = wid * _PER_W
    bufs = (buf0, buf1)
    sems = (sem0, sem1)
    cp = pltpu.async_copy(pred_hbm.at[pl.ds(row0, _CH)], buf0, sem0)
    for c in range(1, _NCHUNK):
        b = bufs[c % 2]
        s = sems[c % 2]
        nxt = pltpu.async_copy(
            pred_hbm.at[pl.ds(row0 + c * _CH, _CH)], b, s
        )
        cp.wait()
        cp = nxt
    cp.wait()
    pltpu.sync_copy(buf0.at[0, pl.ds(0, 16)], out_hbm.at[wid])


def kernel(pred, target):
    pred_t = pred.T
    f = pl.kernel(
        _sc_body,
        mesh=plsc.VectorSubcoreMesh(core_axis_name="c", subcore_axis_name="s"),
        out_type=jax.ShapeDtypeStruct((_NW, 16), jnp.float32),
        scratch_types=[
            pltpu.VMEM((_CH, 1024), jnp.float32),
            pltpu.VMEM((_CH, 1024), jnp.float32),
            pltpu.SemaphoreType.DMA,
            pltpu.SemaphoreType.DMA,
        ],
    )
    out = f(pred_t)
    return jnp.sum(out)

# --- scband reference (transcript-rebuilt; emitter-appended) ---
"""Pipeline reference for scband-nllsmoothing-22351009808690 (READ-ONLY COPY).

The authoritative reference and input builder live on the scoring server;
editing this copy changes nothing except your own understanding.
"""

import jax, jax.numpy as jnp
import numpy as np

SMOOTHING = 0.1
CONFIDENCE = 1.0 - SMOOTHING

def setup_inputs(seed: int = 0) -> dict:
    key = jax.random.key(seed)
    k1, k2 = jax.random.split(key)
    pred = jax.nn.log_softmax(jax.random.normal(k1, (1024, 100000), dtype=jnp.float32), axis=-1)
    target = jax.random.randint(k2, (1024,), 0, 100000, dtype=jnp.int64 if jax.config.jax_enable_x64 else jnp.int32)
    return {"pred": pred, "target": target}

def reference(pred, target):
    num_classes = pred.shape[-1]
    # true_dist built under no_grad in torch -> stop_gradient here
    true_dist = jnp.full(pred.shape, SMOOTHING / (num_classes - 1), dtype=pred.dtype)
    rows = jnp.arange(pred.shape[0])
    true_dist = true_dist.at[rows, target].set(CONFIDENCE)
    true_dist = jax.lax.stop_gradient(true_dist)
    loss = jnp.sum(-true_dist * pred, axis=-1)
    return jnp.mean(loss)

if __name__ == "__main__":
    import jax
    _d = setup_inputs()
    print(jax.jit(kernel)(*tuple(_d.values())))

</pallas_src>

<mosaic_0001>
#map = affine_map<(d0, d1) -> (0, 0)>
module attributes {stable_mosaic.version = 14 : i64} {
  func.func @_sc_body(%arg0: i32, %arg1: i32, %arg2: memref<100000x1024xf32, #tpu.memory_space<hbm>>, %arg3: memref<32x16xf32, #tpu.memory_space<hbm>>, %arg4: memref<40x1024xf32, #tpu.memory_space<vmem>>, %arg5: memref<40x1024xf32, #tpu.memory_space<vmem>>, %arg6: memref<!tpu.dma_semaphore, #tpu.memory_space<semaphore_mem>>, %arg7: memref<!tpu.dma_semaphore, #tpu.memory_space<semaphore_mem>>) attributes {dimension_semantics = [#tpu.dimension_semantics<core_parallel>, #tpu.dimension_semantics<subcore_parallel>], iteration_bounds = array<i64: 2, 16>, scalar_prefetch = 0 : i64, scratch_operands = 4 : i64, tpu.core_type = #tpu.core_type<sc_vector_subcore>, window_params = [{transform_indices = #map}, {transform_indices = #map}]} {
    %mul3A = arith.constant 2 : i32
    %mul3A_0 = arith.muli %arg1, %mul3A : i32
    %add3A = arith.addi %mul3A_0, %arg0 : i32
    %mul3A_1 = arith.constant 3120 : i32
    %mul3A_2 = arith.muli %add3A, %mul3A_1 : i32
    %dma_start3A = arith.constant 0 : i32
    %dma_start3A_3 = tpu.memref_slice %arg2[%mul3A_2, %dma_start3A] : memref<100000x1024xf32, #tpu.memory_space<hbm>> -> memref<40x1024xf32, #tpu.memory_space<hbm>>
    %dma_start3A_4 = arith.constant 0 : i32
    %dma_start3A_5 = tpu.memref_slice %arg2[%mul3A_2, %dma_start3A_4] : memref<100000x1024xf32, #tpu.memory_space<hbm>> -> memref<40x1024xf32, #tpu.memory_space<hbm>>
    tpu.enqueue_dma source(%dma_start3A_5 : memref<40x1024xf32, #tpu.memory_space<hbm>>) target(%arg4 : memref<40x1024xf32, #tpu.memory_space<vmem>>) target_semaphore(%arg6 : memref<!tpu.dma_semaphore, #tpu.memory_space<semaphore_mem>>)
    %add3A_6 = arith.constant 40 : i32
    %add3A_7 = arith.addi %mul3A_2, %add3A_6 : i32
    %dma_start3A_8 = arith.constant 0 : i32
    %dma_start3A_9 = tpu.memref_slice %arg2[%add3A_7, %dma_start3A_8] : memref<100000x1024xf32, #tpu.memory_space<hbm>> -> memref<40x1024xf32, #tpu.memory_space<hbm>>
    %dma_start3A_10 = arith.constant 0 : i32
    %dma_start3A_11 = tpu.memref_slice %arg2[%add3A_7, %dma_start3A_10] : memref<100000x1024xf32, #tpu.memory_space<hbm>> -> memref<40x1024xf32, #tpu.memory_space<hbm>>
    tpu.enqueue_dma source(%dma_start3A_11 : memref<40x1024xf32, #tpu.memory_space<hbm>>) target(%arg5 : memref<40x1024xf32, #tpu.memory_space<vmem>>) target_semaphore(%arg7 : memref<!tpu.dma_semaphore, #tpu.memory_space<semaphore_mem>>)
    %dma_wait3A = arith.constant 0 : i32
    %dma_wait3A_12 = tpu.memref_slice %arg2[%mul3A_2, %dma_wait3A] : memref<100000x1024xf32, #tpu.memory_space<hbm>> -> memref<40x1024xf32, #tpu.memory_space<hbm>>
    %dma_wait3A_13 = arith.constant 0 : i32
    %dma_wait3A_14 = tpu.memref_slice %arg2[%mul3A_2, %dma_wait3A_13] : memref<100000x1024xf32, #tpu.memory_space<hbm>> -> memref<40x1024xf32, #tpu.memory_space<hbm>>
    tpu.wait_dma2 semaphore(%arg6 : memref<!tpu.dma_semaphore, #tpu.memory_space<semaphore_mem>>) src(%dma_wait3A_14 : memref<40x1024xf32, #tpu.memory_space<hbm>>) dst(%arg4 : memref<40x1024xf32, #tpu.memory_space<vmem>>)
    %add3A_15 = arith.constant 80 : i32
    %add3A_16 = arith.addi %mul3A_2, %add3A_15 : i32
    %dma_start3A_17 = arith.constant 0 : i32
    %dma_start3A_18 = tpu.memref_slice %arg2[%add3A_16, %dma_start3A_17] : memref<100000x1024xf32, #tpu.memory_space<hbm>> -> memref<40x1024xf32, #tpu.memory_space<hbm>>
    %dma_start3A_19 = arith.constant 0 : i32
    %dma_start3A_20 = tpu.memref_slice %arg2[%add3A_16, %dma_start3A_19] : memref<100000x1024xf32, #tpu.memory_space<hbm>> -> memref<40x1024xf32, #tpu.memory_space<hbm>>
    tpu.enqueue_dma source(%dma_start3A_20 : memref<40x1024xf32, #tpu.memory_space<hbm>>) target(%arg4 : memref<40x1024xf32, #tpu.memory_space<vmem>>) target_semaphore(%arg6 : memref<!tpu.dma_semaphore, #tpu.memory_space<semaphore_mem>>)
    %dma_wait3A_21 = arith.constant 0 : i32
    %dma_wait3A_22 = tpu.memref_slice %arg2[%add3A_7, %dma_wait3A_21] : memref<100000x1024xf32, #tpu.memory_space<hbm>> -> memref<40x1024xf32, #tpu.memory_space<hbm>>
    %dma_wait3A_23 = arith.constant 0 : i32
    %dma_wait3A_24 = tpu.memref_slice %arg2[%add3A_7, %dma_wait3A_23] : memref<100000x1024xf32, #tpu.memory_space<hbm>> -> memref<40x1024xf32, #tpu.memory_space<hbm>>
    tpu.wait_dma2 semaphore(%arg7 : memref<!tpu.dma_semaphore, #tpu.memory_space<semaphore_mem>>) src(%dma_wait3A_24 : memref<40x1024xf32, #tpu.memory_space<hbm>>) dst(%arg5 : memref<40x1024xf32, #tpu.memory_space<vmem>>)
    %add3A_25 = arith.constant 120 : i32
    %add3A_26 = arith.addi %mul3A_2, %add3A_25 : i32
    %dma_start3A_27 = arith.constant 0 : i32
    %dma_start3A_28 = tpu.memref_slice %arg2[%add3A_26, %dma_start3A_27] : memref<100000x1024xf32, #tpu.memory_space<hbm>> -> memref<40x1024xf32, #tpu.memory_space<hbm>>
    %dma_start3A_29 = arith.constant 0 : i32
    %dma_start3A_30 = tpu.memref_slice %arg2[%add3A_26, %dma_start3A_29] : memref<100000x1024xf32, #tpu.memory_space<hbm>> -> memref<40x1024xf32, #tpu.memory_space<hbm>>
    tpu.enqueue_dma source(%dma_start3A_30 : memref<40x1024xf32, #tpu.memory_space<hbm>>) target(%arg5 : memref<40x1024xf32, #tpu.memory_space<vmem>>) target_semaphore(%arg7 : memref<!tpu.dma_semaphore, #tpu.memory_space<semaphore_mem>>)
    %dma_wait3A_31 = arith.constant 0 : i32
    %dma_wait3A_32 = tpu.memref_slice %arg2[%add3A_16, %dma_wait3A_31] : memref<100000x1024xf32, #tpu.memory_space<hbm>> -> memref<40x1024xf32, #tpu.memory_space<hbm>>
    %dma_wait3A_33 = arith.constant 0 : i32
    %dma_wait3A_34 = tpu.memref_slice %arg2[%add3A_16, %dma_wait3A_33] : memref<100000x1024xf32, #tpu.memory_space<hbm>> -> memref<40x1024xf32, #tpu.memory_space<hbm>>
    tpu.wait_dma2 semaphore(%arg6 : memref<!tpu.dma_semaphore, #tpu.memory_space<semaphore_mem>>) src(%dma_wait3A_34 : memref<40x1024xf32, #tpu.memory_space<hbm>>) dst(%arg4 : memref<40x1024xf32, #tpu.memory_space<vmem>>)
    %add3A_35 = arith.constant 160 : i32
    %add3A_36 = arith.addi %mul3A_2, %add3A_35 : i32
    %dma_start3A_37 = arith.constant 0 : i32
    %dma_start3A_38 = tpu.memref_slice %arg2[%add3A_36, %dma_start3A_37] : memref<100000x1024xf32, #tpu.memory_space<hbm>> -> memref<40x1024xf32, #tpu.memory_space<hbm>>
    %dma_start3A_39 = arith.constant 0 : i32
    %dma_start3A_40 = tpu.memref_slice %arg2[%add3A_36, %dma_start3A_39] : memref<100000x1024xf32, #tpu.memory_space<hbm>> -> memref<40x1024xf32, #tpu.memory_space<hbm>>
    tpu.enqueue_dma source(%dma_start3A_40 : memref<40x1024xf32, #tpu.memory_space<hbm>>) target(%arg4 : memref<40x1024xf32, #tpu.memory_space<vmem>>) target_semaphore(%arg6 : memref<!tpu.dma_semaphore, #tpu.memory_space<semaphore_mem>>)
    %dma_wait3A_41 = arith.constant 0 : i32
    %dma_wait3A_42 = tpu.memref_slice %arg2[%add3A_26, %dma_wait3A_41] : memref<100000x1024xf32, #tpu.memory_space<hbm>> -> memref<40x1024xf32, #tpu.memory_space<hbm>>
    %dma_wait3A_43 = arith.constant 0 : i32
    %dma_wait3A_44 = tpu.memref_slice %arg2[%add3A_26, %dma_wait3A_43] : memref<100000x1024xf32, #tpu.memory_space<hbm>> -> memref<40x1024xf32, #tpu.memory_space<hbm>>
    tpu.wait_dma2 semaphore(%arg7 : memref<!tpu.dma_semaphore, #tpu.memory_space<semaphore_mem>>) src(%dma_wait3A_44 : memref<40x1024xf32, #tpu.memory_space<hbm>>) dst(%arg5 : memref<40x1024xf32, #tpu.memory_space<vmem>>)
    %add3A_45 = arith.constant 200 : i32
    %add3A_46 = arith.addi %mul3A_2, %add3A_45 : i32
    %dma_start3A_47 = arith.constant 0 : i32
    %dma_start3A_48 = tpu.memref_slice %arg2[%add3A_46, %dma_start3A_47] : memref<100000x1024xf32, #tpu.memory_space<hbm>> -> memref<40x1024xf32, #tpu.memory_space<hbm>>
    %dma_start3A_49 = arith.constant 0 : i32
    %dma_start3A_50 = tpu.memref_slice %arg2[%add3A_46, %dma_start3A_49] : memref<100000x1024xf32, #tpu.memory_space<hbm>> -> memref<40x1024xf32, #tpu.memory_space<hbm>>
    tpu.enqueue_dma source(%dma_start3A_50 : memref<40x1024xf32, #tpu.memory_space<hbm>>) target(%arg5 : memref<40x1024xf32, #tpu.memory_space<vmem>>) target_semaphore(%arg7 : memref<!tpu.dma_semaphore, #tpu.memory_space<semaphore_mem>>)
    %dma_wait3A_51 = arith.constant 0 : i32
    %dma_wait3A_52 = tpu.memref_slice %arg2[%add3A_36, %dma_wait3A_51] : memref<100000x1024xf32, #tpu.memory_space<hbm>> -> memref<40x1024xf32, #tpu.memory_space<hbm>>
    %dma_wait3A_53 = arith.constant 0 : i32
    %dma_wait3A_54 = tpu.memref_slice %arg2[%add3A_36, %dma_wait3A_53] : memref<100000x1024xf32, #tpu.memory_space<hbm>> -> memref<40x1024xf32, #tpu.memory_space<hbm>>
    tpu.wait_dma2 semaphore(%arg6 : memref<!tpu.dma_semaphore, #tpu.memory_space<semaphore_mem>>) src(%dma_wait3A_54 : memref<40x1024xf32, #tpu.memory_space<hbm>>) dst(%arg4 : memref<40x1024xf32, #tpu.memory_space<vmem>>)
    %add3A_55 = arith.constant 240 : i32
    %add3A_56 = arith.addi %mul3A_2, %add3A_55 : i32
    %dma_start3A_57 = arith.constant 0 : i32
    %dma_start3A_58 = tpu.memref_slice %arg2[%add3A_56, %dma_start3A_57] : memref<100000x1024xf32, #tpu.memory_space<hbm>> -> memref<40x1024xf32, #tpu.memory_space<hbm>>
    %dma_start3A_59 = arith.constant 0 : i32
    %dma_start3A_60 = tpu.memref_slice %arg2[%add3A_56, %dma_start3A_59] : memref<100000x1024xf32, #tpu.memory_space<hbm>> -> memref<40x1024xf32, #tpu.memory_space<hbm>>
    tpu.enqueue_dma source(%dma_start3A_60 : memref<40x1024xf32, #tpu.memory_space<hbm>>) target(%arg4 : memref<40x1024xf32, #tpu.memory_space<vmem>>) target_semaphore(%arg6 : memref<!tpu.dma_semaphore, #tpu.memory_space<semaphore_mem>>)
    %dma_wait3A_61 = arith.constant 0 : i32
    %dma_wait3A_62 = tpu.memref_slice %arg2[%add3A_46, %dma_wait3A_61] : memref<100000x1024xf32, #tpu.memory_space<hbm>> -> memref<40x1024xf32, #tpu.memory_space<hbm>>
    %dma_wait3A_63 = arith.constant 0 : i32
    %dma_wait3A_64 = tpu.memref_slice %arg2[%add3A_46, %dma_wait3A_63] : memref<100000x1024xf32, #tpu.memory_space<hbm>> -> memref<40x1024xf32, #tpu.memory_space<hbm>>
    tpu.wait_dma2 semaphore(%arg7 : memref<!tpu.dma_semaphore, #tpu.memory_space<semaphore_mem>>) src(%dma_wait3A_64 : memref<40x1024xf32, #tpu.memory_space<hbm>>) dst(%arg5 : memref<40x1024xf32, #tpu.memory_space<vmem>>)
    %add3A_65 = arith.constant 280 : i32
    %add3A_66 = arith.addi %mul3A_2, %add3A_65 : i32
    %dma_start3A_67 = arith.constant 0 : i32
    %dma_start3A_68 = tpu.memref_slice %arg2[%add3A_66, %dma_start3A_67] : memref<100000x1024xf32, #tpu.memory_space<hbm>> -> memref<40x1024xf32, #tpu.memory_space<hbm>>
    %dma_start3A_69 = arith.constant 0 : i32
    %dma_start3A_70 = tpu.memref_slice %arg2[%add3A_66, %dma_start3A_69] : memref<100000x1024xf32, #tpu.memory_space<hbm>> -> memref<40x1024xf32, #tpu.memory_space<hbm>>
    tpu.enqueue_dma source(%dma_start3A_70 : memref<40x1024xf32, #tpu.memory_space<hbm>>) target(%arg5 : memref<40x1024xf32, #tpu.memory_space<vmem>>) target_semaphore(%arg7 : memref<!tpu.dma_semaphore, #tpu.memory_space<semaphore_mem>>)
    %dma_wait3A_71 = arith.constant 0 : i32
    %dma_wait3A_72 = tpu.memref_slice %arg2[%add3A_56, %dma_wait3A_71] : memref<100000x1024xf32, #tpu.memory_space<hbm>> -> memref<40x1024xf32, #tpu.memory_space<hbm>>
    %dma_wait3A_73 = arith.constant 0 : i32
    %dma_wait3A_74 = tpu.memref_slice %arg2[%add3A_56, %dma_wait3A_73] : memref<100000x1024xf32, #tpu.memory_space<hbm>> -> memref<40x1024xf32, #tpu.memory_space<hbm>>
    tpu.wait_dma2 semaphore(%arg6 : memref<!tpu.dma_semaphore, #tpu.memory_space<semaphore_mem>>) src(%dma_wait3A_74 : memref<40x1024xf32, #tpu.memory_space<hbm>>) dst(%arg4 : memref<40x1024xf32, #tpu.memory_space<vmem>>)
    %add3A_75 = arith.constant 320 : i32
    %add3A_76 = arith.addi %mul3A_2, %add3A_75 : i32
    %dma_start3A_77 = arith.constant 0 : i32
    %dma_start3A_78 = tpu.memref_slice %arg2[%add3A_76, %dma_start3A_77] : memref<100000x1024xf32, #tpu.memory_space<hbm>> -> memref<40x1024xf32, #tpu.memory_space<hbm>>
    %dma_start3A_79 = arith.constant 0 : i32
    %dma_start3A_80 = tpu.memref_slice %arg2[%add3A_76, %dma_start3A_79] : memref<100000x1024xf32, #tpu.memory_space<hbm>> -> memref<40x1024xf32, #tpu.memory_space<hbm>>
    tpu.enqueue_dma source(%dma_start3A_80 : memref<40x1024xf32, #tpu.memory_space<hbm>>) target(%arg4 : memref<40x1024xf32, #tpu.memory_space<vmem>>) target_semaphore(%arg6 : memref<!tpu.dma_semaphore, #tpu.memory_space<semaphore_mem>>)
    %dma_wait3A_81 = arith.constant 0 : i32
    %dma_wait3A_82 = tpu.memref_slice %arg2[%add3A_66, %dma_wait3A_81] : memref<100000x1024xf32, #tpu.memory_space<hbm>> -> memref<40x1024xf32, #tpu.memory_space<hbm>>
    %dma_wait3A_83 = arith.constant 0 : i32
    %dma_wait3A_84 = tpu.memref_slice %arg2[%add3A_66, %dma_wait3A_83] : memref<100000x1024xf32, #tpu.memory_space<hbm>> -> memref<40x1024xf32, #tpu.memory_space<hbm>>
    tpu.wait_dma2 semaphore(%arg7 : memref<!tpu.dma_semaphore, #tpu.memory_space<semaphore_mem>>) src(%dma_wait3A_84 : memref<40x1024xf32, #tpu.memory_space<hbm>>) dst(%arg5 : memref<40x1024xf32, #tpu.memory_space<vmem>>)
    %add3A_85 = arith.constant 360 : i32
    %add3A_86 = arith.addi %mul3A_2, %add3A_85 : i32
    %dma_start3A_87 = arith.constant 0 : i32
    %dma_start3A_88 = tpu.memref_slice %arg2[%add3A_86, %dma_start3A_87] : memref<100000x1024xf32, #tpu.memory_space<hbm>> -> memref<40x1024xf32, #tpu.memory_space<hbm>>
    %dma_start3A_89 = arith.constant 0 : i32
    %dma_start3A_90 = tpu.memref_slice %arg2[%add3A_86, %dma_start3A_89] : memref<100000x1024xf32, #tpu.memory_space<hbm>> -> memref<40x1024xf32, #tpu.memory_space<hbm>>
    tpu.enqueue_dma source(%dma_start3A_90 : memref<40x1024xf32, #tpu.memory_space<hbm>>) target(%arg5 : memref<40x1024xf32, #tpu.memory_space<vmem>>) target_semaphore(%arg7 : memref<!tpu.dma_semaphore, #tpu.memory_space<semaphore_mem>>)
    %dma_wait3A_91 = arith.constant 0 : i32
    %dma_wait3A_92 = tpu.memref_slice %arg2[%add3A_76, %dma_wait3A_91] : memref<100000x1024xf32, #tpu.memory_space<hbm>> -> memref<40x1024xf32, #tpu.memory_space<hbm>>
    %dma_wait3A_93 = arith.constant 0 : i32
    %dma_wait3A_94 = tpu.memref_slice %arg2[%add3A_76, %dma_wait3A_93] : memref<100000x1024xf32, #tpu.memory_space<hbm>> -> memref<40x1024xf32, #tpu.memory_space<hbm>>
    tpu.wait_dma2 semaphore(%arg6 : memref<!tpu.dma_semaphore, #tpu.memory_space<semaphore_mem>>) src(%dma_wait3A_94 : memref<40x1024xf32, #tpu.memory_space<hbm>>) dst(%arg4 : memref<40x1024xf32, #tpu.memory_space<vmem>>)
    %add3A_95 = arith.constant 400 : i32
    %add3A_96 = arith.addi %mul3A_2, %add3A_95 : i32
    %dma_start3A_97 = arith.constant 0 : i32
    %dma_start3A_98 = tpu.memref_slice %arg2[%add3A_96, %dma_start3A_97] : memref<100000x1024xf32, #tpu.memory_space<hbm>> -> memref<40x1024xf32, #tpu.memory_space<hbm>>
    %dma_start3A_99 = arith.constant 0 : i32
    %dma_start3A_100 = tpu.memref_slice %arg2[%add3A_96, %dma_start3A_99] : memref<100000x1024xf32, #tpu.memory_space<hbm>> -> memref<40x1024xf32, #tpu.memory_space<hbm>>
    tpu.enqueue_dma source(%dma_start3A_100 : memref<40x1024xf32, #tpu.memory_space<hbm>>) target(%arg4 : memref<40x1024xf32, #tpu.memory_space<vmem>>) target_semaphore(%arg6 : memref<!tpu.dma_semaphore, #tpu.memory_space<semaphore_mem>>)
    %dma_wait3A_101 = arith.constant 0 : i32
    %dma_wait3A_102 = tpu.memref_slice %arg2[%add3A_86, %dma_wait3A_101] : memref<100000x1024xf32, #tpu.memory_space<hbm>> -> memref<40x1024xf32, #tpu.memory_space<hbm>>
    %dma_wait3A_103 = arith.constant 0 : i32
    %dma_wait3A_104 = tpu.memref_slice %arg2[%add3A_86, %dma_wait3A_103] : memref<100000x1024xf32, #tpu.memory_space<hbm>> -> memref<40x1024xf32, #tpu.memory_space<hbm>>
    tpu.wait_dma2 semaphore(%arg7 : memref<!tpu.dma_semaphore, #tpu.memory_space<semaphore_mem>>) src(%dma_wait3A_104 : memref<40x1024xf32, #tpu.memory_space<hbm>>) dst(%arg5 : memref<40x1024xf32, #tpu.memory_space<vmem>>)
    %add3A_105 = arith.constant 440 : i32
    %add3A_106 = arith.addi %mul3A_2, %add3A_105 : i32
    %dma_start3A_107 = arith.constant 0 : i32
    %dma_start3A_108 = tpu.memref_slice %arg2[%add3A_106, %dma_start3A_107] : memref<100000x1024xf32, #tpu.memory_space<hbm>> -> memref<40x1024xf32, #tpu.memory_space<hbm>>
    %dma_start3A_109 = arith.constant 0 : i32
    %dma_start3A_110 = tpu.memref_slice %arg2[%add3A_106, %dma_start3A_109] : memref<100000x1024xf32, #tpu.memory_space<hbm>> -> memref<40x1024xf32, #tpu.memory_space<hbm>>
    tpu.enqueue_dma source(%dma_start3A_110 : memref<40x1024xf32, #tpu.memory_space<hbm>>) target(%arg5 : memref<40x1024xf32, #tpu.memory_space<vmem>>) target_semaphore(%arg7 : memref<!tpu.dma_semaphore, #tpu.memory_space<semaphore_mem>>)
    %dma_wait3A_111 = arith.constant 0 : i32
    %dma_wait3A_112 = tpu.memref_slice %arg2[%add3A_96, %dma_wait3A_111] : memref<100000x1024xf32, #tpu.memory_space<hbm>> -> memref<40x1024xf32, #tpu.memory_space<hbm>>
    %dma_wait3A_113 = arith.constant 0 : i32
    %dma_wait3A_114 = tpu.memref_slice %arg2[%add3A_96, %dma_wait3A_113] : memref<100000x1024xf32, #tpu.memory_space<hbm>> -> memref<40x1024xf32, #tpu.memory_space<hbm>>
    tpu.wait_dma2 semaphore(%arg6 : memref<!tpu.dma_semaphore, #tpu.memory_space<semaphore_mem>>) src(%dma_wait3A_114 : memref<40x1024xf32, #tpu.memory_space<hbm>>) dst(%arg4 : memref<40x1024xf32, #tpu.memory_space<vmem>>)
    %add3A_115 = arith.constant 480 : i32
    %add3A_116 = arith.addi %mul3A_2, %add3A_115 : i32
    %dma_start3A_117 = arith.constant 0 : i32
    %dma_start3A_118 = tpu.memref_slice %arg2[%add3A_116, %dma_start3A_117] : memref<100000x1024xf32, #tpu.memory_space<hbm>> -> memref<40x1024xf32, #tpu.memory_space<hbm>>
    %dma_start3A_119 = arith.constant 0 : i32
    %dma_start3A_120 = tpu.memref_slice %arg2[%add3A_116, %dma_start3A_119] : memref<100000x1024xf32, #tpu.memory_space<hbm>> -> memref<40x1024xf32, #tpu.memory_space<hbm>>
    tpu.enqueue_dma source(%dma_start3A_120 : memref<40x1024xf32, #tpu.memory_space<hbm>>) target(%arg4 : memref<40x1024xf32, #tpu.memory_space<vmem>>) target_semaphore(%arg6 : memref<!tpu.dma_semaphore, #tpu.memory_space<semaphore_mem>>)
    %dma_wait3A_121 = arith.constant 0 : i32
    %dma_wait3A_122 = tpu.memref_slice %arg2[%add3A_106, %dma_wait3A_121] : memref<100000x1024xf32, #tpu.memory_space<hbm>> -> memref<40x1024xf32, #tpu.memory_space<hbm>>
    %dma_wait3A_123 = arith.constant 0 : i32
    %dma_wait3A_124 = tpu.memref_slice %arg2[%add3A_106, %dma_wait3A_123] : memref<100000x1024xf32, #tpu.memory_space<hbm>> -> memref<40x1024xf32, #tpu.memory_space<hbm>>
    tpu.wait_dma2 semaphore(%arg7 : memref<!tpu.dma_semaphore, #tpu.memory_space<semaphore_mem>>) src(%dma_wait3A_124 : memref<40x1024xf32, #tpu.memory_space<hbm>>) dst(%arg5 : memref<40x1024xf32, #tpu.memory_space<vmem>>)
    %add3A_125 = arith.constant 520 : i32
    %add3A_126 = arith.addi %mul3A_2, %add3A_125 : i32
    %dma_start3A_127 = arith.constant 0 : i32
    %dma_start3A_128 = tpu.memref_slice %arg2[%add3A_126, %dma_start3A_127] : memref<100000x1024xf32, #tpu.memory_space<hbm>> -> memref<40x1024xf32, #tpu.memory_space<hbm>>
    %dma_start3A_129 = arith.constant 0 : i32
    %dma_start3A_130 = tpu.memref_slice %arg2[%add3A_126, %dma_start3A_129] : memref<100000x1024xf32, #tpu.memory_space<hbm>> -> memref<40x1024xf32, #tpu.memory_space<hbm>>
    tpu.enqueue_dma source(%dma_start3A_130 : memref<40x1024xf32, #tpu.memory_space<hbm>>) target(%arg5 : memref<40x1024xf32, #tpu.memory_space<vmem>>) target_semaphore(%arg7 : memref<!tpu.dma_semaphore, #tpu.memory_space<semaphore_mem>>)
    %dma_wait3A_131 = arith.constant 0 : i32
    %dma_wait3A_132 = tpu.memref_slice %arg2[%add3A_116, %dma_wait3A_131] : memref<100000x1024xf32, #tpu.memory_space<hbm>> -> memref<40x1024xf32, #tpu.memory_space<hbm>>
    %dma_wait3A_133 = arith.constant 0 : i32
    %dma_wait3A_134 = tpu.memref_slice %arg2[%add3A_116, %dma_wait3A_133] : memref<100000x1024xf32, #tpu.memory_space<hbm>> -> memref<40x1024xf32, #tpu.memory_space<hbm>>
    tpu.wait_dma2 semaphore(%arg6 : memref<!tpu.dma_semaphore, #tpu.memory_space<semaphore_mem>>) src(%dma_wait3A_134 : memref<40x1024xf32, #tpu.memory_space<hbm>>) dst(%arg4 : memref<40x1024xf32, #tpu.memory_space<vmem>>)
    %add3A_135 = arith.constant 560 : i32
    %add3A_136 = arith.addi %mul3A_2, %add3A_135 : i32
    %dma_start3A_137 = arith.constant 0 : i32
    %dma_start3A_138 = tpu.memref_slice %arg2[%add3A_136, %dma_start3A_137] : memref<100000x1024xf32, #tpu.memory_space<hbm>> -> memref<40x1024xf32, #tpu.memory_space<hbm>>
    %dma_start3A_139 = arith.constant 0 : i32
    %dma_start3A_140 = tpu.memref_slice %arg2[%add3A_136, %dma_start3A_139] : memref<100000x1024xf32, #tpu.memory_space<hbm>> -> memref<40x1024xf32, #tpu.memory_space<hbm>>
    tpu.enqueue_dma source(%dma_start3A_140 : memref<40x1024xf32, #tpu.memory_space<hbm>>) target(%arg4 : memref<40x1024xf32, #tpu.memory_space<vmem>>) target_semaphore(%arg6 : memref<!tpu.dma_semaphore, #tpu.memory_space<semaphore_mem>>)
    %dma_wait3A_141 = arith.constant 0 : i32
    %dma_wait3A_142 = tpu.memref_slice %arg2[%add3A_126, %dma_wait3A_141] : memref<100000x1024xf32, #tpu.memory_space<hbm>> -> memref<40x1024xf32, #tpu.memory_space<hbm>>
    %dma_wait3A_143 = arith.constant 0 : i32
    %dma_wait3A_144 = tpu.memref_slice %arg2[%add3A_126, %dma_wait3A_143] : memref<100000x1024xf32, #tpu.memory_space<hbm>> -> memref<40x1024xf32, #tpu.memory_space<hbm>>
    tpu.wait_dma2 semaphore(%arg7 : memref<!tpu.dma_semaphore, #tpu.memory_space<semaphore_mem>>) src(%dma_wait3A_144 : memref<40x1024xf32, #tpu.memory_space<hbm>>) dst(%arg5 : memref<40x1024xf32, #tpu.memory_space<vmem>>)
    %add3A_145 = arith.constant 600 : i32
    %add3A_146 = arith.addi %mul3A_2, %add3A_145 : i32
    %dma_start3A_147 = arith.constant 0 : i32
    %dma_start3A_148 = tpu.memref_slice %arg2[%add3A_146, %dma_start3A_147] : memref<100000x1024xf32, #tpu.memory_space<hbm>> -> memref<40x1024xf32, #tpu.memory_space<hbm>>
    %dma_start3A_149 = arith.constant 0 : i32
    %dma_start3A_150 = tpu.memref_slice %arg2[%add3A_146, %dma_start3A_149] : memref<100000x1024xf32, #tpu.memory_space<hbm>> -> memref<40x1024xf32, #tpu.memory_space<hbm>>
    tpu.enqueue_dma source(%dma_start3A_150 : memref<40x1024xf32, #tpu.memory_space<hbm>>) target(%arg5 : memref<40x1024xf32, #tpu.memory_space<vmem>>) target_semaphore(%arg7 : memref<!tpu.dma_semaphore, #tpu.memory_space<semaphore_mem>>)
    %dma_wait3A_151 = arith.constant 0 : i32
    %dma_wait3A_152 = tpu.memref_slice %arg2[%add3A_136, %dma_wait3A_151] : memref<100000x1024xf32, #tpu.memory_space<hbm>> -> memref<40x1024xf32, #tpu.memory_space<hbm>>
    %dma_wait3A_153 = arith.constant 0 : i32
    %dma_wait3A_154 = tpu.memref_slice %arg2[%add3A_136, %dma_wait3A_153] : memref<100000x1024xf32, #tpu.memory_space<hbm>> -> memref<40x1024xf32, #tpu.memory_space<hbm>>
    tpu.wait_dma2 semaphore(%arg6 : memref<!tpu.dma_semaphore, #tpu.memory_space<semaphore_mem>>) src(%dma_wait3A_154 : memref<40x1024xf32, #tpu.memory_space<hbm>>) dst(%arg4 : memref<40x1024xf32, #tpu.memory_space<vmem>>)
    %add3A_155 = arith.constant 640 : i32
    %add3A_156 = arith.addi %mul3A_2, %add3A_155 : i32
    %dma_start3A_157 = arith.constant 0 : i32
    %dma_start3A_158 = tpu.memref_slice %arg2[%add3A_156, %dma_start3A_157] : memref<100000x1024xf32, #tpu.memory_space<hbm>> -> memref<40x1024xf32, #tpu.memory_space<hbm>>
    %dma_start3A_159 = arith.constant 0 : i32
    %dma_start3A_160 = tpu.memref_slice %arg2[%add3A_156, %dma_start3A_159] : memref<100000x1024xf32, #tpu.memory_space<hbm>> -> memref<40x1024xf32, #tpu.memory_space<hbm>>
    tpu.enqueue_dma source(%dma_start3A_160 : memref<40x1024xf32, #tpu.memory_space<hbm>>) target(%arg4 : memref<40x1024xf32, #tpu.memory_space<vmem>>) target_semaphore(%arg6 : memref<!tpu.dma_semaphore, #tpu.memory_space<semaphore_mem>>)
    %dma_wait3A_161 = arith.constant 0 : i32
    %dma_wait3A_162 = tpu.memref_slice %arg2[%add3A_146, %dma_wait3A_161] : memref<100000x1024xf32, #tpu.memory_space<hbm>> -> memref<40x1024xf32, #tpu.memory_space<hbm>>
    %dma_wait3A_163 = arith.constant 0 : i32
    %dma_wait3A_164 = tpu.memref_slice %arg2[%add3A_146, %dma_wait3A_163] : memref<100000x1024xf32, #tpu.memory_space<hbm>> -> memref<40x1024xf32, #tpu.memory_space<hbm>>
    tpu.wait_dma2 semaphore(%arg7 : memref<!tpu.dma_semaphore, #tpu.memory_space<semaphore_mem>>) src(%dma_wait3A_164 : memref<40x1024xf32, #tpu.memory_space<hbm>>) dst(%arg5 : memref<40x1024xf32, #tpu.memory_space<vmem>>)
    %add3A_165 = arith.constant 680 : i32
    %add3A_166 = arith.addi %mul3A_2, %add3A_165 : i32
    %dma_start3A_167 = arith.constant 0 : i32
    %dma_start3A_168 = tpu.memref_slice %arg2[%add3A_166, %dma_start3A_167] : memref<100000x1024xf32, #tpu.memory_space<hbm>> -> memref<40x1024xf32, #tpu.memory_space<hbm>>
    %dma_start3A_169 = arith.constant 0 : i32
    %dma_start3A_170 = tpu.memref_slice %arg2[%add3A_166, %dma_start3A_169] : memref<100000x1024xf32, #tpu.memory_space<hbm>> -> memref<40x1024xf32, #tpu.memory_space<hbm>>
    tpu.enqueue_dma source(%dma_start3A_170 : memref<40x1024xf32, #tpu.memory_space<hbm>>) target(%arg5 : memref<40x1024xf32, #tpu.memory_space<vmem>>) target_semaphore(%arg7 : memref<!tpu.dma_semaphore, #tpu.memory_space<semaphore_mem>>)
    %dma_wait3A_171 = arith.constant 0 : i32
    %dma_wait3A_172 = tpu.memref_slice %arg2[%add3A_156, %dma_wait3A_171] : memref<100000x1024xf32, #tpu.memory_space<hbm>> -> memref<40x1024xf32, #tpu.memory_space<hbm>>
    %dma_wait3A_173 = arith.constant 0 : i32
    %dma_wait3A_174 = tpu.memref_slice %arg2[%add3A_156, %dma_wait3A_173] : memref<100000x1024xf32, #tpu.memory_space<hbm>> -> memref<40x1024xf32, #tpu.memory_space<hbm>>
    tpu.wait_dma2 semaphore(%arg6 : memref<!tpu.dma_semaphore, #tpu.memory_space<semaphore_mem>>) src(%dma_wait3A_174 : memref<40x1024xf32, #tpu.memory_space<hbm>>) dst(%arg4 : memref<40x1024xf32, #tpu.memory_space<vmem>>)
    %add3A_175 = arith.constant 720 : i32
    %add3A_176 = arith.addi %mul3A_2, %add3A_175 : i32
    %dma_start3A_177 = arith.constant 0 : i32
    %dma_start3A_178 = tpu.memref_slice %arg2[%add3A_176, %dma_start3A_177] : memref<100000x1024xf32, #tpu.memory_space<hbm>> -> memref<40x1024xf32, #tpu.memory_space<hbm>>
    %dma_start3A_179 = arith.constant 0 : i32
    %dma_start3A_180 = tpu.memref_slice %arg2[%add3A_176, %dma_start3A_179] : memref<100000x1024xf32, #tpu.memory_space<hbm>> -> memref<40x1024xf32, #tpu.memory_space<hbm>>
    tpu.enqueue_dma source(%dma_start3A_180 : memref<40x1024xf32, #tpu.memory_space<hbm>>) target(%arg4 : memref<40x1024xf32, #tpu.memory_space<vmem>>) target_semaphore(%arg6 : memref<!tpu.dma_semaphore, #tpu.memory_space<semaphore_mem>>)
    %dma_wait3A_181 = arith.constant 0 : i32
    %dma_wait3A_182 = tpu.memref_slice %arg2[%add3A_166, %dma_wait3A_181] : memref<100000x1024xf32, #tpu.memory_space<hbm>> -> memref<40x1024xf32, #tpu.memory_space<hbm>>
    %dma_wait3A_183 = arith.constant 0 : i32
    %dma_wait3A_184 = tpu.memref_slice %arg2[%add3A_166, %dma_wait3A_183] : memref<100000x1024xf32, #tpu.memory_space<hbm>> -> memref<40x1024xf32, #tpu.memory_space<hbm>>
    tpu.wait_dma2 semaphore(%arg7 : memref<!tpu.dma_semaphore, #tpu.memory_space<semaphore_mem>>) src(%dma_wait3A_184 : memref<40x1024xf32, #tpu.memory_space<hbm>>) dst(%arg5 : memref<40x1024xf32, #tpu.memory_space<vmem>>)
    %add3A_185 = arith.constant 760 : i32
    %add3A_186 = arith.addi %mul3A_2, %add3A_185 : i32
    %dma_start3A_187 = arith.constant 0 : i32
    %dma_start3A_188 = tpu.memref_slice %arg2[%add3A_186, %dma_start3A_187] : memref<100000x1024xf32, #tpu.memory_space<hbm>> -> memref<40x1024xf32, #tpu.memory_space<hbm>>
    %dma_start3A_189 = arith.constant 0 : i32
    %dma_start3A_190 = tpu.memref_slice %arg2[%add3A_186, %dma_start3A_189] : memref<100000x1024xf32, #tpu.memory_space<hbm>> -> memref<40x1024xf32, #tpu.memory_space<hbm>>
    tpu.enqueue_dma source(%dma_start3A_190 : memref<40x1024xf32, #tpu.memory_space<hbm>>) target(%arg5 : memref<40x1024xf32, #tpu.memory_space<vmem>>) target_semaphore(%arg7 : memref<!tpu.dma_semaphore, #tpu.memory_space<semaphore_mem>>)
    %dma_wait3A_191 = arith.constant 0 : i32
    %dma_wait3A_192 = tpu.memref_slice %arg2[%add3A_176, %dma_wait3A_191] : memref<100000x1024xf32, #tpu.memory_space<hbm>> -> memref<40x1024xf32, #tpu.memory_space<hbm>>
    %dma_wait3A_193 = arith.constant 0 : i32
    %dma_wait3A_194 = tpu.memref_slice %arg2[%add3A_176, %dma_wait3A_193] : memref<100000x1024xf32, #tpu.memory_space<hbm>> -> memref<40x1024xf32, #tpu.memory_space<hbm>>
    tpu.wait_dma2 semaphore(%arg6 : memref<!tpu.dma_semaphore, #tpu.memory_space<semaphore_mem>>) src(%dma_wait3A_194 : memref<40x1024xf32, #tpu.memory_space<hbm>>) dst(%arg4 : memref<40x1024xf32, #tpu.memory_space<vmem>>)
    %add3A_195 = arith.constant 800 : i32
    %add3A_196 = arith.addi %mul3A_2, %add3A_195 : i32
    %dma_start3A_197 = arith.constant 0 : i32
    %dma_start3A_198 = tpu.memref_slice %arg2[%add3A_196, %dma_start3A_197] : memref<100000x1024xf32, #tpu.memory_space<hbm>> -> memref<40x1024xf32, #tpu.memory_space<hbm>>
    %dma_start3A_199 = arith.constant 0 : i32
    %dma_start3A_200 = tpu.memref_slice %arg2[%add3A_196, %dma_start3A_199] : memref<100000x1024xf32, #tpu.memory_space<hbm>> -> memref<40x1024xf32, #tpu.memory_space<hbm>>
    tpu.enqueue_dma source(%dma_start3A_200 : memref<40x1024xf32, #tpu.memory_space<hbm>>) target(%arg4 : memref<40x1024xf32, #tpu.memory_space<vmem>>) target_semaphore(%arg6 : memref<!tpu.dma_semaphore, #tpu.memory_space<semaphore_mem>>)
    %dma_wait3A_201 = arith.constant 0 : i32
    %dma_wait3A_202 = tpu.memref_slice %arg2[%add3A_186, %dma_wait3A_201] : memref<100000x1024xf32, #tpu.memory_space<hbm>> -> memref<40x1024xf32, #tpu.memory_space<hbm>>
    %dma_wait3A_203 = arith.constant 0 : i32
    %dma_wait3A_204 = tpu.memref_slice %arg2[%add3A_186, %dma_wait3A_203] : memref<100000x1024xf32, #tpu.memory_space<hbm>> -> memref<40x1024xf32, #tpu.memory_space<hbm>>
    tpu.wait_dma2 semaphore(%arg7 : memref<!tpu.dma_semaphore, #tpu.memory_space<semaphore_mem>>) src(%dma_wait3A_204 : memref<40x1024xf32, #tpu.memory_space<hbm>>) dst(%arg5 : memref<40x1024xf32, #tpu.memory_space<vmem>>)
    %add3A_205 = arith.constant 840 : i32
    %add3A_206 = arith.addi %mul3A_2, %add3A_205 : i32
    %dma_start3A_207 = arith.constant 0 : i32
    %dma_start3A_208 = tpu.memref_slice %arg2[%add3A_206, %dma_start3A_207] : memref<100000x1024xf32, #tpu.memory_space<hbm>> -> memref<40x1024xf32, #tpu.memory_space<hbm>>
    %dma_start3A_209 = arith.constant 0 : i32
    %dma_start3A_210 = tpu.memref_slice %arg2[%add3A_206, %dma_start3A_209] : memref<100000x1024xf32, #tpu.memory_space<hbm>> -> memref<40x1024xf32, #tpu.memory_space<hbm>>
    tpu.enqueue_dma source(%dma_start3A_210 : memref<40x1024xf32, #tpu.memory_space<hbm>>) target(%arg5 : memref<40x1024xf32, #tpu.memory_space<vmem>>) target_semaphore(%arg7 : memref<!tpu.dma_semaphore, #tpu.memory_space<semaphore_mem>>)
    %dma_wait3A_211 = arith.constant 0 : i32
    %dma_wait3A_212 = tpu.memref_slice %arg2[%add3A_196, %dma_wait3A_211] : memref<100000x1024xf32, #tpu.memory_space<hbm>> -> memref<40x1024xf32, #tpu.memory_space<hbm>>
    %dma_wait3A_213 = arith.constant 0 : i32
    %dma_wait3A_214 = tpu.memref_slice %arg2[%add3A_196, %dma_wait3A_213] : memref<100000x1024xf32, #tpu.memory_space<hbm>> -> memref<40x1024xf32, #tpu.memory_space<hbm>>
    tpu.wait_dma2 semaphore(%arg6 : memref<!tpu.dma_semaphore, #tpu.memory_space<semaphore_mem>>) src(%dma_wait3A_214 : memref<40x1024xf32, #tpu.memory_space<hbm>>) dst(%arg4 : memref<40x1024xf32, #tpu.memory_space<vmem>>)
    %add3A_215 = arith.constant 880 : i32
    %add3A_216 = arith.addi %mul3A_2, %add3A_215 : i32
    %dma_start3A_217 = arith.constant 0 : i32
    %dma_start3A_218 = tpu.memref_slice %arg2[%add3A_216, %dma_start3A_217] : memref<100000x1024xf32, #tpu.memory_space<hbm>> -> memref<40x1024xf32, #tpu.memory_space<hbm>>
    %dma_start3A_219 = arith.constant 0 : i32
    %dma_start3A_220 = tpu.memref_slice %arg2[%add3A_216, %dma_start3A_219] : memref<100000x1024xf32, #tpu.memory_space<hbm>> -> memref<40x1024xf32, #tpu.memory_space<hbm>>
    tpu.enqueue_dma source(%dma_start3A_220 : memref<40x1024xf32, #tpu.memory_space<hbm>>) target(%arg4 : memref<40x1024xf32, #tpu.memory_space<vmem>>) target_semaphore(%arg6 : memref<!tpu.dma_semaphore, #tpu.memory_space<semaphore_mem>>)
    %dma_wait3A_221 = arith.constant 0 : i32
    %dma_wait3A_222 = tpu.memref_slice %arg2[%add3A_206, %dma_wait3A_221] : memref<100000x1024xf32, #tpu.memory_space<hbm>> -> memref<40x1024xf32, #tpu.memory_space<hbm>>
    %dma_wait3A_223 = arith.constant 0 : i32
    %dma_wait3A_224 = tpu.memref_slice %arg2[%add3A_206, %dma_wait3A_223] : memref<100000x1024xf32, #tpu.memory_space<hbm>> -> memref<40x1024xf32, #tpu.memory_space<hbm>>
    tpu.wait_dma2 semaphore(%arg7 : memref<!tpu.dma_semaphore, #tpu.memory_space<semaphore_mem>>) src(%dma_wait3A_224 : memref<40x1024xf32, #tpu.memory_space<hbm>>) dst(%arg5 : memref<40x1024xf32, #tpu.memory_space<vmem>>)
    %add3A_225 = arith.constant 920 : i32
    %add3A_226 = arith.addi %mul3A_2, %add3A_225 : i32
    %dma_start3A_227 = arith.constant 0 : i32
    %dma_start3A_228 = tpu.memref_slice %arg2[%add3A_226, %dma_start3A_227] : memref<100000x1024xf32, #tpu.memory_space<hbm>> -> memref<40x1024xf32, #tpu.memory_space<hbm>>
    %dma_start3A_229 = arith.constant 0 : i32
    %dma_start3A_230 = tpu.memref_slice %arg2[%add3A_226, %dma_start3A_229] : memref<100000x1024xf32, #tpu.memory_space<hbm>> -> memref<40x1024xf32, #tpu.memory_space<hbm>>
    tpu.enqueue_dma source(%dma_start3A_230 : memref<40x1024xf32, #tpu.memory_space<hbm>>) target(%arg5 : memref<40x1024xf32, #tpu.memory_space<vmem>>) target_semaphore(%arg7 : memref<!tpu.dma_semaphore, #tpu.memory_space<semaphore_mem>>)
    %dma_wait3A_231 = arith.constant 0 : i32
    %dma_wait3A_232 = tpu.memref_slice %arg2[%add3A_216, %dma_wait3A_231] : memref<100000x1024xf32, #tpu.memory_space<hbm>> -> memref<40x1024xf32, #tpu.memory_space<hbm>>
    %dma_wait3A_233 = arith.constant 0 : i32
    %dma_wait3A_234 = tpu.memref_slice %arg2[%add3A_216, %dma_wait3A_233] : memref<100000x1024xf32, #tpu.memory_space<hbm>> -> memref<40x1024xf32, #tpu.memory_space<hbm>>
    tpu.wait_dma2 semaphore(%arg6 : memref<!tpu.dma_semaphore, #tpu.memory_space<semaphore_mem>>) src(%dma_wait3A_234 : memref<40x1024xf32, #tpu.memory_space<hbm>>) dst(%arg4 : memref<40x1024xf32, #tpu.memory_space<vmem>>)
    %add3A_235 = arith.constant 960 : i32
    %add3A_236 = arith.addi %mul3A_2, %add3A_235 : i32
    %dma_start3A_237 = arith.constant 0 : i32
    %dma_start3A_238 = tpu.memref_slice %arg2[%add3A_236, %dma_start3A_237] : memref<100000x1024xf32, #tpu.memory_space<hbm>> -> memref<40x1024xf32, #tpu.memory_space<hbm>>
    %dma_start3A_239 = arith.constant 0 : i32
    %dma_start3A_240 = tpu.memref_slice %arg2[%add3A_236, %dma_start3A_239] : memref<100000x1024xf32, #tpu.memory_space<hbm>> -> memref<40x1024xf32, #tpu.memory_space<hbm>>
    tpu.enqueue_dma source(%dma_start3A_240 : memref<40x1024xf32, #tpu.memory_space<hbm>>) target(%arg4 : memref<40x1024xf32, #tpu.memory_space<vmem>>) target_semaphore(%arg6 : memref<!tpu.dma_semaphore, #tpu.memory_space<semaphore_mem>>)
    %dma_wait3A_241 = arith.constant 0 : i32
    %dma_wait3A_242 = tpu.memref_slice %arg2[%add3A_226, %dma_wait3A_241] : memref<100000x1024xf32, #tpu.memory_space<hbm>> -> memref<40x1024xf32, #tpu.memory_space<hbm>>
    %dma_wait3A_243 = arith.constant 0 : i32
    %dma_wait3A_244 = tpu.memref_slice %arg2[%add3A_226, %dma_wait3A_243] : memref<100000x1024xf32, #tpu.memory_space<hbm>> -> memref<40x1024xf32, #tpu.memory_space<hbm>>
    tpu.wait_dma2 semaphore(%arg7 : memref<!tpu.dma_semaphore, #tpu.memory_space<semaphore_mem>>) src(%dma_wait3A_244 : memref<40x1024xf32, #tpu.memory_space<hbm>>) dst(%arg5 : memref<40x1024xf32, #tpu.memory_space<vmem>>)
    %add3A_245 = arith.constant 1000 : i32
    %add3A_246 = arith.addi %mul3A_2, %add3A_245 : i32
    %dma_start3A_247 = arith.constant 0 : i32
    %dma_start3A_248 = tpu.memref_slice %arg2[%add3A_246, %dma_start3A_247] : memref<100000x1024xf32, #tpu.memory_space<hbm>> -> memref<40x1024xf32, #tpu.memory_space<hbm>>
    %dma_start3A_249 = arith.constant 0 : i32
    %dma_start3A_250 = tpu.memref_slice %arg2[%add3A_246, %dma_start3A_249] : memref<100000x1024xf32, #tpu.memory_space<hbm>> -> memref<40x1024xf32, #tpu.memory_space<hbm>>
    tpu.enqueue_dma source(%dma_start3A_250 : memref<40x1024xf32, #tpu.memory_space<hbm>>) target(%arg5 : memref<40x1024xf32, #tpu.memory_space<vmem>>) target_semaphore(%arg7 : memref<!tpu.dma_semaphore, #tpu.memory_space<semaphore_mem>>)
    %dma_wait3A_251 = arith.constant 0 : i32
    %dma_wait3A_252 = tpu.memref_slice %arg2[%add3A_236, %dma_wait3A_251] : memref<100000x1024xf32, #tpu.memory_space<hbm>> -> memref<40x1024xf32, #tpu.memory_space<hbm>>
    %dma_wait3A_253 = arith.constant 0 : i32
    %dma_wait3A_254 = tpu.memref_slice %arg2[%add3A_236, %dma_wait3A_253] : memref<100000x1024xf32, #tpu.memory_space<hbm>> -> memref<40x1024xf32, #tpu.memory_space<hbm>>
    tpu.wait_dma2 semaphore(%arg6 : memref<!tpu.dma_semaphore, #tpu.memory_space<semaphore_mem>>) src(%dma_wait3A_254 : memref<40x1024xf32, #tpu.memory_space<hbm>>) dst(%arg4 : memref<40x1024xf32, #tpu.memory_space<vmem>>)
    %add3A_255 = arith.constant 1040 : i32
    %add3A_256 = arith.addi %mul3A_2, %add3A_255 : i32
    %dma_start3A_257 = arith.constant 0 : i32
    %dma_start3A_258 = tpu.memref_slice %arg2[%add3A_256, %dma_start3A_257] : memref<100000x1024xf32, #tpu.memory_space<hbm>> -> memref<40x1024xf32, #tpu.memory_space<hbm>>
    %dma_start3A_259 = arith.constant 0 : i32
    %dma_start3A_260 = tpu.memref_slice %arg2[%add3A_256, %dma_start3A_259] : memref<100000x1024xf32, #tpu.memory_space<hbm>> -> memref<40x1024xf32, #tpu.memory_space<hbm>>
    tpu.enqueue_dma source(%dma_start3A_260 : memref<40x1024xf32, #tpu.memory_space<hbm>>) target(%arg4 : memref<40x1024xf32, #tpu.memory_space<vmem>>) target_semaphore(%arg6 : memref<!tpu.dma_semaphore, #tpu.memory_space<semaphore_mem>>)
    %dma_wait3A_261 = arith.constant 0 : i32
    %dma_wait3A_262 = tpu.memref_slice %arg2[%add3A_246, %dma_wait3A_261] : memref<100000x1024xf32, #tpu.memory_space<hbm>> -> memref<40x1024xf32, #tpu.memory_space<hbm>>
    %dma_wait3A_263 = arith.constant 0 : i32
    %dma_wait3A_264 = tpu.memref_slice %arg2[%add3A_246, %dma_wait3A_263] : memref<100000x1024xf32, #tpu.memory_space<hbm>> -> memref<40x1024xf32, #tpu.memory_space<hbm>>
    tpu.wait_dma2 semaphore(%arg7 : memref<!tpu.dma_semaphore, #tpu.memory_space<semaphore_mem>>) src(%dma_wait3A_264 : memref<40x1024xf32, #tpu.memory_space<hbm>>) dst(%arg5 : memref<40x1024xf32, #tpu.memory_space<vmem>>)
    %add3A_265 = arith.constant 1080 : i32
    %add3A_266 = arith.addi %mul3A_2, %add3A_265 : i32
    %dma_start3A_267 = arith.constant 0 : i32
    %dma_start3A_268 = tpu.memref_slice %arg2[%add3A_266, %dma_start3A_267] : memref<100000x1024xf32, #tpu.memory_space<hbm>> -> memref<40x1024xf32, #tpu.memory_space<hbm>>
    %dma_start3A_269 = arith.constant 0 : i32
    %dma_start3A_270 = tpu.memref_slice %arg2[%add3A_266, %dma_start3A_269] : memref<100000x1024xf32, #tpu.memory_space<hbm>> -> memref<40x1024xf32, #tpu.memory_space<hbm>>
    tpu.enqueue_dma source(%dma_start3A_270 : memref<40x1024xf32, #tpu.memory_space<hbm>>) target(%arg5 : memref<40x1024xf32, #tpu.memory_space<vmem>>) target_semaphore(%arg7 : memref<!tpu.dma_semaphore, #tpu.memory_space<semaphore_mem>>)
    %dma_wait3A_271 = arith.constant 0 : i32
    %dma_wait3A_272 = tpu.memref_slice %arg2[%add3A_256, %dma_wait3A_271] : memref<100000x1024xf32, #tpu.memory_space<hbm>> -> memref<40x1024xf32, #tpu.memory_space<hbm>>
    %dma_wait3A_273 = arith.constant 0 : i32
    %dma_wait3A_274 = tpu.memref_slice %arg2[%add3A_256, %dma_wait3A_273] : memref<100000x1024xf32, #tpu.memory_space<hbm>> -> memref<40x1024xf32, #tpu.memory_space<hbm>>
    tpu.wait_dma2 semaphore(%arg6 : memref<!tpu.dma_semaphore, #tpu.memory_space<semaphore_mem>>) src(%dma_wait3A_274 : memref<40x1024xf32, #tpu.memory_space<hbm>>) dst(%arg4 : memref<40x1024xf32, #tpu.memory_space<vmem>>)
    %add3A_275 = arith.constant 1120 : i32
    %add3A_276 = arith.addi %mul3A_2, %add3A_275 : i32
    %dma_start3A_277 = arith.constant 0 : i32
    %dma_start3A_278 = tpu.memref_slice %arg2[%add3A_276, %dma_start3A_277] : memref<100000x1024xf32, #tpu.memory_space<hbm>> -> memref<40x1024xf32, #tpu.memory_space<hbm>>
    %dma_start3A_279 = arith.constant 0 : i32
    %dma_start3A_280 = tpu.memref_slice %arg2[%add3A_276, %dma_start3A_279] : memref<100000x1024xf32, #tpu.memory_space<hbm>> -> memref<40x1024xf32, #tpu.memory_space<hbm>>
    tpu.enqueue_dma source(%dma_start3A_280 : memref<40x1024xf32, #tpu.memory_space<hbm>>) target(%arg4 : memref<40x1024xf32, #tpu.memory_space<vmem>>) target_semaphore(%arg6 : memref<!tpu.dma_semaphore, #tpu.memory_space<semaphore_mem>>)
    %dma_wait3A_281 = arith.constant 0 : i32
    %dma_wait3A_282 = tpu.memref_slice %arg2[%add3A_266, %dma_wait3A_281] : memref<100000x1024xf32, #tpu.memory_space<hbm>> -> memref<40x1024xf32, #tpu.memory_space<hbm>>
    %dma_wait3A_283 = arith.constant 0 : i32
    %dma_wait3A_284 = tpu.memref_slice %arg2[%add3A_266, %dma_wait3A_283] : memref<100000x1024xf32, #tpu.memory_space<hbm>> -> memref<40x1024xf32, #tpu.memory_space<hbm>>
    tpu.wait_dma2 semaphore(%arg7 : memref<!tpu.dma_semaphore, #tpu.memory_space<semaphore_mem>>) src(%dma_wait3A_284 : memref<40x1024xf32, #tpu.memory_space<hbm>>) dst(%arg5 : memref<40x1024xf32, #tpu.memory_space<vmem>>)
    %add3A_285 = arith.constant 1160 : i32
    %add3A_286 = arith.addi %mul3A_2, %add3A_285 : i32
    %dma_start3A_287 = arith.constant 0 : i32
    %dma_start3A_288 = tpu.memref_slice %arg2[%add3A_286, %dma_start3A_287] : memref<100000x1024xf32, #tpu.memory_space<hbm>> -> memref<40x1024xf32, #tpu.memory_space<hbm>>
    %dma_start3A_289 = arith.constant 0 : i32
    %dma_start3A_290 = tpu.memref_slice %arg2[%add3A_286, %dma_start3A_289] : memref<100000x1024xf32, #tpu.memory_space<hbm>> -> memref<40x1024xf32, #tpu.memory_space<hbm>>
    tpu.enqueue_dma source(%dma_start3A_290 : memref<40x1024xf32, #tpu.memory_space<hbm>>) target(%arg5 : memref<40x1024xf32, #tpu.memory_space<vmem>>) target_semaphore(%arg7 : memref<!tpu.dma_semaphore, #tpu.memory_space<semaphore_mem>>)
    %dma_wait3A_291 = arith.constant 0 : i32
    %dma_wait3A_292 = tpu.memref_slice %arg2[%add3A_276, %dma_wait3A_291] : memref<100000x1024xf32, #tpu.memory_space<hbm>> -> memref<40x1024xf32, #tpu.memory_space<hbm>>
    %dma_wait3A_293 = arith.constant 0 : i32
    %dma_wait3A_294 = tpu.memref_slice %arg2[%add3A_276, %dma_wait3A_293] : memref<100000x1024xf32, #tpu.memory_space<hbm>> -> memref<40x1024xf32, #tpu.memory_space<hbm>>
    tpu.wait_dma2 semaphore(%arg6 : memref<!tpu.dma_semaphore, #tpu.memory_space<semaphore_mem>>) src(%dma_wait3A_294 : memref<40x1024xf32, #tpu.memory_space<hbm>>) dst(%arg4 : memref<40x1024xf32, #tpu.memory_space<vmem>>)
    %add3A_295 = arith.constant 1200 : i32
    %add3A_296 = arith.addi %mul3A_2, %add3A_295 : i32
    %dma_start3A_297 = arith.constant 0 : i32
    %dma_start3A_298 = tpu.memref_slice %arg2[%add3A_296, %dma_start3A_297] : memref<100000x1024xf32, #tpu.memory_space<hbm>> -> memref<40x1024xf32, #tpu.memory_space<hbm>>
    %dma_start3A_299 = arith.constant 0 : i32
    %dma_start3A_300 = tpu.memref_slice %arg2[%add3A_296, %dma_start3A_299] : memref<100000x1024xf32, #tpu.memory_space<hbm>> -> memref<40x1024xf32, #tpu.memory_space<hbm>>
    tpu.enqueue_dma source(%dma_start3A_300 : memref<40x1024xf32, #tpu.memory_space<hbm>>) target(%arg4 : memref<40x1024xf32, #tpu.memory_space<vmem>>) target_semaphore(%arg6 : memref<!tpu.dma_semaphore, #tpu.memory_space<semaphore_mem>>)
    %dma_wait3A_301 = arith.constant 0 : i32
    %dma_wait3A_302 = tpu.memref_slice %arg2[%add3A_286, %dma_wait3A_301] : memref<100000x1024xf32, #tpu.memory_space<hbm>> -> memref<40x1024xf32, #tpu.memory_space<hbm>>
    %dma_wait3A_303 = arith.constant 0 : i32
    %dma_wait3A_304 = tpu.memref_slice %arg2[%add3A_286, %dma_wait3A_303] : memref<100000x1024xf32, #tpu.memory_space<hbm>> -> memref<40x1024xf32, #tpu.memory_space<hbm>>
    tpu.wait_dma2 semaphore(%arg7 : memref<!tpu.dma_semaphore, #tpu.memory_space<semaphore_mem>>) src(%dma_wait3A_304 : memref<40x1024xf32, #tpu.memory_space<hbm>>) dst(%arg5 : memref<40x1024xf32, #tpu.memory_space<vmem>>)
    %add3A_305 = arith.constant 1240 : i32
    %add3A_306 = arith.addi %mul3A_2, %add3A_305 : i32
    %dma_start3A_307 = arith.constant 0 : i32
    %dma_start3A_308 = tpu.memref_slice %arg2[%add3A_306, %dma_start3A_307] : memref<100000x1024xf32, #tpu.memory_space<hbm>> -> memref<40x1024xf32, #tpu.memory_space<hbm>>
    %dma_start3A_309 = arith.constant 0 : i32
    %dma_start3A_310 = tpu.memref_slice %arg2[%add3A_306, %dma_start3A_309] : memref<100000x1024xf32, #tpu.memory_space<hbm>> -> memref<40x1024xf32, #tpu.memory_space<hbm>>
    tpu.enqueue_dma source(%dma_start3A_310 : memref<40x1024xf32, #tpu.memory_space<hbm>>) target(%arg5 : memref<40x1024xf32, #tpu.memory_space<vmem>>) target_semaphore(%arg7 : memref<!tpu.dma_semaphore, #tpu.memory_space<semaphore_mem>>)
    %dma_wait3A_311 = arith.constant 0 : i32
    %dma_wait3A_312 = tpu.memref_slice %arg2[%add3A_296, %dma_wait3A_311] : memref<100000x1024xf32, #tpu.memory_space<hbm>> -> memref<40x1024xf32, #tpu.memory_space<hbm>>
    %dma_wait3A_313 = arith.constant 0 : i32
    %dma_wait3A_314 = tpu.memref_slice %arg2[%add3A_296, %dma_wait3A_313] : memref<100000x1024xf32, #tpu.memory_space<hbm>> -> memref<40x1024xf32, #tpu.memory_space<hbm>>
    tpu.wait_dma2 semaphore(%arg6 : memref<!tpu.dma_semaphore, #tpu.memory_space<semaphore_mem>>) src(%dma_wait3A_314 : memref<40x1024xf32, #tpu.memory_space<hbm>>) dst(%arg4 : memref<40x1024xf32, #tpu.memory_space<vmem>>)
    %add3A_315 = arith.constant 1280 : i32
    %add3A_316 = arith.addi %mul3A_2, %add3A_315 : i32
    %dma_start3A_317 = arith.constant 0 : i32
    %dma_start3A_318 = tpu.memref_slice %arg2[%add3A_316, %dma_start3A_317] : memref<100000x1024xf32, #tpu.memory_space<hbm>> -> memref<40x1024xf32, #tpu.memory_space<hbm>>
    %dma_start3A_319 = arith.constant 0 : i32
    %dma_start3A_320 = tpu.memref_slice %arg2[%add3A_316, %dma_start3A_319] : memref<100000x1024xf32, #tpu.memory_space<hbm>> -> memref<40x1024xf32, #tpu.memory_space<hbm>>
    tpu.enqueue_dma source(%dma_start3A_320 : memref<40x1024xf32, #tpu.memory_space<hbm>>) target(%arg4 : memref<40x1024xf32, #tpu.memory_space<vmem>>) target_semaphore(%arg6 : memref<!tpu.dma_semaphore, #tpu.memory_space<semaphore_mem>>)
    %dma_wait3A_321 = arith.constant 0 : i32
    %dma_wait3A_322 = tpu.memref_slice %arg2[%add3A_306, %dma_wait3A_321] : memref<100000x1024xf32, #tpu.memory_space<hbm>> -> memref<40x1024xf32, #tpu.memory_space<hbm>>
    %dma_wait3A_323 = arith.constant 0 : i32
    %dma_wait3A_324 = tpu.memref_slice %arg2[%add3A_306, %dma_wait3A_323] : memref<100000x1024xf32, #tpu.memory_space<hbm>> -> memref<40x1024xf32, #tpu.memory_space<hbm>>
    tpu.wait_dma2 semaphore(%arg7 : memref<!tpu.dma_semaphore, #tpu.memory_space<semaphore_mem>>) src(%dma_wait3A_324 : memref<40x1024xf32, #tpu.memory_space<hbm>>) dst(%arg5 : memref<40x1024xf32, #tpu.memory_space<vmem>>)
    %add3A_325 = arith.constant 1320 : i32
    %add3A_326 = arith.addi %mul3A_2, %add3A_325 : i32
    %dma_start3A_327 = arith.constant 0 : i32
    %dma_start3A_328 = tpu.memref_slice %arg2[%add3A_326, %dma_start3A_327] : memref<100000x1024xf32, #tpu.memory_space<hbm>> -> memref<40x1024xf32, #tpu.memory_space<hbm>>
    %dma_start3A_329 = arith.constant 0 : i32
    %dma_start3A_330 = tpu.memref_slice %arg2[%add3A_326, %dma_start3A_329] : memref<100000x1024xf32, #tpu.memory_space<hbm>> -> memref<40x1024xf32, #tpu.memory_space<hbm>>
    tpu.enqueue_dma source(%dma_start3A_330 : memref<40x1024xf32, #tpu.memory_space<hbm>>) target(%arg5 : memref<40x1024xf32, #tpu.memory_space<vmem>>) target_semaphore(%arg7 : memref<!tpu.dma_semaphore, #tpu.memory_space<semaphore_mem>>)
    %dma_wait3A_331 = arith.constant 0 : i32
    %dma_wait3A_332 = tpu.memref_slice %arg2[%add3A_316, %dma_wait3A_331] : memref<100000x1024xf32, #tpu.memory_space<hbm>> -> memref<40x1024xf32, #tpu.memory_space<hbm>>
    %dma_wait3A_333 = arith.constant 0 : i32
    %dma_wait3A_334 = tpu.memref_slice %arg2[%add3A_316, %dma_wait3A_333] : memref<100000x1024xf32, #tpu.memory_space<hbm>> -> memref<40x1024xf32, #tpu.memory_space<hbm>>
    tpu.wait_dma2 semaphore(%arg6 : memref<!tpu.dma_semaphore, #tpu.memory_space<semaphore_mem>>) src(%dma_wait3A_334 : memref<40x1024xf32, #tpu.memory_space<hbm>>) dst(%arg4 : memref<40x1024xf32, #tpu.memory_space<vmem>>)
    %add3A_335 = arith.constant 1360 : i32
    %add3A_336 = arith.addi %mul3A_2, %add3A_335 : i32
    %dma_start3A_337 = arith.constant 0 : i32
    %dma_start3A_338 = tpu.memref_slice %arg2[%add3A_336, %dma_start3A_337] : memref<100000x1024xf32, #tpu.memory_space<hbm>> -> memref<40x1024xf32, #tpu.memory_space<hbm>>
    %dma_start3A_339 = arith.constant 0 : i32
    %dma_start3A_340 = tpu.memref_slice %arg2[%add3A_336, %dma_start3A_339] : memref<100000x1024xf32, #tpu.memory_space<hbm>> -> memref<40x1024xf32, #tpu.memory_space<hbm>>
    tpu.enqueue_dma source(%dma_start3A_340 : memref<40x1024xf32, #tpu.memory_space<hbm>>) target(%arg4 : memref<40x1024xf32, #tpu.memory_space<vmem>>) target_semaphore(%arg6 : memref<!tpu.dma_semaphore, #tpu.memory_space<semaphore_mem>>)
    %dma_wait3A_341 = arith.constant 0 : i32
    %dma_wait3A_342 = tpu.memref_slice %arg2[%add3A_326, %dma_wait3A_341] : memref<100000x1024xf32, #tpu.memory_space<hbm>> -> memref<40x1024xf32, #tpu.memory_space<hbm>>
    %dma_wait3A_343 = arith.constant 0 : i32
    %dma_wait3A_344 = tpu.memref_slice %arg2[%add3A_326, %dma_wait3A_343] : memref<100000x1024xf32, #tpu.memory_space<hbm>> -> memref<40x1024xf32, #tpu.memory_space<hbm>>
    tpu.wait_dma2 semaphore(%arg7 : memref<!tpu.dma_semaphore, #tpu.memory_space<semaphore_mem>>) src(%dma_wait3A_344 : memref<40x1024xf32, #tpu.memory_space<hbm>>) dst(%arg5 : memref<40x1024xf32, #tpu.memory_space<vmem>>)
    %add3A_345 = arith.constant 1400 : i32
    %add3A_346 = arith.addi %mul3A_2, %add3A_345 : i32
    %dma_start3A_347 = arith.constant 0 : i32
    %dma_start3A_348 = tpu.memref_slice %arg2[%add3A_346, %dma_start3A_347] : memref<100000x1024xf32, #tpu.memory_space<hbm>> -> memref<40x1024xf32, #tpu.memory_space<hbm>>
    %dma_start3A_349 = arith.constant 0 : i32
    %dma_start3A_350 = tpu.memref_slice %arg2[%add3A_346, %dma_start3A_349] : memref<100000x1024xf32, #tpu.memory_space<hbm>> -> memref<40x1024xf32, #tpu.memory_space<hbm>>
    tpu.enqueue_dma source(%dma_start3A_350 : memref<40x1024xf32, #tpu.memory_space<hbm>>) target(%arg5 : memref<40x1024xf32, #tpu.memory_space<vmem>>) target_semaphore(%arg7 : memref<!tpu.dma_semaphore, #tpu.memory_space<semaphore_mem>>)
    %dma_wait3A_351 = arith.constant 0 : i32
    %dma_wait3A_352 = tpu.memref_slice %arg2[%add3A_336, %dma_wait3A_351] : memref<100000x1024xf32, #tpu.memory_space<hbm>> -> memref<40x1024xf32, #tpu.memory_space<hbm>>
    %dma_wait3A_353 = arith.constant 0 : i32
    %dma_wait3A_354 = tpu.memref_slice %arg2[%add3A_336, %dma_wait3A_353] : memref<100000x1024xf32, #tpu.memory_space<hbm>> -> memref<40x1024xf32, #tpu.memory_space<hbm>>
    tpu.wait_dma2 semaphore(%arg6 : memref<!tpu.dma_semaphore, #tpu.memory_space<semaphore_mem>>) src(%dma_wait3A_354 : memref<40x1024xf32, #tpu.memory_space<hbm>>) dst(%arg4 : memref<40x1024xf32, #tpu.memory_space<vmem>>)
    %add3A_355 = arith.constant 1440 : i32
    %add3A_356 = arith.addi %mul3A_2, %add3A_355 : i32
    %dma_start3A_357 = arith.constant 0 : i32
    %dma_start3A_358 = tpu.memref_slice %arg2[%add3A_356, %dma_start3A_357] : memref<100000x1024xf32, #tpu.memory_space<hbm>> -> memref<40x1024xf32, #tpu.memory_space<hbm>>
    %dma_start3A_359 = arith.constant 0 : i32
    %dma_start3A_360 = tpu.memref_slice %arg2[%add3A_356, %dma_start3A_359] : memref<100000x1024xf32, #tpu.memory_space<hbm>> -> memref<40x1024xf32, #tpu.memory_space<hbm>>
    tpu.enqueue_dma source(%dma_start3A_360 : memref<40x1024xf32, #tpu.memory_space<hbm>>) target(%arg4 : memref<40x1024xf32, #tpu.memory_space<vmem>>) target_semaphore(%arg6 : memref<!tpu.dma_semaphore, #tpu.memory_space<semaphore_mem>>)
    %dma_wait3A_361 = arith.constant 0 : i32
    %dma_wait3A_362 = tpu.memref_slice %arg2[%add3A_346, %dma_wait3A_361] : memref<100000x1024xf32, #tpu.memory_space<hbm>> -> memref<40x1024xf32, #tpu.memory_space<hbm>>
    %dma_wait3A_363 = arith.constant 0 : i32
    %dma_wait3A_364 = tpu.memref_slice %arg2[%add3A_346, %dma_wait3A_363] : memref<100000x1024xf32, #tpu.memory_space<hbm>> -> memref<40x1024xf32, #tpu.memory_space<hbm>>
    tpu.wait_dma2 semaphore(%arg7 : memref<!tpu.dma_semaphore, #tpu.memory_space<semaphore_mem>>) src(%dma_wait3A_364 : memref<40x1024xf32, #tpu.memory_space<hbm>>) dst(%arg5 : memref<40x1024xf32, #tpu.memory_space<vmem>>)
    %add3A_365 = arith.constant 1480 : i32
    %add3A_366 = arith.addi %mul3A_2, %add3A_365 : i32
    %dma_start3A_367 = arith.constant 0 : i32
    %dma_start3A_368 = tpu.memref_slice %arg2[%add3A_366, %dma_start3A_367] : memref<100000x1024xf32, #tpu.memory_space<hbm>> -> memref<40x1024xf32, #tpu.memory_space<hbm>>
    %dma_start3A_369 = arith.constant 0 : i32
    %dma_start3A_370 = tpu.memref_slice %arg2[%add3A_366, %dma_start3A_369] : memref<100000x1024xf32, #tpu.memory_space<hbm>> -> memref<40x1024xf32, #tpu.memory_space<hbm>>
    tpu.enqueue_dma source(%dma_start3A_370 : memref<40x1024xf32, #tpu.memory_space<hbm>>) target(%arg5 : memref<40x1024xf32, #tpu.memory_space<vmem>>) target_semaphore(%arg7 : memref<!tpu.dma_semaphore, #tpu.memory_space<semaphore_mem>>)
    %dma_wait3A_371 = arith.constant 0 : i32
    %dma_wait3A_372 = tpu.memref_slice %arg2[%add3A_356, %dma_wait3A_371] : memref<100000x1024xf32, #tpu.memory_space<hbm>> -> memref<40x1024xf32, #tpu.memory_space<hbm>>
    %dma_wait3A_373 = arith.constant 0 : i32
    %dma_wait3A_374 = tpu.memref_slice %arg2[%add3A_356, %dma_wait3A_373] : memref<100000x1024xf32, #tpu.memory_space<hbm>> -> memref<40x1024xf32, #tpu.memory_space<hbm>>
    tpu.wait_dma2 semaphore(%arg6 : memref<!tpu.dma_semaphore, #tpu.memory_space<semaphore_mem>>) src(%dma_wait3A_374 : memref<40x1024xf32, #tpu.memory_space<hbm>>) dst(%arg4 : memref<40x1024xf32, #tpu.memory_space<vmem>>)
    %add3A_375 = arith.constant 1520 : i32
    %add3A_376 = arith.addi %mul3A_2, %add3A_375 : i32
    %dma_start3A_377 = arith.constant 0 : i32
    %dma_start3A_378 = tpu.memref_slice %arg2[%add3A_376, %dma_start3A_377] : memref<100000x1024xf32, #tpu.memory_space<hbm>> -> memref<40x1024xf32, #tpu.memory_space<hbm>>
    %dma_start3A_379 = arith.constant 0 : i32
    %dma_start3A_380 = tpu.memref_slice %arg2[%add3A_376, %dma_start3A_379] : memref<100000x1024xf32, #tpu.memory_space<hbm>> -> memref<40x1024xf32, #tpu.memory_space<hbm>>
    tpu.enqueue_dma source(%dma_start3A_380 : memref<40x1024xf32, #tpu.memory_space<hbm>>) target(%arg4 : memref<40x1024xf32, #tpu.memory_space<vmem>>) target_semaphore(%arg6 : memref<!tpu.dma_semaphore, #tpu.memory_space<semaphore_mem>>)
    %dma_wait3A_381 = arith.constant 0 : i32
    %dma_wait3A_382 = tpu.memref_slice %arg2[%add3A_366, %dma_wait3A_381] : memref<100000x1024xf32, #tpu.memory_space<hbm>> -> memref<40x1024xf32, #tpu.memory_space<hbm>>
    %dma_wait3A_383 = arith.constant 0 : i32
    %dma_wait3A_384 = tpu.memref_slice %arg2[%add3A_366, %dma_wait3A_383] : memref<100000x1024xf32, #tpu.memory_space<hbm>> -> memref<40x1024xf32, #tpu.memory_space<hbm>>
    tpu.wait_dma2 semaphore(%arg7 : memref<!tpu.dma_semaphore, #tpu.memory_space<semaphore_mem>>) src(%dma_wait3A_384 : memref<40x1024xf32, #tpu.memory_space<hbm>>) dst(%arg5 : memref<40x1024xf32, #tpu.memory_space<vmem>>)
    %add3A_385 = arith.constant 1560 : i32
    %add3A_386 = arith.addi %mul3A_2, %add3A_385 : i32
    %dma_start3A_387 = arith.constant 0 : i32
    %dma_start3A_388 = tpu.memref_slice %arg2[%add3A_386, %dma_start3A_387] : memref<100000x1024xf32, #tpu.memory_space<hbm>> -> memref<40x1024xf32, #tpu.memory_space<hbm>>
    %dma_start3A_389 = arith.constant 0 : i32
    %dma_start3A_390 = tpu.memref_slice %arg2[%add3A_386, %dma_start3A_389] : memref<100000x1024xf32, #tpu.memory_space<hbm>> -> memref<40x1024xf32, #tpu.memory_space<hbm>>
    tpu.enqueue_dma source(%dma_start3A_390 : memref<40x1024xf32, #tpu.memory_space<hbm>>) target(%arg5 : memref<40x1024xf32, #tpu.memory_space<vmem>>) target_semaphore(%arg7 : memref<!tpu.dma_semaphore, #tpu.memory_space<semaphore_mem>>)
    %dma_wait3A_391 = arith.constant 0 : i32
    %dma_wait3A_392 = tpu.memref_slice %arg2[%add3A_376, %dma_wait3A_391] : memref<100000x1024xf32, #tpu.memory_space<hbm>> -> memref<40x1024xf32, #tpu.memory_space<hbm>>
    %dma_wait3A_393 = arith.constant 0 : i32
    %dma_wait3A_394 = tpu.memref_slice %arg2[%add3A_376, %dma_wait3A_393] : memref<100000x1024xf32, #tpu.memory_space<hbm>> -> memref<40x1024xf32, #tpu.memory_space<hbm>>
    tpu.wait_dma2 semaphore(%arg6 : memref<!tpu.dma_semaphore, #tpu.memory_space<semaphore_mem>>) src(%dma_wait3A_394 : memref<40x1024xf32, #tpu.memory_space<hbm>>) dst(%arg4 : memref<40x1024xf32, #tpu.memory_space<vmem>>)
    %add3A_395 = arith.constant 1600 : i32
    %add3A_396 = arith.addi %mul3A_2, %add3A_395 : i32
    %dma_start3A_397 = arith.constant 0 : i32
    %dma_start3A_398 = tpu.memref_slice %arg2[%add3A_396, %dma_start3A_397] : memref<100000x1024xf32, #tpu.memory_space<hbm>> -> memref<40x1024xf32, #tpu.memory_space<hbm>>
    %dma_start3A_399 = arith.constant 0 : i32
    %dma_start3A_400 = tpu.memref_slice %arg2[%add3A_396, %dma_start3A_399] : memref<100000x1024xf32, #tpu.memory_space<hbm>> -> memref<40x1024xf32, #tpu.memory_space<hbm>>
    tpu.enqueue_dma source(%dma_start3A_400 : memref<40x1024xf32, #tpu.memory_space<hbm>>) target(%arg4 : memref<40x1024xf32, #tpu.memory_space<vmem>>) target_semaphore(%arg6 : memref<!tpu.dma_semaphore, #tpu.memory_space<semaphore_mem>>)
    %dma_wait3A_401 = arith.constant 0 : i32
    %dma_wait3A_402 = tpu.memref_slice %arg2[%add3A_386, %dma_wait3A_401] : memref<100000x1024xf32, #tpu.memory_space<hbm>> -> memref<40x1024xf32, #tpu.memory_space<hbm>>
    %dma_wait3A_403 = arith.constant 0 : i32
    %dma_wait3A_404 = tpu.memref_slice %arg2[%add3A_386, %dma_wait3A_403] : memref<100000x1024xf32, #tpu.memory_space<hbm>> -> memref<40x1024xf32, #tpu.memory_space<hbm>>
    tpu.wait_dma2 semaphore(%arg7 : memref<!tpu.dma_semaphore, #tpu.memory_space<semaphore_mem>>) src(%dma_wait3A_404 : memref<40x1024xf32, #tpu.memory_space<hbm>>) dst(%arg5 : memref<40x1024xf32, #tpu.memory_space<vmem>>)
    %add3A_405 = arith.constant 1640 : i32
    %add3A_406 = arith.addi %mul3A_2, %add3A_405 : i32
    %dma_start3A_407 = arith.constant 0 : i32
    %dma_start3A_408 = tpu.memref_slice %arg2[%add3A_406, %dma_start3A_407] : memref<100000x1024xf32, #tpu.memory_space<hbm>> -> memref<40x1024xf32, #tpu.memory_space<hbm>>
    %dma_start3A_409 = arith.constant 0 : i32
    %dma_start3A_410 = tpu.memref_slice %arg2[%add3A_406, %dma_start3A_409] : memref<100000x1024xf32, #tpu.memory_space<hbm>> -> memref<40x1024xf32, #tpu.memory_space<hbm>>
    tpu.enqueue_dma source(%dma_start3A_410 : memref<40x1024xf32, #tpu.memory_space<hbm>>) target(%arg5 : memref<40x1024xf32, #tpu.memory_space<vmem>>) target_semaphore(%arg7 : memref<!tpu.dma_semaphore, #tpu.memory_space<semaphore_mem>>)
    %dma_wait3A_411 = arith.constant 0 : i32
    %dma_wait3A_412 = tpu.memref_slice %arg2[%add3A_396, %dma_wait3A_411] : memref<100000x1024xf32, #tpu.memory_space<hbm>> -> memref<40x1024xf32, #tpu.memory_space<hbm>>
    %dma_wait3A_413 = arith.constant 0 : i32
    %dma_wait3A_414 = tpu.memref_slice %arg2[%add3A_396, %dma_wait3A_413] : memref<100000x1024xf32, #tpu.memory_space<hbm>> -> memref<40x1024xf32, #tpu.memory_space<hbm>>
    tpu.wait_dma2 semaphore(%arg6 : memref<!tpu.dma_semaphore, #tpu.memory_space<semaphore_mem>>) src(%dma_wait3A_414 : memref<40x1024xf32, #tpu.memory_space<hbm>>) dst(%arg4 : memref<40x1024xf32, #tpu.memory_space<vmem>>)
    %add3A_415 = arith.constant 1680 : i32
    %add3A_416 = arith.addi %mul3A_2, %add3A_415 : i32
    %dma_start3A_417 = arith.constant 0 : i32
    %dma_start3A_418 = tpu.memref_slice %arg2[%add3A_416, %dma_start3A_417] : memref<100000x1024xf32, #tpu.memory_space<hbm>> -> memref<40x1024xf32, #tpu.memory_space<hbm>>
    %dma_start3A_419 = arith.constant 0 : i32
    %dma_start3A_420 = tpu.memref_slice %arg2[%add3A_416, %dma_start3A_419] : memref<100000x1024xf32, #tpu.memory_space<hbm>> -> memref<40x1024xf32, #tpu.memory_space<hbm>>
    tpu.enqueue_dma source(%dma_start3A_420 : memref<40x1024xf32, #tpu.memory_space<hbm>>) target(%arg4 : memref<40x1024xf32, #tpu.memory_space<vmem>>) target_semaphore(%arg6 : memref<!tpu.dma_semaphore, #tpu.memory_space<semaphore_mem>>)
    %dma_wait3A_421 = arith.constant 0 : i32
    %dma_wait3A_422 = tpu.memref_slice %arg2[%add3A_406, %dma_wait3A_421] : memref<100000x1024xf32, #tpu.memory_space<hbm>> -> memref<40x1024xf32, #tpu.memory_space<hbm>>
    %dma_wait3A_423 = arith.constant 0 : i32
    %dma_wait3A_424 = tpu.memref_slice %arg2[%add3A_406, %dma_wait3A_423] : memref<100000x1024xf32, #tpu.memory_space<hbm>> -> memref<40x1024xf32, #tpu.memory_space<hbm>>
    tpu.wait_dma2 semaphore(%arg7 : memref<!tpu.dma_semaphore, #tpu.memory_space<semaphore_mem>>) src(%dma_wait3A_424 : memref<40x1024xf32, #tpu.memory_space<hbm>>) dst(%arg5 : memref<40x1024xf32, #tpu.memory_space<vmem>>)
    %add3A_425 = arith.constant 1720 : i32
    %add3A_426 = arith.addi %mul3A_2, %add3A_425 : i32
    %dma_start3A_427 = arith.constant 0 : i32
    %dma_start3A_428 = tpu.memref_slice %arg2[%add3A_426, %dma_start3A_427] : memref<100000x1024xf32, #tpu.memory_space<hbm>> -> memref<40x1024xf32, #tpu.memory_space<hbm>>
    %dma_start3A_429 = arith.constant 0 : i32
    %dma_start3A_430 = tpu.memref_slice %arg2[%add3A_426, %dma_start3A_429] : memref<100000x1024xf32, #tpu.memory_space<hbm>> -> memref<40x1024xf32, #tpu.memory_space<hbm>>
    tpu.enqueue_dma source(%dma_start3A_430 : memref<40x1024xf32, #tpu.memory_space<hbm>>) target(%arg5 : memref<40x1024xf32, #tpu.memory_space<vmem>>) target_semaphore(%arg7 : memref<!tpu.dma_semaphore, #tpu.memory_space<semaphore_mem>>)
    %dma_wait3A_431 = arith.constant 0 : i32
    %dma_wait3A_432 = tpu.memref_slice %arg2[%add3A_416, %dma_wait3A_431] : memref<100000x1024xf32, #tpu.memory_space<hbm>> -> memref<40x1024xf32, #tpu.memory_space<hbm>>
    %dma_wait3A_433 = arith.constant 0 : i32
    %dma_wait3A_434 = tpu.memref_slice %arg2[%add3A_416, %dma_wait3A_433] : memref<100000x1024xf32, #tpu.memory_space<hbm>> -> memref<40x1024xf32, #tpu.memory_space<hbm>>
    tpu.wait_dma2 semaphore(%arg6 : memref<!tpu.dma_semaphore, #tpu.memory_space<semaphore_mem>>) src(%dma_wait3A_434 : memref<40x1024xf32, #tpu.memory_space<hbm>>) dst(%arg4 : memref<40x1024xf32, #tpu.memory_space<vmem>>)
    %add3A_435 = arith.constant 1760 : i32
    %add3A_436 = arith.addi %mul3A_2, %add3A_435 : i32
    %dma_start3A_437 = arith.constant 0 : i32
    %dma_start3A_438 = tpu.memref_slice %arg2[%add3A_436, %dma_start3A_437] : memref<100000x1024xf32, #tpu.memory_space<hbm>> -> memref<40x1024xf32, #tpu.memory_space<hbm>>
    %dma_start3A_439 = arith.constant 0 : i32
    %dma_start3A_440 = tpu.memref_slice %arg2[%add3A_436, %dma_start3A_439] : memref<100000x1024xf32, #tpu.memory_space<hbm>> -> memref<40x1024xf32, #tpu.memory_space<hbm>>
    tpu.enqueue_dma source(%dma_start3A_440 : memref<40x1024xf32, #tpu.memory_space<hbm>>) target(%arg4 : memref<40x1024xf32, #tpu.memory_space<vmem>>) target_semaphore(%arg6 : memref<!tpu.dma_semaphore, #tpu.memory_space<semaphore_mem>>)
    %dma_wait3A_441 = arith.constant 0 : i32
    %dma_wait3A_442 = tpu.memref_slice %arg2[%add3A_426, %dma_wait3A_441] : memref<100000x1024xf32, #tpu.memory_space<hbm>> -> memref<40x1024xf32, #tpu.memory_space<hbm>>
    %dma_wait3A_443 = arith.constant 0 : i32
    %dma_wait3A_444 = tpu.memref_slice %arg2[%add3A_426, %dma_wait3A_443] : memref<100000x1024xf32, #tpu.memory_space<hbm>> -> memref<40x1024xf32, #tpu.memory_space<hbm>>
    tpu.wait_dma2 semaphore(%arg7 : memref<!tpu.dma_semaphore, #tpu.memory_space<semaphore_mem>>) src(%dma_wait3A_444 : memref<40x1024xf32, #tpu.memory_space<hbm>>) dst(%arg5 : memref<40x1024xf32, #tpu.memory_space<vmem>>)
    %add3A_445 = arith.constant 1800 : i32
    %add3A_446 = arith.addi %mul3A_2, %add3A_445 : i32
    %dma_start3A_447 = arith.constant 0 : i32
    %dma_start3A_448 = tpu.memref_slice %arg2[%add3A_446, %dma_start3A_447] : memref<100000x1024xf32, #tpu.memory_space<hbm>> -> memref<40x1024xf32, #tpu.memory_space<hbm>>
    %dma_start3A_449 = arith.constant 0 : i32
    %dma_start3A_450 = tpu.memref_slice %arg2[%add3A_446, %dma_start3A_449] : memref<100000x1024xf32, #tpu.memory_space<hbm>> -> memref<40x1024xf32, #tpu.memory_space<hbm>>
    tpu.enqueue_dma source(%dma_start3A_450 : memref<40x1024xf32, #tpu.memory_space<hbm>>) target(%arg5 : memref<40x1024xf32, #tpu.memory_space<vmem>>) target_semaphore(%arg7 : memref<!tpu.dma_semaphore, #tpu.memory_space<semaphore_mem>>)
    %dma_wait3A_451 = arith.constant 0 : i32
    %dma_wait3A_452 = tpu.memref_slice %arg2[%add3A_436, %dma_wait3A_451] : memref<100000x1024xf32, #tpu.memory_space<hbm>> -> memref<40x1024xf32, #tpu.memory_space<hbm>>
    %dma_wait3A_453 = arith.constant 0 : i32
    %dma_wait3A_454 = tpu.memref_slice %arg2[%add3A_436, %dma_wait3A_453] : memref<100000x1024xf32, #tpu.memory_space<hbm>> -> memref<40x1024xf32, #tpu.memory_space<hbm>>
    tpu.wait_dma2 semaphore(%arg6 : memref<!tpu.dma_semaphore, #tpu.memory_space<semaphore_mem>>) src(%dma_wait3A_454 : memref<40x1024xf32, #tpu.memory_space<hbm>>) dst(%arg4 : memref<40x1024xf32, #tpu.memory_space<vmem>>)
    %add3A_455 = arith.constant 1840 : i32
    %add3A_456 = arith.addi %mul3A_2, %add3A_455 : i32
    %dma_start3A_457 = arith.constant 0 : i32
    %dma_start3A_458 = tpu.memref_slice %arg2[%add3A_456, %dma_start3A_457] : memref<100000x1024xf32, #tpu.memory_space<hbm>> -> memref<40x1024xf32, #tpu.memory_space<hbm>>
    %dma_start3A_459 = arith.constant 0 : i32
    %dma_start3A_460 = tpu.memref_slice %arg2[%add3A_456, %dma_start3A_459] : memref<100000x1024xf32, #tpu.memory_space<hbm>> -> memref<40x1024xf32, #tpu.memory_space<hbm>>
    tpu.enqueue_dma source(%dma_start3A_460 : memref<40x1024xf32, #tpu.memory_space<hbm>>) target(%arg4 : memref<40x1024xf32, #tpu.memory_space<vmem>>) target_semaphore(%arg6 : memref<!tpu.dma_semaphore, #tpu.memory_space<semaphore_mem>>)
    %dma_wait3A_461 = arith.constant 0 : i32
    %dma_wait3A_462 = tpu.memref_slice %arg2[%add3A_446, %dma_wait3A_461] : memref<100000x1024xf32, #tpu.memory_space<hbm>> -> memref<40x1024xf32, #tpu.memory_space<hbm>>
    %dma_wait3A_463 = arith.constant 0 : i32
    %dma_wait3A_464 = tpu.memref_slice %arg2[%add3A_446, %dma_wait3A_463] : memref<100000x1024xf32, #tpu.memory_space<hbm>> -> memref<40x1024xf32, #tpu.memory_space<hbm>>
    tpu.wait_dma2 semaphore(%arg7 : memref<!tpu.dma_semaphore, #tpu.memory_space<semaphore_mem>>) src(%dma_wait3A_464 : memref<40x1024xf32, #tpu.memory_space<hbm>>) dst(%arg5 : memref<40x1024xf32, #tpu.memory_space<vmem>>)
    %add3A_465 = arith.constant 1880 : i32
    %add3A_466 = arith.addi %mul3A_2, %add3A_465 : i32
    %dma_start3A_467 = arith.constant 0 : i32
    %dma_start3A_468 = tpu.memref_slice %arg2[%add3A_466, %dma_start3A_467] : memref<100000x1024xf32, #tpu.memory_space<hbm>> -> memref<40x1024xf32, #tpu.memory_space<hbm>>
    %dma_start3A_469 = arith.constant 0 : i32
    %dma_start3A_470 = tpu.memref_slice %arg2[%add3A_466, %dma_start3A_469] : memref<100000x1024xf32, #tpu.memory_space<hbm>> -> memref<40x1024xf32, #tpu.memory_space<hbm>>
    tpu.enqueue_dma source(%dma_start3A_470 : memref<40x1024xf32, #tpu.memory_space<hbm>>) target(%arg5 : memref<40x1024xf32, #tpu.memory_space<vmem>>) target_semaphore(%arg7 : memref<!tpu.dma_semaphore, #tpu.memory_space<semaphore_mem>>)
    %dma_wait3A_471 = arith.constant 0 : i32
    %dma_wait3A_472 = tpu.memref_slice %arg2[%add3A_456, %dma_wait3A_471] : memref<100000x1024xf32, #tpu.memory_space<hbm>> -> memref<40x1024xf32, #tpu.memory_space<hbm>>
    %dma_wait3A_473 = arith.constant 0 : i32
    %dma_wait3A_474 = tpu.memref_slice %arg2[%add3A_456, %dma_wait3A_473] : memref<100000x1024xf32, #tpu.memory_space<hbm>> -> memref<40x1024xf32, #tpu.memory_space<hbm>>
    tpu.wait_dma2 semaphore(%arg6 : memref<!tpu.dma_semaphore, #tpu.memory_space<semaphore_mem>>) src(%dma_wait3A_474 : memref<40x1024xf32, #tpu.memory_space<hbm>>) dst(%arg4 : memref<40x1024xf32, #tpu.memory_space<vmem>>)
    %add3A_475 = arith.constant 1920 : i32
    %add3A_476 = arith.addi %mul3A_2, %add3A_475 : i32
    %dma_start3A_477 = arith.constant 0 : i32
    %dma_start3A_478 = tpu.memref_slice %arg2[%add3A_476, %dma_start3A_477] : memref<100000x1024xf32, #tpu.memory_space<hbm>> -> memref<40x1024xf32, #tpu.memory_space<hbm>>
    %dma_start3A_479 = arith.constant 0 : i32
    %dma_start3A_480 = tpu.memref_slice %arg2[%add3A_476, %dma_start3A_479] : memref<100000x1024xf32, #tpu.memory_space<hbm>> -> memref<40x1024xf32, #tpu.memory_space<hbm>>
    tpu.enqueue_dma source(%dma_start3A_480 : memref<40x1024xf32, #tpu.memory_space<hbm>>) target(%arg4 : memref<40x1024xf32, #tpu.memory_space<vmem>>) target_semaphore(%arg6 : memref<!tpu.dma_semaphore, #tpu.memory_space<semaphore_mem>>)
    %dma_wait3A_481 = arith.constant 0 : i32
    %dma_wait3A_482 = tpu.memref_slice %arg2[%add3A_466, %dma_wait3A_481] : memref<100000x1024xf32, #tpu.memory_space<hbm>> -> memref<40x1024xf32, #tpu.memory_space<hbm>>
    %dma_wait3A_483 = arith.constant 0 : i32
    %dma_wait3A_484 = tpu.memref_slice %arg2[%add3A_466, %dma_wait3A_483] : memref<100000x1024xf32, #tpu.memory_space<hbm>> -> memref<40x1024xf32, #tpu.memory_space<hbm>>
    tpu.wait_dma2 semaphore(%arg7 : memref<!tpu.dma_semaphore, #tpu.memory_space<semaphore_mem>>) src(%dma_wait3A_484 : memref<40x1024xf32, #tpu.memory_space<hbm>>) dst(%arg5 : memref<40x1024xf32, #tpu.memory_space<vmem>>)
    %add3A_485 = arith.constant 1960 : i32
    %add3A_486 = arith.addi %mul3A_2, %add3A_485 : i32
    %dma_start3A_487 = arith.constant 0 : i32
    %dma_start3A_488 = tpu.memref_slice %arg2[%add3A_486, %dma_start3A_487] : memref<100000x1024xf32, #tpu.memory_space<hbm>> -> memref<40x1024xf32, #tpu.memory_space<hbm>>
    %dma_start3A_489 = arith.constant 0 : i32
    %dma_start3A_490 = tpu.memref_slice %arg2[%add3A_486, %dma_start3A_489] : memref<100000x1024xf32, #tpu.memory_space<hbm>> -> memref<40x1024xf32, #tpu.memory_space<hbm>>
    tpu.enqueue_dma source(%dma_start3A_490 : memref<40x1024xf32, #tpu.memory_space<hbm>>) target(%arg5 : memref<40x1024xf32, #tpu.memory_space<vmem>>) target_semaphore(%arg7 : memref<!tpu.dma_semaphore, #tpu.memory_space<semaphore_mem>>)
    %dma_wait3A_491 = arith.constant 0 : i32
    %dma_wait3A_492 = tpu.memref_slice %arg2[%add3A_476, %dma_wait3A_491] : memref<100000x1024xf32, #tpu.memory_space<hbm>> -> memref<40x1024xf32, #tpu.memory_space<hbm>>
    %dma_wait3A_493 = arith.constant 0 : i32
    %dma_wait3A_494 = tpu.memref_slice %arg2[%add3A_476, %dma_wait3A_493] : memref<100000x1024xf32, #tpu.memory_space<hbm>> -> memref<40x1024xf32, #tpu.memory_space<hbm>>
    tpu.wait_dma2 semaphore(%arg6 : memref<!tpu.dma_semaphore, #tpu.memory_space<semaphore_mem>>) src(%dma_wait3A_494 : memref<40x1024xf32, #tpu.memory_space<hbm>>) dst(%arg4 : memref<40x1024xf32, #tpu.memory_space<vmem>>)
    %add3A_495 = arith.constant 2000 : i32
    %add3A_496 = arith.addi %mul3A_2, %add3A_495 : i32
    %dma_start3A_497 = arith.constant 0 : i32
    %dma_start3A_498 = tpu.memref_slice %arg2[%add3A_496, %dma_start3A_497] : memref<100000x1024xf32, #tpu.memory_space<hbm>> -> memref<40x1024xf32, #tpu.memory_space<hbm>>
    %dma_start3A_499 = arith.constant 0 : i32
    %dma_start3A_500 = tpu.memref_slice %arg2[%add3A_496, %dma_start3A_499] : memref<100000x1024xf32, #tpu.memory_space<hbm>> -> memref<40x1024xf32, #tpu.memory_space<hbm>>
    tpu.enqueue_dma source(%dma_start3A_500 : memref<40x1024xf32, #tpu.memory_space<hbm>>) target(%arg4 : memref<40x1024xf32, #tpu.memory_space<vmem>>) target_semaphore(%arg6 : memref<!tpu.dma_semaphore, #tpu.memory_space<semaphore_mem>>)
    %dma_wait3A_501 = arith.constant 0 : i32
    %dma_wait3A_502 = tpu.memref_slice %arg2[%add3A_486, %dma_wait3A_501] : memref<100000x1024xf32, #tpu.memory_space<hbm>> -> memref<40x1024xf32, #tpu.memory_space<hbm>>
    %dma_wait3A_503 = arith.constant 0 : i32
    %dma_wait3A_504 = tpu.memref_slice %arg2[%add3A_486, %dma_wait3A_503] : memref<100000x1024xf32, #tpu.memory_space<hbm>> -> memref<40x1024xf32, #tpu.memory_space<hbm>>
    tpu.wait_dma2 semaphore(%arg7 : memref<!tpu.dma_semaphore, #tpu.memory_space<semaphore_mem>>) src(%dma_wait3A_504 : memref<40x1024xf32, #tpu.memory_space<hbm>>) dst(%arg5 : memref<40x1024xf32, #tpu.memory_space<vmem>>)
    %add3A_505 = arith.constant 2040 : i32
    %add3A_506 = arith.addi %mul3A_2, %add3A_505 : i32
    %dma_start3A_507 = arith.constant 0 : i32
    %dma_start3A_508 = tpu.memref_slice %arg2[%add3A_506, %dma_start3A_507] : memref<100000x1024xf32, #tpu.memory_space<hbm>> -> memref<40x1024xf32, #tpu.memory_space<hbm>>
    %dma_start3A_509 = arith.constant 0 : i32
    %dma_start3A_510 = tpu.memref_slice %arg2[%add3A_506, %dma_start3A_509] : memref<100000x1024xf32, #tpu.memory_space<hbm>> -> memref<40x1024xf32, #tpu.memory_space<hbm>>
    tpu.enqueue_dma source(%dma_start3A_510 : memref<40x1024xf32, #tpu.memory_space<hbm>>) target(%arg5 : memref<40x1024xf32, #tpu.memory_space<vmem>>) target_semaphore(%arg7 : memref<!tpu.dma_semaphore, #tpu.memory_space<semaphore_mem>>)
    %dma_wait3A_511 = arith.constant 0 : i32
    %dma_wait3A_512 = tpu.memref_slice %arg2[%add3A_496, %dma_wait3A_511] : memref<100000x1024xf32, #tpu.memory_space<hbm>> -> memref<40x1024xf32, #tpu.memory_space<hbm>>
    %dma_wait3A_513 = arith.constant 0 : i32
    %dma_wait3A_514 = tpu.memref_slice %arg2[%add3A_496, %dma_wait3A_513] : memref<100000x1024xf32, #tpu.memory_space<hbm>> -> memref<40x1024xf32, #tpu.memory_space<hbm>>
    tpu.wait_dma2 semaphore(%arg6 : memref<!tpu.dma_semaphore, #tpu.memory_space<semaphore_mem>>) src(%dma_wait3A_514 : memref<40x1024xf32, #tpu.memory_space<hbm>>) dst(%arg4 : memref<40x1024xf32, #tpu.memory_space<vmem>>)
    %add3A_515 = arith.constant 2080 : i32
    %add3A_516 = arith.addi %mul3A_2, %add3A_515 : i32
    %dma_start3A_517 = arith.constant 0 : i32
    %dma_start3A_518 = tpu.memref_slice %arg2[%add3A_516, %dma_start3A_517] : memref<100000x1024xf32, #tpu.memory_space<hbm>> -> memref<40x1024xf32, #tpu.memory_space<hbm>>
    %dma_start3A_519 = arith.constant 0 : i32
    %dma_start3A_520 = tpu.memref_slice %arg2[%add3A_516, %dma_start3A_519] : memref<100000x1024xf32, #tpu.memory_space<hbm>> -> memref<40x1024xf32, #tpu.memory_space<hbm>>
    tpu.enqueue_dma source(%dma_start3A_520 : memref<40x1024xf32, #tpu.memory_space<hbm>>) target(%arg4 : memref<40x1024xf32, #tpu.memory_space<vmem>>) target_semaphore(%arg6 : memref<!tpu.dma_semaphore, #tpu.memory_space<semaphore_mem>>)
    %dma_wait3A_521 = arith.constant 0 : i32
    %dma_wait3A_522 = tpu.memref_slice %arg2[%add3A_506, %dma_wait3A_521] : memref<100000x1024xf32, #tpu.memory_space<hbm>> -> memref<40x1024xf32, #tpu.memory_space<hbm>>
    %dma_wait3A_523 = arith.constant 0 : i32
    %dma_wait3A_524 = tpu.memref_slice %arg2[%add3A_506, %dma_wait3A_523] : memref<100000x1024xf32, #tpu.memory_space<hbm>> -> memref<40x1024xf32, #tpu.memory_space<hbm>>
    tpu.wait_dma2 semaphore(%arg7 : memref<!tpu.dma_semaphore, #tpu.memory_space<semaphore_mem>>) src(%dma_wait3A_524 : memref<40x1024xf32, #tpu.memory_space<hbm>>) dst(%arg5 : memref<40x1024xf32, #tpu.memory_space<vmem>>)
    %add3A_525 = arith.constant 2120 : i32
    %add3A_526 = arith.addi %mul3A_2, %add3A_525 : i32
    %dma_start3A_527 = arith.constant 0 : i32
    %dma_start3A_528 = tpu.memref_slice %arg2[%add3A_526, %dma_start3A_527] : memref<100000x1024xf32, #tpu.memory_space<hbm>> -> memref<40x1024xf32, #tpu.memory_space<hbm>>
    %dma_start3A_529 = arith.constant 0 : i32
    %dma_start3A_530 = tpu.memref_slice %arg2[%add3A_526, %dma_start3A_529] : memref<100000x1024xf32, #tpu.memory_space<hbm>> -> memref<40x1024xf32, #tpu.memory_space<hbm>>
    tpu.enqueue_dma source(%dma_start3A_530 : memref<40x1024xf32, #tpu.memory_space<hbm>>) target(%arg5 : memref<40x1024xf32, #tpu.memory_space<vmem>>) target_semaphore(%arg7 : memref<!tpu.dma_semaphore, #tpu.memory_space<semaphore_mem>>)
    %dma_wait3A_531 = arith.constant 0 : i32
    %dma_wait3A_532 = tpu.memref_slice %arg2[%add3A_516, %dma_wait3A_531] : memref<100000x1024xf32, #tpu.memory_space<hbm>> -> memref<40x1024xf32, #tpu.memory_space<hbm>>
    %dma_wait3A_533 = arith.constant 0 : i32
    %dma_wait3A_534 = tpu.memref_slice %arg2[%add3A_516, %dma_wait3A_533] : memref<100000x1024xf32, #tpu.memory_space<hbm>> -> memref<40x1024xf32, #tpu.memory_space<hbm>>
    tpu.wait_dma2 semaphore(%arg6 : memref<!tpu.dma_semaphore, #tpu.memory_space<semaphore_mem>>) src(%dma_wait3A_534 : memref<40x1024xf32, #tpu.memory_space<hbm>>) dst(%arg4 : memref<40x1024xf32, #tpu.memory_space<vmem>>)
    %add3A_535 = arith.constant 2160 : i32
    %add3A_536 = arith.addi %mul3A_2, %add3A_535 : i32
    %dma_start3A_537 = arith.constant 0 : i32
    %dma_start3A_538 = tpu.memref_slice %arg2[%add3A_536, %dma_start3A_537] : memref<100000x1024xf32, #tpu.memory_space<hbm>> -> memref<40x1024xf32, #tpu.memory_space<hbm>>
    %dma_start3A_539 = arith.constant 0 : i32
    %dma_start3A_540 = tpu.memref_slice %arg2[%add3A_536, %dma_start3A_539] : memref<100000x1024xf32, #tpu.memory_space<hbm>> -> memref<40x1024xf32, #tpu.memory_space<hbm>>
    tpu.enqueue_dma source(%dma_start3A_540 : memref<40x1024xf32, #tpu.memory_space<hbm>>) target(%arg4 : memref<40x1024xf32, #tpu.memory_space<vmem>>) target_semaphore(%arg6 : memref<!tpu.dma_semaphore, #tpu.memory_space<semaphore_mem>>)
    %dma_wait3A_541 = arith.constant 0 : i32
    %dma_wait3A_542 = tpu.memref_slice %arg2[%add3A_526, %dma_wait3A_541] : memref<100000x1024xf32, #tpu.memory_space<hbm>> -> memref<40x1024xf32, #tpu.memory_space<hbm>>
    %dma_wait3A_543 = arith.constant 0 : i32
    %dma_wait3A_544 = tpu.memref_slice %arg2[%add3A_526, %dma_wait3A_543] : memref<100000x1024xf32, #tpu.memory_space<hbm>> -> memref<40x1024xf32, #tpu.memory_space<hbm>>
    tpu.wait_dma2 semaphore(%arg7 : memref<!tpu.dma_semaphore, #tpu.memory_space<semaphore_mem>>) src(%dma_wait3A_544 : memref<40x1024xf32, #tpu.memory_space<hbm>>) dst(%arg5 : memref<40x1024xf32, #tpu.memory_space<vmem>>)
    %add3A_545 = arith.constant 2200 : i32
    %add3A_546 = arith.addi %mul3A_2, %add3A_545 : i32
    %dma_start3A_547 = arith.constant 0 : i32
    %dma_start3A_548 = tpu.memref_slice %arg2[%add3A_546, %dma_start3A_547] : memref<100000x1024xf32, #tpu.memory_space<hbm>> -> memref<40x1024xf32, #tpu.memory_space<hbm>>
    %dma_start3A_549 = arith.constant 0 : i32
    %dma_start3A_550 = tpu.memref_slice %arg2[%add3A_546, %dma_start3A_549] : memref<100000x1024xf32, #tpu.memory_space<hbm>> -> memref<40x1024xf32, #tpu.memory_space<hbm>>
    tpu.enqueue_dma source(%dma_start3A_550 : memref<40x1024xf32, #tpu.memory_space<hbm>>) target(%arg5 : memref<40x1024xf32, #tpu.memory_space<vmem>>) target_semaphore(%arg7 : memref<!tpu.dma_semaphore, #tpu.memory_space<semaphore_mem>>)
    %dma_wait3A_551 = arith.constant 0 : i32
    %dma_wait3A_552 = tpu.memref_slice %arg2[%add3A_536, %dma_wait3A_551] : memref<100000x1024xf32, #tpu.memory_space<hbm>> -> memref<40x1024xf32, #tpu.memory_space<hbm>>
    %dma_wait3A_553 = arith.constant 0 : i32
    %dma_wait3A_554 = tpu.memref_slice %arg2[%add3A_536, %dma_wait3A_553] : memref<100000x1024xf32, #tpu.memory_space<hbm>> -> memref<40x1024xf32, #tpu.memory_space<hbm>>
    tpu.wait_dma2 semaphore(%arg6 : memref<!tpu.dma_semaphore, #tpu.memory_space<semaphore_mem>>) src(%dma_wait3A_554 : memref<40x1024xf32, #tpu.memory_space<hbm>>) dst(%arg4 : memref<40x1024xf32, #tpu.memory_space<vmem>>)
    %add3A_555 = arith.constant 2240 : i32
    %add3A_556 = arith.addi %mul3A_2, %add3A_555 : i32
    %dma_start3A_557 = arith.constant 0 : i32
    %dma_start3A_558 = tpu.memref_slice %arg2[%add3A_556, %dma_start3A_557] : memref<100000x1024xf32, #tpu.memory_space<hbm>> -> memref<40x1024xf32, #tpu.memory_space<hbm>>
    %dma_start3A_559 = arith.constant 0 : i32
    %dma_start3A_560 = tpu.memref_slice %arg2[%add3A_556, %dma_start3A_559] : memref<100000x1024xf32, #tpu.memory_space<hbm>> -> memref<40x1024xf32, #tpu.memory_space<hbm>>
    tpu.enqueue_dma source(%dma_start3A_560 : memref<40x1024xf32, #tpu.memory_space<hbm>>) target(%arg4 : memref<40x1024xf32, #tpu.memory_space<vmem>>) target_semaphore(%arg6 : memref<!tpu.dma_semaphore, #tpu.memory_space<semaphore_mem>>)
    %dma_wait3A_561 = arith.constant 0 : i32
    %dma_wait3A_562 = tpu.memref_slice %arg2[%add3A_546, %dma_wait3A_561] : memref<100000x1024xf32, #tpu.memory_space<hbm>> -> memref<40x1024xf32, #tpu.memory_space<hbm>>
    %dma_wait3A_563 = arith.constant 0 : i32
    %dma_wait3A_564 = tpu.memref_slice %arg2[%add3A_546, %dma_wait3A_563] : memref<100000x1024xf32, #tpu.memory_space<hbm>> -> memref<40x1024xf32, #tpu.memory_space<hbm>>
    tpu.wait_dma2 semaphore(%arg7 : memref<!tpu.dma_semaphore, #tpu.memory_space<semaphore_mem>>) src(%dma_wait3A_564 : memref<40x1024xf32, #tpu.memory_space<hbm>>) dst(%arg5 : memref<40x1024xf32, #tpu.memory_space<vmem>>)
    %add3A_565 = arith.constant 2280 : i32
    %add3A_566 = arith.addi %mul3A_2, %add3A_565 : i32
    %dma_start3A_567 = arith.constant 0 : i32
    %dma_start3A_568 = tpu.memref_slice %arg2[%add3A_566, %dma_start3A_567] : memref<100000x1024xf32, #tpu.memory_space<hbm>> -> memref<40x1024xf32, #tpu.memory_space<hbm>>
    %dma_start3A_569 = arith.constant 0 : i32
    %dma_start3A_570 = tpu.memref_slice %arg2[%add3A_566, %dma_start3A_569] : memref<100000x1024xf32, #tpu.memory_space<hbm>> -> memref<40x1024xf32, #tpu.memory_space<hbm>>
    tpu.enqueue_dma source(%dma_start3A_570 : memref<40x1024xf32, #tpu.memory_space<hbm>>) target(%arg5 : memref<40x1024xf32, #tpu.memory_space<vmem>>) target_semaphore(%arg7 : memref<!tpu.dma_semaphore, #tpu.memory_space<semaphore_mem>>)
    %dma_wait3A_571 = arith.constant 0 : i32
    %dma_wait3A_572 = tpu.memref_slice %arg2[%add3A_556, %dma_wait3A_571] : memref<100000x1024xf32, #tpu.memory_space<hbm>> -> memref<40x1024xf32, #tpu.memory_space<hbm>>
    %dma_wait3A_573 = arith.constant 0 : i32
    %dma_wait3A_574 = tpu.memref_slice %arg2[%add3A_556, %dma_wait3A_573] : memref<100000x1024xf32, #tpu.memory_space<hbm>> -> memref<40x1024xf32, #tpu.memory_space<hbm>>
    tpu.wait_dma2 semaphore(%arg6 : memref<!tpu.dma_semaphore, #tpu.memory_space<semaphore_mem>>) src(%dma_wait3A_574 : memref<40x1024xf32, #tpu.memory_space<hbm>>) dst(%arg4 : memref<40x1024xf32, #tpu.memory_space<vmem>>)
    %add3A_575 = arith.constant 2320 : i32
    %add3A_576 = arith.addi %mul3A_2, %add3A_575 : i32
    %dma_start3A_577 = arith.constant 0 : i32
    %dma_start3A_578 = tpu.memref_slice %arg2[%add3A_576, %dma_start3A_577] : memref<100000x1024xf32, #tpu.memory_space<hbm>> -> memref<40x1024xf32, #tpu.memory_space<hbm>>
    %dma_start3A_579 = arith.constant 0 : i32
    %dma_start3A_580 = tpu.memref_slice %arg2[%add3A_576, %dma_start3A_579] : memref<100000x1024xf32, #tpu.memory_space<hbm>> -> memref<40x1024xf32, #tpu.memory_space<hbm>>
    tpu.enqueue_dma source(%dma_start3A_580 : memref<40x1024xf32, #tpu.memory_space<hbm>>) target(%arg4 : memref<40x1024xf32, #tpu.memory_space<vmem>>) target_semaphore(%arg6 : memref<!tpu.dma_semaphore, #tpu.memory_space<semaphore_mem>>)
    %dma_wait3A_581 = arith.constant 0 : i32
    %dma_wait3A_582 = tpu.memref_slice %arg2[%add3A_566, %dma_wait3A_581] : memref<100000x1024xf32, #tpu.memory_space<hbm>> -> memref<40x1024xf32, #tpu.memory_space<hbm>>
    %dma_wait3A_583 = arith.constant 0 : i32
    %dma_wait3A_584 = tpu.memref_slice %arg2[%add3A_566, %dma_wait3A_583] : memref<100000x1024xf32, #tpu.memory_space<hbm>> -> memref<40x1024xf32, #tpu.memory_space<hbm>>
    tpu.wait_dma2 semaphore(%arg7 : memref<!tpu.dma_semaphore, #tpu.memory_space<semaphore_mem>>) src(%dma_wait3A_584 : memref<40x1024xf32, #tpu.memory_space<hbm>>) dst(%arg5 : memref<40x1024xf32, #tpu.memory_space<vmem>>)
    %add3A_585 = arith.constant 2360 : i32
    %add3A_586 = arith.addi %mul3A_2, %add3A_585 : i32
    %dma_start3A_587 = arith.constant 0 : i32
    %dma_start3A_588 = tpu.memref_slice %arg2[%add3A_586, %dma_start3A_587] : memref<100000x1024xf32, #tpu.memory_space<hbm>> -> memref<40x1024xf32, #tpu.memory_space<hbm>>
    %dma_start3A_589 = arith.constant 0 : i32
    %dma_start3A_590 = tpu.memref_slice %arg2[%add3A_586, %dma_start3A_589] : memref<100000x1024xf32, #tpu.memory_space<hbm>> -> memref<40x1024xf32, #tpu.memory_space<hbm>>
    tpu.enqueue_dma source(%dma_start3A_590 : memref<40x1024xf32, #tpu.memory_space<hbm>>) target(%arg5 : memref<40x1024xf32, #tpu.memory_space<vmem>>) target_semaphore(%arg7 : memref<!tpu.dma_semaphore, #tpu.memory_space<semaphore_mem>>)
    %dma_wait3A_591 = arith.constant 0 : i32
    %dma_wait3A_592 = tpu.memref_slice %arg2[%add3A_576, %dma_wait3A_591] : memref<100000x1024xf32, #tpu.memory_space<hbm>> -> memref<40x1024xf32, #tpu.memory_space<hbm>>
    %dma_wait3A_593 = arith.constant 0 : i32
    %dma_wait3A_594 = tpu.memref_slice %arg2[%add3A_576, %dma_wait3A_593] : memref<100000x1024xf32, #tpu.memory_space<hbm>> -> memref<40x1024xf32, #tpu.memory_space<hbm>>
    tpu.wait_dma2 semaphore(%arg6 : memref<!tpu.dma_semaphore, #tpu.memory_space<semaphore_mem>>) src(%dma_wait3A_594 : memref<40x1024xf32, #tpu.memory_space<hbm>>) dst(%arg4 : memref<40x1024xf32, #tpu.memory_space<vmem>>)
    %add3A_595 = arith.constant 2400 : i32
    %add3A_596 = arith.addi %mul3A_2, %add3A_595 : i32
    %dma_start3A_597 = arith.constant 0 : i32
    %dma_start3A_598 = tpu.memref_slice %arg2[%add3A_596, %dma_start3A_597] : memref<100000x1024xf32, #tpu.memory_space<hbm>> -> memref<40x1024xf32, #tpu.memory_space<hbm>>
    %dma_start3A_599 = arith.constant 0 : i32
    %dma_start3A_600 = tpu.memref_slice %arg2[%add3A_596, %dma_start3A_599] : memref<100000x1024xf32, #tpu.memory_space<hbm>> -> memref<40x1024xf32, #tpu.memory_space<hbm>>
    tpu.enqueue_dma source(%dma_start3A_600 : memref<40x1024xf32, #tpu.memory_space<hbm>>) target(%arg4 : memref<40x1024xf32, #tpu.memory_space<vmem>>) target_semaphore(%arg6 : memref<!tpu.dma_semaphore, #tpu.memory_space<semaphore_mem>>)
    %dma_wait3A_601 = arith.constant 0 : i32
    %dma_wait3A_602 = tpu.memref_slice %arg2[%add3A_586, %dma_wait3A_601] : memref<100000x1024xf32, #tpu.memory_space<hbm>> -> memref<40x1024xf32, #tpu.memory_space<hbm>>
    %dma_wait3A_603 = arith.constant 0 : i32
    %dma_wait3A_604 = tpu.memref_slice %arg2[%add3A_586, %dma_wait3A_603] : memref<100000x1024xf32, #tpu.memory_space<hbm>> -> memref<40x1024xf32, #tpu.memory_space<hbm>>
    tpu.wait_dma2 semaphore(%arg7 : memref<!tpu.dma_semaphore, #tpu.memory_space<semaphore_mem>>) src(%dma_wait3A_604 : memref<40x1024xf32, #tpu.memory_space<hbm>>) dst(%arg5 : memref<40x1024xf32, #tpu.memory_space<vmem>>)
    %add3A_605 = arith.constant 2440 : i32
    %add3A_606 = arith.addi %mul3A_2, %add3A_605 : i32
    %dma_start3A_607 = arith.constant 0 : i32
    %dma_start3A_608 = tpu.memref_slice %arg2[%add3A_606, %dma_start3A_607] : memref<100000x1024xf32, #tpu.memory_space<hbm>> -> memref<40x1024xf32, #tpu.memory_space<hbm>>
    %dma_start3A_609 = arith.constant 0 : i32
    %dma_start3A_610 = tpu.memref_slice %arg2[%add3A_606, %dma_start3A_609] : memref<100000x1024xf32, #tpu.memory_space<hbm>> -> memref<40x1024xf32, #tpu.memory_space<hbm>>
    tpu.enqueue_dma source(%dma_start3A_610 : memref<40x1024xf32, #tpu.memory_space<hbm>>) target(%arg5 : memref<40x1024xf32, #tpu.memory_space<vmem>>) target_semaphore(%arg7 : memref<!tpu.dma_semaphore, #tpu.memory_space<semaphore_mem>>)
    %dma_wait3A_611 = arith.constant 0 : i32
    %dma_wait3A_612 = tpu.memref_slice %arg2[%add3A_596, %dma_wait3A_611] : memref<100000x1024xf32, #tpu.memory_space<hbm>> -> memref<40x1024xf32, #tpu.memory_space<hbm>>
    %dma_wait3A_613 = arith.constant 0 : i32
    %dma_wait3A_614 = tpu.memref_slice %arg2[%add3A_596, %dma_wait3A_613] : memref<100000x1024xf32, #tpu.memory_space<hbm>> -> memref<40x1024xf32, #tpu.memory_space<hbm>>
    tpu.wait_dma2 semaphore(%arg6 : memref<!tpu.dma_semaphore, #tpu.memory_space<semaphore_mem>>) src(%dma_wait3A_614 : memref<40x1024xf32, #tpu.memory_space<hbm>>) dst(%arg4 : memref<40x1024xf32, #tpu.memory_space<vmem>>)
    %add3A_615 = arith.constant 2480 : i32
    %add3A_616 = arith.addi %mul3A_2, %add3A_615 : i32
    %dma_start3A_617 = arith.constant 0 : i32
    %dma_start3A_618 = tpu.memref_slice %arg2[%add3A_616, %dma_start3A_617] : memref<100000x1024xf32, #tpu.memory_space<hbm>> -> memref<40x1024xf32, #tpu.memory_space<hbm>>
    %dma_start3A_619 = arith.constant 0 : i32
    %dma_start3A_620 = tpu.memref_slice %arg2[%add3A_616, %dma_start3A_619] : memref<100000x1024xf32, #tpu.memory_space<hbm>> -> memref<40x1024xf32, #tpu.memory_space<hbm>>
    tpu.enqueue_dma source(%dma_start3A_620 : memref<40x1024xf32, #tpu.memory_space<hbm>>) target(%arg4 : memref<40x1024xf32, #tpu.memory_space<vmem>>) target_semaphore(%arg6 : memref<!tpu.dma_semaphore, #tpu.memory_space<semaphore_mem>>)
    %dma_wait3A_621 = arith.constant 0 : i32
    %dma_wait3A_622 = tpu.memref_slice %arg2[%add3A_606, %dma_wait3A_621] : memref<100000x1024xf32, #tpu.memory_space<hbm>> -> memref<40x1024xf32, #tpu.memory_space<hbm>>
    %dma_wait3A_623 = arith.constant 0 : i32
    %dma_wait3A_624 = tpu.memref_slice %arg2[%add3A_606, %dma_wait3A_623] : memref<100000x1024xf32, #tpu.memory_space<hbm>> -> memref<40x1024xf32, #tpu.memory_space<hbm>>
    tpu.wait_dma2 semaphore(%arg7 : memref<!tpu.dma_semaphore, #tpu.memory_space<semaphore_mem>>) src(%dma_wait3A_624 : memref<40x1024xf32, #tpu.memory_space<hbm>>) dst(%arg5 : memref<40x1024xf32, #tpu.memory_space<vmem>>)
    %add3A_625 = arith.constant 2520 : i32
    %add3A_626 = arith.addi %mul3A_2, %add3A_625 : i32
    %dma_start3A_627 = arith.constant 0 : i32
    %dma_start3A_628 = tpu.memref_slice %arg2[%add3A_626, %dma_start3A_627] : memref<100000x1024xf32, #tpu.memory_space<hbm>> -> memref<40x1024xf32, #tpu.memory_space<hbm>>
    %dma_start3A_629 = arith.constant 0 : i32
    %dma_start3A_630 = tpu.memref_slice %arg2[%add3A_626, %dma_start3A_629] : memref<100000x1024xf32, #tpu.memory_space<hbm>> -> memref<40x1024xf32, #tpu.memory_space<hbm>>
    tpu.enqueue_dma source(%dma_start3A_630 : memref<40x1024xf32, #tpu.memory_space<hbm>>) target(%arg5 : memref<40x1024xf32, #tpu.memory_space<vmem>>) target_semaphore(%arg7 : memref<!tpu.dma_semaphore, #tpu.memory_space<semaphore_mem>>)
    %dma_wait3A_631 = arith.constant 0 : i32
    %dma_wait3A_632 = tpu.memref_slice %arg2[%add3A_616, %dma_wait3A_631] : memref<100000x1024xf32, #tpu.memory_space<hbm>> -> memref<40x1024xf32, #tpu.memory_space<hbm>>
    %dma_wait3A_633 = arith.constant 0 : i32
    %dma_wait3A_634 = tpu.memref_slice %arg2[%add3A_616, %dma_wait3A_633] : memref<100000x1024xf32, #tpu.memory_space<hbm>> -> memref<40x1024xf32, #tpu.memory_space<hbm>>
    tpu.wait_dma2 semaphore(%arg6 : memref<!tpu.dma_semaphore, #tpu.memory_space<semaphore_mem>>) src(%dma_wait3A_634 : memref<40x1024xf32, #tpu.memory_space<hbm>>) dst(%arg4 : memref<40x1024xf32, #tpu.memory_space<vmem>>)
    %add3A_635 = arith.constant 2560 : i32
    %add3A_636 = arith.addi %mul3A_2, %add3A_635 : i32
    %dma_start3A_637 = arith.constant 0 : i32
    %dma_start3A_638 = tpu.memref_slice %arg2[%add3A_636, %dma_start3A_637] : memref<100000x1024xf32, #tpu.memory_space<hbm>> -> memref<40x1024xf32, #tpu.memory_space<hbm>>
    %dma_start3A_639 = arith.constant 0 : i32
    %dma_start3A_640 = tpu.memref_slice %arg2[%add3A_636, %dma_start3A_639] : memref<100000x1024xf32, #tpu.memory_space<hbm>> -> memref<40x1024xf32, #tpu.memory_space<hbm>>
    tpu.enqueue_dma source(%dma_start3A_640 : memref<40x1024xf32, #tpu.memory_space<hbm>>) target(%arg4 : memref<40x1024xf32, #tpu.memory_space<vmem>>) target_semaphore(%arg6 : memref<!tpu.dma_semaphore, #tpu.memory_space<semaphore_mem>>)
    %dma_wait3A_641 = arith.constant 0 : i32
    %dma_wait3A_642 = tpu.memref_slice %arg2[%add3A_626, %dma_wait3A_641] : memref<100000x1024xf32, #tpu.memory_space<hbm>> -> memref<40x1024xf32, #tpu.memory_space<hbm>>
    %dma_wait3A_643 = arith.constant 0 : i32
    %dma_wait3A_644 = tpu.memref_slice %arg2[%add3A_626, %dma_wait3A_643] : memref<100000x1024xf32, #tpu.memory_space<hbm>> -> memref<40x1024xf32, #tpu.memory_space<hbm>>
    tpu.wait_dma2 semaphore(%arg7 : memref<!tpu.dma_semaphore, #tpu.memory_space<semaphore_mem>>) src(%dma_wait3A_644 : memref<40x1024xf32, #tpu.memory_space<hbm>>) dst(%arg5 : memref<40x1024xf32, #tpu.memory_space<vmem>>)
    %add3A_645 = arith.constant 2600 : i32
    %add3A_646 = arith.addi %mul3A_2, %add3A_645 : i32
    %dma_start3A_647 = arith.constant 0 : i32
    %dma_start3A_648 = tpu.memref_slice %arg2[%add3A_646, %dma_start3A_647] : memref<100000x1024xf32, #tpu.memory_space<hbm>> -> memref<40x1024xf32, #tpu.memory_space<hbm>>
    %dma_start3A_649 = arith.constant 0 : i32
    %dma_start3A_650 = tpu.memref_slice %arg2[%add3A_646, %dma_start3A_649] : memref<100000x1024xf32, #tpu.memory_space<hbm>> -> memref<40x1024xf32, #tpu.memory_space<hbm>>
    tpu.enqueue_dma source(%dma_start3A_650 : memref<40x1024xf32, #tpu.memory_space<hbm>>) target(%arg5 : memref<40x1024xf32, #tpu.memory_space<vmem>>) target_semaphore(%arg7 : memref<!tpu.dma_semaphore, #tpu.memory_space<semaphore_mem>>)
    %dma_wait3A_651 = arith.constant 0 : i32
    %dma_wait3A_652 = tpu.memref_slice %arg2[%add3A_636, %dma_wait3A_651] : memref<100000x1024xf32, #tpu.memory_space<hbm>> -> memref<40x1024xf32, #tpu.memory_space<hbm>>
    %dma_wait3A_653 = arith.constant 0 : i32
    %dma_wait3A_654 = tpu.memref_slice %arg2[%add3A_636, %dma_wait3A_653] : memref<100000x1024xf32, #tpu.memory_space<hbm>> -> memref<40x1024xf32, #tpu.memory_space<hbm>>
    tpu.wait_dma2 semaphore(%arg6 : memref<!tpu.dma_semaphore, #tpu.memory_space<semaphore_mem>>) src(%dma_wait3A_654 : memref<40x1024xf32, #tpu.memory_space<hbm>>) dst(%arg4 : memref<40x1024xf32, #tpu.memory_space<vmem>>)
    %add3A_655 = arith.constant 2640 : i32
    %add3A_656 = arith.addi %mul3A_2, %add3A_655 : i32
    %dma_start3A_657 = arith.constant 0 : i32
    %dma_start3A_658 = tpu.memref_slice %arg2[%add3A_656, %dma_start3A_657] : memref<100000x1024xf32, #tpu.memory_space<hbm>> -> memref<40x1024xf32, #tpu.memory_space<hbm>>
    %dma_start3A_659 = arith.constant 0 : i32
    %dma_start3A_660 = tpu.memref_slice %arg2[%add3A_656, %dma_start3A_659] : memref<100000x1024xf32, #tpu.memory_space<hbm>> -> memref<40x1024xf32, #tpu.memory_space<hbm>>
    tpu.enqueue_dma source(%dma_start3A_660 : memref<40x1024xf32, #tpu.memory_space<hbm>>) target(%arg4 : memref<40x1024xf32, #tpu.memory_space<vmem>>) target_semaphore(%arg6 : memref<!tpu.dma_semaphore, #tpu.memory_space<semaphore_mem>>)
    %dma_wait3A_661 = arith.constant 0 : i32
    %dma_wait3A_662 = tpu.memref_slice %arg2[%add3A_646, %dma_wait3A_661] : memref<100000x1024xf32, #tpu.memory_space<hbm>> -> memref<40x1024xf32, #tpu.memory_space<hbm>>
    %dma_wait3A_663 = arith.constant 0 : i32
    %dma_wait3A_664 = tpu.memref_slice %arg2[%add3A_646, %dma_wait3A_663] : memref<100000x1024xf32, #tpu.memory_space<hbm>> -> memref<40x1024xf32, #tpu.memory_space<hbm>>
    tpu.wait_dma2 semaphore(%arg7 : memref<!tpu.dma_semaphore, #tpu.memory_space<semaphore_mem>>) src(%dma_wait3A_664 : memref<40x1024xf32, #tpu.memory_space<hbm>>) dst(%arg5 : memref<40x1024xf32, #tpu.memory_space<vmem>>)
    %add3A_665 = arith.constant 2680 : i32
    %add3A_666 = arith.addi %mul3A_2, %add3A_665 : i32
    %dma_start3A_667 = arith.constant 0 : i32
    %dma_start3A_668 = tpu.memref_slice %arg2[%add3A_666, %dma_start3A_667] : memref<100000x1024xf32, #tpu.memory_space<hbm>> -> memref<40x1024xf32, #tpu.memory_space<hbm>>
    %dma_start3A_669 = arith.constant 0 : i32
    %dma_start3A_670 = tpu.memref_slice %arg2[%add3A_666, %dma_start3A_669] : memref<100000x1024xf32, #tpu.memory_space<hbm>> -> memref<40x1024xf32, #tpu.memory_space<hbm>>
    tpu.enqueue_dma source(%dma_start3A_670 : memref<40x1024xf32, #tpu.memory_space<hbm>>) target(%arg5 : memref<40x1024xf32, #tpu.memory_space<vmem>>) target_semaphore(%arg7 : memref<!tpu.dma_semaphore, #tpu.memory_space<semaphore_mem>>)
    %dma_wait3A_671 = arith.constant 0 : i32
    %dma_wait3A_672 = tpu.memref_slice %arg2[%add3A_656, %dma_wait3A_671] : memref<100000x1024xf32, #tpu.memory_space<hbm>> -> memref<40x1024xf32, #tpu.memory_space<hbm>>
    %dma_wait3A_673 = arith.constant 0 : i32
    %dma_wait3A_674 = tpu.memref_slice %arg2[%add3A_656, %dma_wait3A_673] : memref<100000x1024xf32, #tpu.memory_space<hbm>> -> memref<40x1024xf32, #tpu.memory_space<hbm>>
    tpu.wait_dma2 semaphore(%arg6 : memref<!tpu.dma_semaphore, #tpu.memory_space<semaphore_mem>>) src(%dma_wait3A_674 : memref<40x1024xf32, #tpu.memory_space<hbm>>) dst(%arg4 : memref<40x1024xf32, #tpu.memory_space<vmem>>)
    %add3A_675 = arith.constant 2720 : i32
    %add3A_676 = arith.addi %mul3A_2, %add3A_675 : i32
    %dma_start3A_677 = arith.constant 0 : i32
    %dma_start3A_678 = tpu.memref_slice %arg2[%add3A_676, %dma_start3A_677] : memref<100000x1024xf32, #tpu.memory_space<hbm>> -> memref<40x1024xf32, #tpu.memory_space<hbm>>
    %dma_start3A_679 = arith.constant 0 : i32
    %dma_start3A_680 = tpu.memref_slice %arg2[%add3A_676, %dma_start3A_679] : memref<100000x1024xf32, #tpu.memory_space<hbm>> -> memref<40x1024xf32, #tpu.memory_space<hbm>>
    tpu.enqueue_dma source(%dma_start3A_680 : memref<40x1024xf32, #tpu.memory_space<hbm>>) target(%arg4 : memref<40x1024xf32, #tpu.memory_space<vmem>>) target_semaphore(%arg6 : memref<!tpu.dma_semaphore, #tpu.memory_space<semaphore_mem>>)
    %dma_wait3A_681 = arith.constant 0 : i32
    %dma_wait3A_682 = tpu.memref_slice %arg2[%add3A_666, %dma_wait3A_681] : memref<100000x1024xf32, #tpu.memory_space<hbm>> -> memref<40x1024xf32, #tpu.memory_space<hbm>>
    %dma_wait3A_683 = arith.constant 0 : i32
    %dma_wait3A_684 = tpu.memref_slice %arg2[%add3A_666, %dma_wait3A_683] : memref<100000x1024xf32, #tpu.memory_space<hbm>> -> memref<40x1024xf32, #tpu.memory_space<hbm>>
    tpu.wait_dma2 semaphore(%arg7 : memref<!tpu.dma_semaphore, #tpu.memory_space<semaphore_mem>>) src(%dma_wait3A_684 : memref<40x1024xf32, #tpu.memory_space<hbm>>) dst(%arg5 : memref<40x1024xf32, #tpu.memory_space<vmem>>)
    %add3A_685 = arith.constant 2760 : i32
    %add3A_686 = arith.addi %mul3A_2, %add3A_685 : i32
    %dma_start3A_687 = arith.constant 0 : i32
    %dma_start3A_688 = tpu.memref_slice %arg2[%add3A_686, %dma_start3A_687] : memref<100000x1024xf32, #tpu.memory_space<hbm>> -> memref<40x1024xf32, #tpu.memory_space<hbm>>
    %dma_start3A_689 = arith.constant 0 : i32
    %dma_start3A_690 = tpu.memref_slice %arg2[%add3A_686, %dma_start3A_689] : memref<100000x1024xf32, #tpu.memory_space<hbm>> -> memref<40x1024xf32, #tpu.memory_space<hbm>>
    tpu.enqueue_dma source(%dma_start3A_690 : memref<40x1024xf32, #tpu.memory_space<hbm>>) target(%arg5 : memref<40x1024xf32, #tpu.memory_space<vmem>>) target_semaphore(%arg7 : memref<!tpu.dma_semaphore, #tpu.memory_space<semaphore_mem>>)
    %dma_wait3A_691 = arith.constant 0 : i32
    %dma_wait3A_692 = tpu.memref_slice %arg2[%add3A_676, %dma_wait3A_691] : memref<100000x1024xf32, #tpu.memory_space<hbm>> -> memref<40x1024xf32, #tpu.memory_space<hbm>>
    %dma_wait3A_693 = arith.constant 0 : i32
    %dma_wait3A_694 = tpu.memref_slice %arg2[%add3A_676, %dma_wait3A_693] : memref<100000x1024xf32, #tpu.memory_space<hbm>> -> memref<40x1024xf32, #tpu.memory_space<hbm>>
    tpu.wait_dma2 semaphore(%arg6 : memref<!tpu.dma_semaphore, #tpu.memory_space<semaphore_mem>>) src(%dma_wait3A_694 : memref<40x1024xf32, #tpu.memory_space<hbm>>) dst(%arg4 : memref<40x1024xf32, #tpu.memory_space<vmem>>)
    %add3A_695 = arith.constant 2800 : i32
    %add3A_696 = arith.addi %mul3A_2, %add3A_695 : i32
    %dma_start3A_697 = arith.constant 0 : i32
    %dma_start3A_698 = tpu.memref_slice %arg2[%add3A_696, %dma_start3A_697] : memref<100000x1024xf32, #tpu.memory_space<hbm>> -> memref<40x1024xf32, #tpu.memory_space<hbm>>
    %dma_start3A_699 = arith.constant 0 : i32
    %dma_start3A_700 = tpu.memref_slice %arg2[%add3A_696, %dma_start3A_699] : memref<100000x1024xf32, #tpu.memory_space<hbm>> -> memref<40x1024xf32, #tpu.memory_space<hbm>>
    tpu.enqueue_dma source(%dma_start3A_700 : memref<40x1024xf32, #tpu.memory_space<hbm>>) target(%arg4 : memref<40x1024xf32, #tpu.memory_space<vmem>>) target_semaphore(%arg6 : memref<!tpu.dma_semaphore, #tpu.memory_space<semaphore_mem>>)
    %dma_wait3A_701 = arith.constant 0 : i32
    %dma_wait3A_702 = tpu.memref_slice %arg2[%add3A_686, %dma_wait3A_701] : memref<100000x1024xf32, #tpu.memory_space<hbm>> -> memref<40x1024xf32, #tpu.memory_space<hbm>>
    %dma_wait3A_703 = arith.constant 0 : i32
    %dma_wait3A_704 = tpu.memref_slice %arg2[%add3A_686, %dma_wait3A_703] : memref<100000x1024xf32, #tpu.memory_space<hbm>> -> memref<40x1024xf32, #tpu.memory_space<hbm>>
    tpu.wait_dma2 semaphore(%arg7 : memref<!tpu.dma_semaphore, #tpu.memory_space<semaphore_mem>>) src(%dma_wait3A_704 : memref<40x1024xf32, #tpu.memory_space<hbm>>) dst(%arg5 : memref<40x1024xf32, #tpu.memory_space<vmem>>)
    %add3A_705 = arith.constant 2840 : i32
    %add3A_706 = arith.addi %mul3A_2, %add3A_705 : i32
    %dma_start3A_707 = arith.constant 0 : i32
    %dma_start3A_708 = tpu.memref_slice %arg2[%add3A_706, %dma_start3A_707] : memref<100000x1024xf32, #tpu.memory_space<hbm>> -> memref<40x1024xf32, #tpu.memory_space<hbm>>
    %dma_start3A_709 = arith.constant 0 : i32
    %dma_start3A_710 = tpu.memref_slice %arg2[%add3A_706, %dma_start3A_709] : memref<100000x1024xf32, #tpu.memory_space<hbm>> -> memref<40x1024xf32, #tpu.memory_space<hbm>>
    tpu.enqueue_dma source(%dma_start3A_710 : memref<40x1024xf32, #tpu.memory_space<hbm>>) target(%arg5 : memref<40x1024xf32, #tpu.memory_space<vmem>>) target_semaphore(%arg7 : memref<!tpu.dma_semaphore, #tpu.memory_space<semaphore_mem>>)
    %dma_wait3A_711 = arith.constant 0 : i32
    %dma_wait3A_712 = tpu.memref_slice %arg2[%add3A_696, %dma_wait3A_711] : memref<100000x1024xf32, #tpu.memory_space<hbm>> -> memref<40x1024xf32, #tpu.memory_space<hbm>>
    %dma_wait3A_713 = arith.constant 0 : i32
    %dma_wait3A_714 = tpu.memref_slice %arg2[%add3A_696, %dma_wait3A_713] : memref<100000x1024xf32, #tpu.memory_space<hbm>> -> memref<40x1024xf32, #tpu.memory_space<hbm>>
    tpu.wait_dma2 semaphore(%arg6 : memref<!tpu.dma_semaphore, #tpu.memory_space<semaphore_mem>>) src(%dma_wait3A_714 : memref<40x1024xf32, #tpu.memory_space<hbm>>) dst(%arg4 : memref<40x1024xf32, #tpu.memory_space<vmem>>)
    %add3A_715 = arith.constant 2880 : i32
    %add3A_716 = arith.addi %mul3A_2, %add3A_715 : i32
    %dma_start3A_717 = arith.constant 0 : i32
    %dma_start3A_718 = tpu.memref_slice %arg2[%add3A_716, %dma_start3A_717] : memref<100000x1024xf32, #tpu.memory_space<hbm>> -> memref<40x1024xf32, #tpu.memory_space<hbm>>
    %dma_start3A_719 = arith.constant 0 : i32
    %dma_start3A_720 = tpu.memref_slice %arg2[%add3A_716, %dma_start3A_719] : memref<100000x1024xf32, #tpu.memory_space<hbm>> -> memref<40x1024xf32, #tpu.memory_space<hbm>>
    tpu.enqueue_dma source(%dma_start3A_720 : memref<40x1024xf32, #tpu.memory_space<hbm>>) target(%arg4 : memref<40x1024xf32, #tpu.memory_space<vmem>>) target_semaphore(%arg6 : memref<!tpu.dma_semaphore, #tpu.memory_space<semaphore_mem>>)
    %dma_wait3A_721 = arith.constant 0 : i32
    %dma_wait3A_722 = tpu.memref_slice %arg2[%add3A_706, %dma_wait3A_721] : memref<100000x1024xf32, #tpu.memory_space<hbm>> -> memref<40x1024xf32, #tpu.memory_space<hbm>>
    %dma_wait3A_723 = arith.constant 0 : i32
    %dma_wait3A_724 = tpu.memref_slice %arg2[%add3A_706, %dma_wait3A_723] : memref<100000x1024xf32, #tpu.memory_space<hbm>> -> memref<40x1024xf32, #tpu.memory_space<hbm>>
    tpu.wait_dma2 semaphore(%arg7 : memref<!tpu.dma_semaphore, #tpu.memory_space<semaphore_mem>>) src(%dma_wait3A_724 : memref<40x1024xf32, #tpu.memory_space<hbm>>) dst(%arg5 : memref<40x1024xf32, #tpu.memory_space<vmem>>)
    %add3A_725 = arith.constant 2920 : i32
    %add3A_726 = arith.addi %mul3A_2, %add3A_725 : i32
    %dma_start3A_727 = arith.constant 0 : i32
    %dma_start3A_728 = tpu.memref_slice %arg2[%add3A_726, %dma_start3A_727] : memref<100000x1024xf32, #tpu.memory_space<hbm>> -> memref<40x1024xf32, #tpu.memory_space<hbm>>
    %dma_start3A_729 = arith.constant 0 : i32
    %dma_start3A_730 = tpu.memref_slice %arg2[%add3A_726, %dma_start3A_729] : memref<100000x1024xf32, #tpu.memory_space<hbm>> -> memref<40x1024xf32, #tpu.memory_space<hbm>>
    tpu.enqueue_dma source(%dma_start3A_730 : memref<40x1024xf32, #tpu.memory_space<hbm>>) target(%arg5 : memref<40x1024xf32, #tpu.memory_space<vmem>>) target_semaphore(%arg7 : memref<!tpu.dma_semaphore, #tpu.memory_space<semaphore_mem>>)
    %dma_wait3A_731 = arith.constant 0 : i32
    %dma_wait3A_732 = tpu.memref_slice %arg2[%add3A_716, %dma_wait3A_731] : memref<100000x1024xf32, #tpu.memory_space<hbm>> -> memref<40x1024xf32, #tpu.memory_space<hbm>>
    %dma_wait3A_733 = arith.constant 0 : i32
    %dma_wait3A_734 = tpu.memref_slice %arg2[%add3A_716, %dma_wait3A_733] : memref<100000x1024xf32, #tpu.memory_space<hbm>> -> memref<40x1024xf32, #tpu.memory_space<hbm>>
    tpu.wait_dma2 semaphore(%arg6 : memref<!tpu.dma_semaphore, #tpu.memory_space<semaphore_mem>>) src(%dma_wait3A_734 : memref<40x1024xf32, #tpu.memory_space<hbm>>) dst(%arg4 : memref<40x1024xf32, #tpu.memory_space<vmem>>)
    %add3A_735 = arith.constant 2960 : i32
    %add3A_736 = arith.addi %mul3A_2, %add3A_735 : i32
    %dma_start3A_737 = arith.constant 0 : i32
    %dma_start3A_738 = tpu.memref_slice %arg2[%add3A_736, %dma_start3A_737] : memref<100000x1024xf32, #tpu.memory_space<hbm>> -> memref<40x1024xf32, #tpu.memory_space<hbm>>
    %dma_start3A_739 = arith.constant 0 : i32
    %dma_start3A_740 = tpu.memref_slice %arg2[%add3A_736, %dma_start3A_739] : memref<100000x1024xf32, #tpu.memory_space<hbm>> -> memref<40x1024xf32, #tpu.memory_space<hbm>>
    tpu.enqueue_dma source(%dma_start3A_740 : memref<40x1024xf32, #tpu.memory_space<hbm>>) target(%arg4 : memref<40x1024xf32, #tpu.memory_space<vmem>>) target_semaphore(%arg6 : memref<!tpu.dma_semaphore, #tpu.memory_space<semaphore_mem>>)
    %dma_wait3A_741 = arith.constant 0 : i32
    %dma_wait3A_742 = tpu.memref_slice %arg2[%add3A_726, %dma_wait3A_741] : memref<100000x1024xf32, #tpu.memory_space<hbm>> -> memref<40x1024xf32, #tpu.memory_space<hbm>>
    %dma_wait3A_743 = arith.constant 0 : i32
    %dma_wait3A_744 = tpu.memref_slice %arg2[%add3A_726, %dma_wait3A_743] : memref<100000x1024xf32, #tpu.memory_space<hbm>> -> memref<40x1024xf32, #tpu.memory_space<hbm>>
    tpu.wait_dma2 semaphore(%arg7 : memref<!tpu.dma_semaphore, #tpu.memory_space<semaphore_mem>>) src(%dma_wait3A_744 : memref<40x1024xf32, #tpu.memory_space<hbm>>) dst(%arg5 : memref<40x1024xf32, #tpu.memory_space<vmem>>)
    %add3A_745 = arith.constant 3000 : i32
    %add3A_746 = arith.addi %mul3A_2, %add3A_745 : i32
    %dma_start3A_747 = arith.constant 0 : i32
    %dma_start3A_748 = tpu.memref_slice %arg2[%add3A_746, %dma_start3A_747] : memref<100000x1024xf32, #tpu.memory_space<hbm>> -> memref<40x1024xf32, #tpu.memory_space<hbm>>
    %dma_start3A_749 = arith.constant 0 : i32
    %dma_start3A_750 = tpu.memref_slice %arg2[%add3A_746, %dma_start3A_749] : memref<100000x1024xf32, #tpu.memory_space<hbm>> -> memref<40x1024xf32, #tpu.memory_space<hbm>>
    tpu.enqueue_dma source(%dma_start3A_750 : memref<40x1024xf32, #tpu.memory_space<hbm>>) target(%arg5 : memref<40x1024xf32, #tpu.memory_space<vmem>>) target_semaphore(%arg7 : memref<!tpu.dma_semaphore, #tpu.memory_space<semaphore_mem>>)
    %dma_wait3A_751 = arith.constant 0 : i32
    %dma_wait3A_752 = tpu.memref_slice %arg2[%add3A_736, %dma_wait3A_751] : memref<100000x1024xf32, #tpu.memory_space<hbm>> -> memref<40x1024xf32, #tpu.memory_space<hbm>>
    %dma_wait3A_753 = arith.constant 0 : i32
    %dma_wait3A_754 = tpu.memref_slice %arg2[%add3A_736, %dma_wait3A_753] : memref<100000x1024xf32, #tpu.memory_space<hbm>> -> memref<40x1024xf32, #tpu.memory_space<hbm>>
    tpu.wait_dma2 semaphore(%arg6 : memref<!tpu.dma_semaphore, #tpu.memory_space<semaphore_mem>>) src(%dma_wait3A_754 : memref<40x1024xf32, #tpu.memory_space<hbm>>) dst(%arg4 : memref<40x1024xf32, #tpu.memory_space<vmem>>)
    %add3A_755 = arith.constant 3040 : i32
    %add3A_756 = arith.addi %mul3A_2, %add3A_755 : i32
    %dma_start3A_757 = arith.constant 0 : i32
    %dma_start3A_758 = tpu.memref_slice %arg2[%add3A_756, %dma_start3A_757] : memref<100000x1024xf32, #tpu.memory_space<hbm>> -> memref<40x1024xf32, #tpu.memory_space<hbm>>
    %dma_start3A_759 = arith.constant 0 : i32
    %dma_start3A_760 = tpu.memref_slice %arg2[%add3A_756, %dma_start3A_759] : memref<100000x1024xf32, #tpu.memory_space<hbm>> -> memref<40x1024xf32, #tpu.memory_space<hbm>>
    tpu.enqueue_dma source(%dma_start3A_760 : memref<40x1024xf32, #tpu.memory_space<hbm>>) target(%arg4 : memref<40x1024xf32, #tpu.memory_space<vmem>>) target_semaphore(%arg6 : memref<!tpu.dma_semaphore, #tpu.memory_space<semaphore_mem>>)
    %dma_wait3A_761 = arith.constant 0 : i32
    %dma_wait3A_762 = tpu.memref_slice %arg2[%add3A_746, %dma_wait3A_761] : memref<100000x1024xf32, #tpu.memory_space<hbm>> -> memref<40x1024xf32, #tpu.memory_space<hbm>>
    %dma_wait3A_763 = arith.constant 0 : i32
    %dma_wait3A_764 = tpu.memref_slice %arg2[%add3A_746, %dma_wait3A_763] : memref<100000x1024xf32, #tpu.memory_space<hbm>> -> memref<40x1024xf32, #tpu.memory_space<hbm>>
    tpu.wait_dma2 semaphore(%arg7 : memref<!tpu.dma_semaphore, #tpu.memory_space<semaphore_mem>>) src(%dma_wait3A_764 : memref<40x1024xf32, #tpu.memory_space<hbm>>) dst(%arg5 : memref<40x1024xf32, #tpu.memory_space<vmem>>)
    %add3A_765 = arith.constant 3080 : i32
    %add3A_766 = arith.addi %mul3A_2, %add3A_765 : i32
    %dma_start3A_767 = arith.constant 0 : i32
    %dma_start3A_768 = tpu.memref_slice %arg2[%add3A_766, %dma_start3A_767] : memref<100000x1024xf32, #tpu.memory_space<hbm>> -> memref<40x1024xf32, #tpu.memory_space<hbm>>
    %dma_start3A_769 = arith.constant 0 : i32
    %dma_start3A_770 = tpu.memref_slice %arg2[%add3A_766, %dma_start3A_769] : memref<100000x1024xf32, #tpu.memory_space<hbm>> -> memref<40x1024xf32, #tpu.memory_space<hbm>>
    tpu.enqueue_dma source(%dma_start3A_770 : memref<40x1024xf32, #tpu.memory_space<hbm>>) target(%arg5 : memref<40x1024xf32, #tpu.memory_space<vmem>>) target_semaphore(%arg7 : memref<!tpu.dma_semaphore, #tpu.memory_space<semaphore_mem>>)
    %dma_wait3A_771 = arith.constant 0 : i32
    %dma_wait3A_772 = tpu.memref_slice %arg2[%add3A_756, %dma_wait3A_771] : memref<100000x1024xf32, #tpu.memory_space<hbm>> -> memref<40x1024xf32, #tpu.memory_space<hbm>>
    %dma_wait3A_773 = arith.constant 0 : i32
    %dma_wait3A_774 = tpu.memref_slice %arg2[%add3A_756, %dma_wait3A_773] : memref<100000x1024xf32, #tpu.memory_space<hbm>> -> memref<40x1024xf32, #tpu.memory_space<hbm>>
    tpu.wait_dma2 semaphore(%arg6 : memref<!tpu.dma_semaphore, #tpu.memory_space<semaphore_mem>>) src(%dma_wait3A_774 : memref<40x1024xf32, #tpu.memory_space<hbm>>) dst(%arg4 : memref<40x1024xf32, #tpu.memory_space<vmem>>)
    %dma_wait3A_775 = arith.constant 0 : i32
    %dma_wait3A_776 = tpu.memref_slice %arg2[%add3A_766, %dma_wait3A_775] : memref<100000x1024xf32, #tpu.memory_space<hbm>> -> memref<40x1024xf32, #tpu.memory_space<hbm>>
    %dma_wait3A_777 = arith.constant 0 : i32
    %dma_wait3A_778 = tpu.memref_slice %arg2[%add3A_766, %dma_wait3A_777] : memref<100000x1024xf32, #tpu.memory_space<hbm>> -> memref<40x1024xf32, #tpu.memory_space<hbm>>
    tpu.wait_dma2 semaphore(%arg7 : memref<!tpu.dma_semaphore, #tpu.memory_space<semaphore_mem>>) src(%dma_wait3A_778 : memref<40x1024xf32, #tpu.memory_space<hbm>>) dst(%arg5 : memref<40x1024xf32, #tpu.memory_space<vmem>>)
    %run_scoped3A = arith.constant 0 : i32
    "tpu.region"() ({
      %run_scoped3A_779 = tpu.sem_alloc : memref<!tpu.dma_semaphore, #tpu.memory_space<semaphore_mem>>
      %dma_start3A_780 = arith.constant 0 : i32
      %dma_start3A_781 = tpu.memref_slice %arg4[%run_scoped3A, %dma_start3A_780] : memref<40x1024xf32, #tpu.memory_space<vmem>> -> memref<1x16xf32, #tpu.memory_space<vmem>>
      %dma_start3A_782 = tpu.memref_squeeze %dma_start3A_781 : memref<1x16xf32, #tpu.memory_space<vmem>> -> memref<16xf32, #tpu.memory_space<vmem>>
      %dma_start3A_783 = arith.constant 0 : i32
      %dma_start3A_784 = tpu.memref_slice %arg3[%add3A, %dma_start3A_783] : memref<32x16xf32, #tpu.memory_space<hbm>> -> memref<1x16xf32, #tpu.memory_space<hbm>>
      %dma_start3A_785 = tpu.memref_squeeze %dma_start3A_784 : memref<1x16xf32, #tpu.memory_space<hbm>> -> memref<16xf32, #tpu.memory_space<hbm>>
      %dma_start3A_786 = arith.constant 0 : i32
      %dma_start3A_787 = tpu.memref_slice %arg3[%add3A, %dma_start3A_786] : memref<32x16xf32, #tpu.memory_space<hbm>> -> memref<1x16xf32, #tpu.memory_space<hbm>>
      %dma_start3A_788 = tpu.memref_squeeze %dma_start3A_787 : memref<1x16xf32, #tpu.memory_space<hbm>> -> memref<16xf32, #tpu.memory_space<hbm>>
      %dma_start3A_789 = arith.constant 0 : i32
      %dma_start3A_790 = tpu.memref_slice %arg4[%run_scoped3A, %dma_start3A_789] : memref<40x1024xf32, #tpu.memory_space<vmem>> -> memref<1x16xf32, #tpu.memory_space<vmem>>
      %dma_start3A_791 = tpu.memref_squeeze %dma_start3A_790 : memref<1x16xf32, #tpu.memory_space<vmem>> -> memref<16xf32, #tpu.memory_space<vmem>>
      tpu.enqueue_dma source(%dma_start3A_791 : memref<16xf32, #tpu.memory_space<vmem>>) target(%dma_start3A_788 : memref<16xf32, #tpu.memory_space<hbm>>) target_semaphore(%run_scoped3A_779 : memref<!tpu.dma_semaphore, #tpu.memory_space<semaphore_mem>>)
      %dma_wait3A_792 = arith.constant 0 : i32
      %dma_wait3A_793 = tpu.memref_slice %arg4[%run_scoped3A, %dma_wait3A_792] : memref<40x1024xf32, #tpu.memory_space<vmem>> -> memref<1x16xf32, #tpu.memory_space<vmem>>
      %dma_wait3A_794 = tpu.memref_squeeze %dma_wait3A_793 : memref<1x16xf32, #tpu.memory_space<vmem>> -> memref<16xf32, #tpu.memory_space<vmem>>
      %dma_wait3A_795 = arith.constant 0 : i32
      %dma_wait3A_796 = tpu.memref_slice %arg3[%add3A, %dma_wait3A_795] : memref<32x16xf32, #tpu.memory_space<hbm>> -> memref<1x16xf32, #tpu.memory_space<hbm>>
      %dma_wait3A_797 = tpu.memref_squeeze %dma_wait3A_796 : memref<1x16xf32, #tpu.memory_space<hbm>> -> memref<16xf32, #tpu.memory_space<hbm>>
      %dma_wait3A_798 = arith.constant 0 : i32
      %dma_wait3A_799 = tpu.memref_slice %arg3[%add3A, %dma_wait3A_798] : memref<32x16xf32, #tpu.memory_space<hbm>> -> memref<1x16xf32, #tpu.memory_space<hbm>>
      %dma_wait3A_800 = tpu.memref_squeeze %dma_wait3A_799 : memref<1x16xf32, #tpu.memory_space<hbm>> -> memref<16xf32, #tpu.memory_space<hbm>>
      %dma_wait3A_801 = arith.constant 0 : i32
      %dma_wait3A_802 = tpu.memref_slice %arg4[%run_scoped3A, %dma_wait3A_801] : memref<40x1024xf32, #tpu.memory_space<vmem>> -> memref<1x16xf32, #tpu.memory_space<vmem>>
      %dma_wait3A_803 = tpu.memref_squeeze %dma_wait3A_802 : memref<1x16xf32, #tpu.memory_space<vmem>> -> memref<16xf32, #tpu.memory_space<vmem>>
      tpu.wait_dma2 semaphore(%run_scoped3A_779 : memref<!tpu.dma_semaphore, #tpu.memory_space<semaphore_mem>>) src(%dma_wait3A_803 : memref<16xf32, #tpu.memory_space<vmem>>) dst(%dma_wait3A_800 : memref<16xf32, #tpu.memory_space<hbm>>)
      tpu.yield
    }) : () -> ()
    return
  }
}

</mosaic_0001>

<sc_bundles>
// kernel: kernel.3.cloned.1.call-start
scs
__scs_entry_jumppad:
0x0: {  	(pc) =	sbr.rel $0x88, $3  }
0x1: {  	(tag) =	ssettag $0x0;
	lr =	simm.s32 $0x1  }
0x2: {  	[smem:$0x3FA0] =	sst lr;
	_ =	strace $0xD0000000  }
0x3: {  	_ = 	snop  }
0x4: {  	_ = 	snop  }
0x5: {  	_ = 	snop  }
0x6: {  	_ = 	snop  }
0x7: {  	_ = 	snop  }
__scs_overlays_trampoline_lowered:
0x8: {  	[smem:$0x3FAF] =	sst s0  }
0x9: {  	[smem:$0x3FB0] =	sst s1  }
0xa: {  	[smem:$0x3FB1] =	sst s2  }
0xb: {  	[smem:$0x3FB2] =	sst s3  }
0xc: {  	[smem:$0x3FB3] =	sst s4  }
0xd: {  	[smem:$0x3FB4] =	sst s5  }
0xe: {  	[smem:$0x3FB5] =	sst s6  }
0xf: {  	[smem:$0x3FB6] =	sst s7  }
0x10: {  	[smem:$0x3FB7] =	sst s8  }
0x11: {  	[smem:$0x3FB8] =	sst s9;
	s0 =	simm.s32 @!p0 $0x0  }
0x12: {  	s1 =	sld [smem:$0x3F9E];
	s0 =	simm.s32 @p0 $0x1  }
0x13: {  	[smem:$0x3FB9] =	sst s0;
	s0 =	simm.s32 @!p1 $0x0  }
0x14: {  	s2 =	sld [smem:$0x3F9D];
	s0 =	simm.s32 @p1 $0x1  }
0x15: {  	[smem:$0x3FBA] =	sst s0;
	s0 =	simm.s32 @!p2 $0x0  }
0x16: {  	s3 =	sld [smem:$0x3FDB];
	s0 =	simm.s32 @p2 $0x1  }
0x17: {  	s4 =	simm.s32 $0x1BF5;
	[smem:$0x3FBC] =	sst s0  }
0x18: {  	s0 =	sld [smem:$0x3F9F];
	_ =	swait.ge [sflag:s4], $0x0  }
0x19: {  	s7 =	sld [smem:$0x3FA0]  }
0x1a: {  	s8 =	sadd.s32 $0xFFFFE003, lr  }
0x1b: {  	s9 =	sadd.s32 $0xFFFFFEF7, lr;
	s5 =	simm.s32 $0xFFFFFFFF;
	p2 =	slt.u32 s8, $0xFFFFF086  }
0x1c: {  	p1 =	slt.u32 s9, $0xF7A;
	s5 =	simm.s32 @!p2 $0x0  }
0x1d: {  	s5 =	simm.s32 @p1 $0x1;
	p0 =	seq.s32 s7, s2  }
0x1e: {  	s7 =	smul.u32 @!p0 $0xF7A, s2;
	p2 =	seq.s32 @!p0 s5, $0x0  }
0x1f: {  	s9 =	smul.u32 $0xF7A, s1;
	s8 =	simm.s32 @!p0 $0x1BF5;
	p2 =	por !p2, p0  }
0x20: {  	[sflag:s8] =	ssyncset.s32 @!p0 $0xFFFFF086;
	s6 =	sadd.s32 @!p0 s3, s7;
	s7 =	simm.s32 @!p0 $0x108  }
0x21: {  	s3 =	sadd.s32 s3, s9;
	s6 =	sadd.s32 @!p0 $0x88, s6;
	s7 =	simm.s32 @p2 $0x1082  }
0x22: {  	[simem:s7], [sflag:s8] =	dma.local @!p0 [hbm:s6], $0xF7A  }
0x23: {  	s9 =	sor.u32 $0xD0000000, s2;
	s6 =	simm.s32 $0x108;
	_ =	swait.ge @!p0 [sflag:s8], $0x0  }
0x24: {  	s3 =	sadd.s32 $0x88, s3;
	s6 =	simm.s32 @!p1 $0x1082;
	[sflag:s4] =	ssyncset.s32 $0xFFFFF086  }
0x25: {  	[simem:s6], [sflag:s4] =	dma.local [hbm:s3], $0xF7A  }
0x26: {  	[smem:$0x3FA0] =	sst s1;
	(tag) =	ssettag s2;
	_ =	strace s9  }
0x27: {  	s1 =	sld [smem:$0x3FB0]  }
0x28: {  	s2 =	sld [smem:$0x3FB1]  }
0x29: {  	s4 =	sld [smem:$0x3FB3]  }
0x2a: {  	p0 =	seq.s32 s5, $0x0;
	s5 =	sld [smem:$0x3FB4]  }
0x2b: {  	s6 =	sld [smem:$0x3FB5]  }
0x2c: {  	s7 =	sld [smem:$0x3FB6]  }
0x2d: {  	s3 =	simm.s32 $0x108;
	s8 =	sld [smem:$0x3FB7]  }
0x2e: {  	s3 =	simm.s32 @!p0 $0x1082;
	s9 =	sld [smem:$0x3FB8]  }
0x2f: {  	lr =	sadd.s32 s0, s3;
	s0 =	sld [smem:$0x3FAF]  }
0x30: {  	s3 =	sld [smem:$0x3FB2]  }
0x31: {  	[smem:$0x3FBB] =	sst s10  }
0x32: {  	s10 =	sld [smem:$0x3FB9];
	_ =	sdelay $0x3  }
0x33: {  	p0 =	seq.s32 s10, $0x1;
	s10 =	sld [smem:$0x3FBB];
	_ =	sdelay $0x3  }
0x34: {  	[smem:$0x3FBB] =	sst s10  }
0x35: {  	s10 =	sld [smem:$0x3FBA];
	_ =	sdelay $0x3  }
0x36: {  	p1 =	seq.s32 s10, $0x1;
	s10 =	sld [smem:$0x3FBB];
	_ =	sdelay $0x3  }
0x37: {  	[smem:$0x3FBB] =	sst s10  }
0x38: {  	s10 =	sld [smem:$0x3FBC]  }
0x39: {  	_ = 	snop;
	(pc) =	sbr.ind lr, $3  }
0x3a: {  	_ = 	snop  }
0x3b: {  	_ = 	snop  }
0x3c: {  	p2 =	seq.s32 s10, $0x1;
	s10 =	sld [smem:$0x3FBB]  }
0x3d: {  	_ =	shalt  }
0x3e: {  	_ =	shalt  }
0x3f: {  	_ =	shalt  }
0x40: {  	_ =	shalt  }
0x41: {  	_ =	shalt  }
0x42: {  	_ =	shalt  }
0x43: {  	_ =	shalt  }
0x44: {  	_ =	shalt  }
0x45: {  	_ =	shalt  }
0x46: {  	_ =	shalt  }
0x47: {  	_ =	shalt  }
0x48: {  	_ =	shalt  }
0x49: {  	_ =	shalt  }
0x4a: {  	_ =	shalt  }
0x4b: {  	_ =	shalt  }
0x4c: {  	_ =	shalt  }
0x4d: {  	_ =	shalt  }
0x4e: {  	_ =	shalt  }
0x4f: {  	_ =	shalt  }
0x50: {  	_ =	shalt  }
0x51: {  	_ =	shalt  }
0x52: {  	_ =	shalt  }
0x53: {  	_ =	shalt  }
0x54: {  	_ =	shalt  }
0x55: {  	_ =	shalt  }
0x56: {  	_ =	shalt  }
0x57: {  	_ =	shalt  }
0x58: {  	_ =	shalt  }
0x59: {  	_ =	shalt  }
0x5a: {  	_ =	shalt  }
0x5b: {  	_ =	shalt  }
0x5c: {  	_ =	shalt  }
0x5d: {  	_ =	shalt  }
0x5e: {  	_ =	shalt  }
0x5f: {  	_ =	shalt  }
0x60: {  	_ =	shalt  }
0x61: {  	_ =	shalt  }
0x62: {  	_ =	shalt  }
0x63: {  	_ =	shalt  }
0x64: {  	_ =	shalt  }
0x65: {  	_ =	shalt  }
0x66: {  	_ =	shalt  }
0x67: {  	_ =	shalt  }
0x68: {  	_ =	shalt  }
0x69: {  	_ =	shalt  }
0x6a: {  	_ =	shalt  }
0x6b: {  	_ =	shalt  }
0x6c: {  	_ =	shalt  }
0x6d: {  	_ =	shalt  }
0x6e: {  	_ =	shalt  }
0x6f: {  	_ =	shalt  }
0x70: {  	_ =	shalt  }
0x71: {  	_ =	shalt  }
0x72: {  	_ =	shalt  }
0x73: {  	_ =	shalt  }
0x74: {  	_ =	shalt  }
0x75: {  	_ =	shalt  }
0x76: {  	_ =	shalt  }
0x77: {  	_ =	shalt  }
0x78: {  	_ =	shalt  }
0x79: {  	_ =	shalt  }
0x7a: {  	_ =	shalt  }
0x7b: {  	_ =	shalt  }
0x7c: {  	_ =	shalt  }
0x7d: {  	_ =	shalt  }
0x7e: {  	_ =	shalt  }
0x7f: {  	_ =	shalt  }
0x80: {  	_ =	shalt  }
0x81: {  	_ =	shalt  }
0x82: {  	_ =	shalt  }
0x83: {  	_ =	shalt  }
0x84: {  	_ =	shalt  }
0x85: {  	_ =	shalt  }
0x86: {  	_ =	shalt  }
0x87: {  	_ =	shalt  }
.Lfunc_end0:
.L_simem_size_0:
called_computation_lowered:
.L_overlay_start_0:
0x88: {  	s2 =	sld [smem:$0x3FD9]  }
0x89: {  	s3 =	sld [smem:$0x3FFE];
	_ =	sdelay $0x1  }
0x8a: {  	s1 =	srdreg.scid  }
0x8b: {  	s0 =	sand.u32 $0x1, s1  }
0x8c: {  	s17 =	sshll.u32 s0, $0xA;
	s2 =	sadd.s32 s3, s2  }
0x8d: {  	s2 =	sadd.s32 s2, s17  }
0x8e: {  	[smem:$0x3FC7] =	sst s2  }
0x8f: {  	_ = 	snop  }
0x90: {  	s2 =	sld [smem:$0x3FC9];
	(tm) =	ssettm $0x1  }
0x91: {  	s18 =	sld [smem:$0x3FFB];
	_ =	sdelay $0x3  }
0x92: {  	_ =	strace s18  }
0x93: {  	s3 =	sld [smem:$0x3FFC];
	_ =	sdelay $0x3  }
0x94: {  	_ =	strace s3  }
0x95: {  	s3 =	sld [smem:$0x3FFD];
	_ =	sdelay $0x3  }
0x96: {  	_ =	strace s3  }
0x97: {  	_ =	strace $0x8FFFFFFF  }
0x98: {  	s19 =	sld [smem:$0x3FDB];
	_ =	sdelay $0x1  }
0x99: {  	s4 =	simm.s32 $_scs_section_size  }
0x9a: {  	s5 =	simm.s32 $_size__tile_overlayer_lowered;
	s6 =	simm.s32 $_tile_overlayer_lowered  }
0x9b: {  	s22 =	simm.s32 $0x1BFF;
	s21 =	sshll.u32 s6, $0x1;
	s3 =	sadd.s32 s4, s19  }
0x9c: {  	s7 =	simm.s32 $0x0;
	s20 =	sshll.u32 s5, $0x1;
	s5 =	sadd.s32 s21, s3  }
0x9d: {  	[timem:s7], [sflag:s22] =	dma.local [hbm:s5], s20  }
0x9e: {  	_ =	swait.ge [sflag:s22], s20  }
0x9f: {  	s4 =	ssub.s32 $0x0, s20;
	[sflag:s22] =	ssyncset.done $0x0  }
0xa0: {  	[sflag:s22] =	ssyncadd.s32 s4;
	_ =	sdelay $0x1  }
0xa1: {  	s23 =	simm.s32 $0x1B8B  }
0xa2: {  	_ =	swait.ge [sflag:s23], $0x1  }
0xa3: {  	[sflag:s23] =	ssyncset.done $0x0  }
0xa4: {  	s25 =	simm.s32 $0x1B8E;
	s24 =	sld [smem:$0x3FFE];
	[sflag:s23] =	ssyncadd.s32 $0xFFFFFFFF  }
0xa5: {  	s26 =	simm.s32 $execute0_lowered;
	[smem:$0x3FD2] =	sst s25  }
0xa6: {  	s5 =	sshll.u32 s26, $0x1;
	_ =	strace $0x80000046;
	[dreg:$0x1] =	wrdreg $0xFFFFFFFF  }
0xa7: {  	s28 =	simm.s32 $_size_execute0_lowered;
	s3 =	sadd.s32 s3, s5;
	[dreg:$0x0] =	wrdreg $0x0  }
0xa8: {  	s5 =	sshll.u32 s28, $0x1;
	[dreg:$0x2] =	wrdreg s3  }
0xa9: {  	[dreg:$0x3] =	wrdreg s5  }
0xaa: {  	[dreg:$0x4] =	wrdreg $0xC0  }
0xab: {  	_ =	task [dreg:s7], $0x5FFFF  }
0xac: {  	[dreg:$0x1] =	wrdreg $0xFFFFFFFF  }
0xad: {  	[dreg:$0x0] =	wrdreg $0x60  }
0xae: {  	[dreg:$0x2] =	wrdreg s2  }
0xaf: {  	[dreg:$0x3] =	wrdreg s24  }
0xb0: {  	[dreg:$0x4] =	wrdreg $0x9  }
0xb1: {  	_ =	task.clear_ibuf [dreg:s7], $0x5FFFF;
	_ =	strace $0x90000046  }
0xb2: {  	s29 =	simm.s32 $0x9;
	_ =	strace $0x80000048  }
0xb3: {  	_ =	swait.ge [sflag:s29], $0x1  }
0xb4: {  	[sflag:s29] =	ssyncadd.s32 $0xFFFFFFFF  }
0xb5: {  	_ =	strace $0x90000048  }
0xb6: {  	_ =	sfence  }
0xb7: {  	s30 =	sld [smem:$0x0];
	_ =	sdelay $0x2  }
0xb8: {  	s31 =	sshll.u32 s1, $0xD;
	s1 =	sshrl.u32 s1, $0x2  }
0xb9: {  	s3 =	sand.u32 $0x4000, s31;
	s1 =	sadd.s32 s1, s30  }
0xba: {  	s0 =	sor.u32 s3, s0;
	s1 =	sshll.u32 s1, $0x11  }
0xbb: {  	s0 =	sor.u32 s1, s0  }
0xbc: {  	s0 =	sadd.s32 $0x8F2B, s0  }
0xbd: {  	[sflag:s0] =	ssyncadd.remote.s32 $0x1  }
0xbe: {  	_ =	sfence.sel $0xFFFF  }
0xbf: {  	[dreg:$0x0] =	wrdreg $0xFFFFFFFF;
	(pc) =	sbr.abs _section_cstart, $3  }
0xc0: {  	[dreg:$0x1] =	wrdreg $0xFFFFFFFF  }
0xc1: {  	_ =	task.clear_ibuf [dreg:s7], $0x2FFFF;
	_ =	strace $0x9FFFFFFF  }
0xc2: {  	(tm) =	ssettm $0x7FFFFFFF  }
0xc3: {  	_ =	shalt  }
tec
execute0_lowered:
.L_overlay_start_1:
0x0: {  	(tag) =	ssettag $0x1  }
0x1: {  	s1 =	srdreg.scid;
	s0 =	stileid.u32  }
0x2: {  	s5 =	sand.u32 $0x1, s1;
	s18 =	sshll.u32 s0, $0x1  }
0x3: {  	s3 =	sor.u32 s5, s18  }
0x4: {  	s6 =	smul.u32 $0x30C000, s3  }
0x5: {  	s4 =	rddreg [dreg:$0x0];
	s7 =	smul.u32 $0x61800, s3  }
0x6: {  	s2 =	simm.s32 $0x0;
	s1 =	rddreg [dreg:$0x1];
	s6 =	sshrl.u32 s6, $0x3  }
0x7: {  	[smem:$0x7FF] =	sst s2;
	s7 =	sadd.s32 s4, s7;
	s4 =	sadd.s32 s4, s6  }
0x8: {  	_ =	strace $0x80000047;
	[dreg:$0x3] =	wrdreg s7;
	s6 =	sadd.s32 $0x1400, s4  }
0x9: {  	s19 =	sadd.s32 $0x2800, s4;
	[dreg:$0x4] =	wrdreg s6  }
0xa: {  	s20 =	sadd.s32 $0x3C00, s4;
	[dreg:$0x5] =	wrdreg s19  }
0xb: {  	s21 =	sadd.s32 $0x5000, s4;
	[dreg:$0x6] =	wrdreg s20  }
0xc: {  	s22 =	sadd.s32 $0x6400, s4;
	[dreg:$0x7] =	wrdreg s21  }
0xd: {  	s23 =	sadd.s32 $0x7800, s4;
	[dreg:$0x8] =	wrdreg s22  }
0xe: {  	s24 =	sadd.s32 $0x8C00, s4;
	[dreg:$0x9] =	wrdreg s23  }
0xf: {  	s25 =	sadd.s32 $0xA000, s4;
	[dreg:$0xa] =	wrdreg s24  }
0x10: {  	s26 =	sadd.s32 $0xB400, s4;
	[dreg:$0xb] =	wrdreg s25  }
0x11: {  	s0 =	sadd.s32 $0xC800, s4;
	[dreg:$0xc] =	wrdreg s26  }
0x12: {  	s7 =	sadd.s32 $0xDC00, s4;
	[dreg:$0xd] =	wrdreg s0  }
0x13: {  	s8 =	sadd.s32 $0xF000, s4;
	[dreg:$0xe] =	wrdreg s7  }
0x14: {  	s9 =	sadd.s32 $0x10400, s4;
	[dreg:$0xf] =	wrdreg s8  }
0x15: {  	s10 =	sadd.s32 $0x11800, s4;
	[dreg:$0x10] =	wrdreg s9  }
0x16: {  	s11 =	sadd.s32 $0x12C00, s4;
	[dreg:$0x11] =	wrdreg s10  }
0x17: {  	s12 =	sadd.s32 $0x14000, s4;
	[dreg:$0x12] =	wrdreg s11  }
0x18: {  	s13 =	sadd.s32 $0x15400, s4;
	[dreg:$0x13] =	wrdreg s12  }
0x19: {  	s14 =	sadd.s32 $0x16800, s4;
	[dreg:$0x14] =	wrdreg s13  }
0x1a: {  	s15 =	sadd.s32 $0x17C00, s4;
	[dreg:$0x15] =	wrdreg s14  }
0x1b: {  	s16 =	sadd.s32 $0x19000, s4;
	[dreg:$0x16] =	wrdreg s15  }
0x1c: {  	s17 =	sadd.s32 $0x1A400, s4;
	[dreg:$0x17] =	wrdreg s16  }
0x1d: {  	s18 =	sadd.s32 $0x1B800, s4;
	[dreg:$0x18] =	wrdreg s17  }
0x1e: {  	[dreg:$0x19] =	wrdreg s18;
	s19 =	sadd.s32 $0x1CC00, s4  }
0x1f: {  	s20 =	sadd.s32 $0x1E000, s4;
	[dreg:$0x1a] =	wrdreg s19  }
0x20: {  	s21 =	sadd.s32 $0x1F400, s4;
	[dreg:$0x1b] =	wrdreg s20  }
0x21: {  	s22 =	sadd.s32 $0x20800, s4;
	[dreg:$0x1c] =	wrdreg s21  }
0x22: {  	s23 =	sadd.s32 $0x21C00, s4;
	[dreg:$0x1d] =	wrdreg s22  }
0x23: {  	s24 =	sadd.s32 $0x23000, s4;
	[dreg:$0x1e] =	wrdreg s23  }
0x24: {  	s25 =	sadd.s32 $0x24400, s4;
	[dreg:$0x1f] =	wrdreg s24  }
0x25: {  	s26 =	sadd.s32 $0x25800, s4;
	[smem:$0x7E2] =	sst s25  }
0x26: {  	s0 =	sadd.s32 $0x26C00, s4;
	[smem:$0x7E3] =	sst s26  }
0x27: {  	s7 =	sadd.s32 $0x28000, s4;
	[smem:$0x7E4] =	sst s0  }
0x28: {  	s8 =	sadd.s32 $0x29400, s4;
	[smem:$0x7E5] =	sst s7  }
0x29: {  	s9 =	sadd.s32 $0x2A800, s4;
	[smem:$0x7E6] =	sst s8  }
0x2a: {  	s10 =	sadd.s32 $0x2BC00, s4;
	[smem:$0x7E7] =	sst s9  }
0x2b: {  	s11 =	sadd.s32 $0x2D000, s4;
	[smem:$0x7E8] =	sst s10  }
0x2c: {  	s12 =	sadd.s32 $0x2E400, s4;
	[smem:$0x7E9] =	sst s11  }
0x2d: {  	s13 =	sadd.s32 $0x2F800, s4;
	[smem:$0x7EA] =	sst s12  }
0x2e: {  	s14 =	sadd.s32 $0x30C00, s4;
	[smem:$0x7EB] =	sst s13  }
0x2f: {  	p0 =	por $0x0, $0x0;
	s15 =	sadd.s32 $0x32000, s4;
	[smem:$0x7EC] =	sst s14  }
0x30: {  	s5 =	ssub.s32 $0x2, s5;
	s16 =	sadd.s32 $0x33400, s4;
	[smem:$0x7ED] =	sst s15  }
0x31: {  	s3 =	sshll.u32 s3, $0x4;
	s17 =	sadd.s32 $0x34800, s4;
	[smem:$0x7EE] =	sst s16  }
0x32: {  	s3 =	sadd.s32 s1, s3;
	s18 =	sadd.s32 $0x35C00, s4;
	[smem:$0x7EF] =	sst s17  }
0x33: {  	s31 =	sadd.s32 $0x47400, s4;
	[smem:$0x7F0] =	sst s18;
	s19 =	sadd.s32 $0x37000, s4  }
0x34: {  	s30 =	sadd.s32 $0x48800, s4;
	s20 =	sadd.s32 $0x38400, s4;
	[smem:$0x7F1] =	sst s19  }
0x35: {  	s29 =	sadd.s32 $0x49C00, s4;
	s21 =	sadd.s32 $0x39800, s4;
	[smem:$0x7F2] =	sst s20  }
0x36: {  	s28 =	sadd.s32 $0x4B000, s4;
	s22 =	sadd.s32 $0x3AC00, s4;
	[smem:$0x7F3] =	sst s21  }
0x37: {  	s6 =	simm.s32 $0x2;
	s23 =	sadd.s32 $0x3C000, s4;
	[smem:$0x7F4] =	sst s22  }
0x38: {  	s24 =	sadd.s32 $0x3D400, s4;
	s25 =	sadd.s32 $0x3E800, s4;
	[smem:$0x7F5] =	sst s23  }
0x39: {  	s26 =	sadd.s32 $0x3FC00, s4;
	s0 =	sadd.s32 $0x41000, s4;
	[smem:$0x7F6] =	sst s24  }
0x3a: {  	s7 =	sadd.s32 $0x42400, s4;
	s8 =	sadd.s32 $0x43800, s4;
	[smem:$0x7F7] =	sst s25  }
0x3b: {  	s9 =	sadd.s32 $0x44C00, s4;
	s10 =	sshrl.u32 s5, $0x1;
	[smem:$0x7F8] =	sst s26  }
0x3c: {  	s11 =	sadd.s32 $0x46000, s4;
	s18 =	sadd.s32 $0x56400, s4;
	[smem:$0x7F9] =	sst s0  }
0x3d: {  	s17 =	sadd.s32 $0x57800, s4;
	s16 =	sadd.s32 $0x58C00, s4;
	[smem:$0x7FA] =	sst s7  }
0x3e: {  	s15 =	sadd.s32 $0x5A000, s4;
	s14 =	sadd.s32 $0x5B400, s4;
	[smem:$0x7FB] =	sst s8  }
0x3f: {  	s13 =	sadd.s32 $0x5C800, s4;
	[smem:$0x7FC] =	sst s9;
	s7 =	ssub.s32 s5, s10  }
0x40: {  	[smem:$0x7FD] =	sst s11;
	s26 =	sadd.s32 $0x4C400, s4;
	s12 =	smax.u32 s7, $0x1  }
0x41: {  	s25 =	sadd.s32 $0x4D800, s4;
	s24 =	sadd.s32 $0x4EC00, s4;
	p1 =	sne.s32 s12, $0x1  }
.Ltmp0:
0x42: {  	s23 =	sadd.s32 $0x50000, s4;
	s22 =	sadd.s32 $0x51400, s4;
	(pc) =	sbr.rel @!p1 .LBB2_3-.Ltmp0, $4  }
0x43: {  	s21 =	sadd.s32 $0x52800, s4;
	s20 =	sadd.s32 $0x53C00, s4;
	s19 =	sadd.s32 $0x55000, s4  }
0x44: {  	s11 =	sadd.s32 $0x5DC00, s4;
	s9 =	sadd.s32 $0x5F000, s4;
	s5 =	sadd.s32 $0x60400, s4  }
0x45: {  	s10 =	simm.s32 $0x1;
	s8 =	simm.s32 $0x400;
	s4 =	simm.s32 $0x3  }
0x46: {  	s7 =	simm.s32 $0x80;
	s0 =	sadd.s32 $0xFFFFFFFF, s12;
	s12 =	simm.s32 $0xA000  }
0x47: {  	[smem:$0x7E1] =	sst s0  }
0x48: {  	s0 =	rddreg [dreg:$0x3]  }
0x49: {  	[tilespmem:s2], [sflag:$0x1] =	stream.linear.gather [hbm4b:s0+s2], $0xA000, $0x38;
	[tilespmem:$0x14000] =	vst v63  }
0x4a: {  	s1 =	rddreg [dreg:$0x4]  }
0x4b: {  	[tilespmem:s12], [sflag:$0x2] =	stream.linear.gather [hbm4b:s1+s2], $0xA000, $0x38;
	[tilespmem:$0x14000] =	vst v63  }
0x4c: {  	_ =	swait.ge [sflag:s10], $0xA000  }
0x4d: {  	[sflag:s10] =	ssyncset.done $0x0  }
0x4e: {  	s1 =	rddreg [dreg:$0x5];
	[sflag:s10] =	ssyncadd.s32 $0xFFFF6000  }
0x4f: {  	[tilespmem:s2], [sflag:$0x1] =	stream.linear.gather [hbm4b:s1+s2], $0xA000, $0x38;
	[tilespmem:$0x14000] =	vst v63  }
0x50: {  	_ =	swait.ge [sflag:s6], $0xA000  }
0x51: {  	[sflag:s6] =	ssyncset.done $0x0  }
0x52: {  	s1 =	rddreg [dreg:$0x6];
	[sflag:s6] =	ssyncadd.s32 $0xFFFF6000  }
0x53: {  	[tilespmem:s12], [sflag:$0x2] =	stream.linear.gather [hbm4b:s1+s2], $0xA000, $0x38;
	[tilespmem:$0x14000] =	vst v63  }
0x54: {  	_ =	swait.ge [sflag:s10], $0xA000  }
0x55: {  	[sflag:s10] =	ssyncset.done $0x0  }
0x56: {  	s1 =	rddreg [dreg:$0x7];
	[sflag:s10] =	ssyncadd.s32 $0xFFFF6000  }
0x57: {  	[tilespmem:s2], [sflag:$0x1] =	stream.linear.gather [hbm4b:s1+s2], $0xA000, $0x38;
	[tilespmem:$0x14000] =	vst v63  }
0x58: {  	_ =	swait.ge [sflag:s6], $0xA000  }
0x59: {  	[sflag:s6] =	ssyncset.done $0x0  }
0x5a: {  	s1 =	rddreg [dreg:$0x8];
	[sflag:s6] =	ssyncadd.s32 $0xFFFF6000  }
0x5b: {  	[tilespmem:s12], [sflag:$0x2] =	stream.linear.gather [hbm4b:s1+s2], $0xA000, $0x38;
	[tilespmem:$0x14000] =	vst v63  }
0x5c: {  	_ =	swait.ge [sflag:s10], $0xA000  }
0x5d: {  	[sflag:s10] =	ssyncset.done $0x0  }
0x5e: {  	s1 =	rddreg [dreg:$0x9];
	[sflag:s10] =	ssyncadd.s32 $0xFFFF6000  }
0x5f: {  	[tilespmem:s2], [sflag:$0x1] =	stream.linear.gather [hbm4b:s1+s2], $0xA000, $0x38;
	[tilespmem:$0x14000] =	vst v63  }
0x60: {  	_ =	swait.ge [sflag:s6], $0xA000  }
0x61: {  	[sflag:s6] =	ssyncset.done $0x0  }
0x62: {  	s1 =	rddreg [dreg:$0xa];
	[sflag:s6] =	ssyncadd.s32 $0xFFFF6000  }
0x63: {  	[tilespmem:s12], [sflag:$0x2] =	stream.linear.gather [hbm4b:s1+s2], $0xA000, $0x38;
	[tilespmem:$0x14000] =	vst v63  }
0x64: {  	_ =	swait.ge [sflag:s10], $0xA000  }
0x65: {  	[sflag:s10] =	ssyncset.done $0x0  }
0x66: {  	s1 =	rddreg [dreg:$0xb];
	[sflag:s10] =	ssyncadd.s32 $0xFFFF6000  }
0x67: {  	[tilespmem:s2], [sflag:$0x1] =	stream.linear.gather [hbm4b:s1+s2], $0xA000, $0x38;
	[tilespmem:$0x14000] =	vst v63  }
0x68: {  	_ =	swait.ge [sflag:s6], $0xA000  }
0x69: {  	[sflag:s6] =	ssyncset.done $0x0  }
0x6a: {  	s1 =	rddreg [dreg:$0xc];
	[sflag:s6] =	ssyncadd.s32 $0xFFFF6000  }
0x6b: {  	[tilespmem:s12], [sflag:$0x2] =	stream.linear.gather [hbm4b:s1+s2], $0xA000, $0x38;
	[tilespmem:$0x14000] =	vst v63  }
0x6c: {  	_ =	swait.ge [sflag:s10], $0xA000  }
0x6d: {  	[sflag:s10] =	ssyncset.done $0x0  }
0x6e: {  	s1 =	rddreg [dreg:$0xd];
	[sflag:s10] =	ssyncadd.s32 $0xFFFF6000  }
0x6f: {  	[tilespmem:s2], [sflag:$0x1] =	stream.linear.gather [hbm4b:s1+s2], $0xA000, $0x38;
	[tilespmem:$0x14000] =	vst v63  }
0x70: {  	_ =	swait.ge [sflag:s6], $0xA000  }
0x71: {  	[sflag:s6] =	ssyncset.done $0x0  }
0x72: {  	s1 =	rddreg [dreg:$0xe];
	[sflag:s6] =	ssyncadd.s32 $0xFFFF6000  }
0x73: {  	[tilespmem:s12], [sflag:$0x2] =	stream.linear.gather [hbm4b:s1+s2], $0xA000, $0x38;
	[tilespmem:$0x14000] =	vst v63  }
0x74: {  	_ =	swait.ge [sflag:s10], $0xA000  }
0x75: {  	[sflag:s10] =	ssyncset.done $0x0  }
0x76: {  	s1 =	rddreg [dreg:$0xf];
	[sflag:s10] =	ssyncadd.s32 $0xFFFF6000  }
0x77: {  	[tilespmem:s2], [sflag:$0x1] =	stream.linear.gather [hbm4b:s1+s2], $0xA000, $0x38;
	[tilespmem:$0x14000] =	vst v63  }
0x78: {  	_ =	swait.ge [sflag:s6], $0xA000  }
0x79: {  	[sflag:s6] =	ssyncset.done $0x0  }
0x7a: {  	s1 =	rddreg [dreg:$0x10];
	[sflag:s6] =	ssyncadd.s32 $0xFFFF6000  }
0x7b: {  	[tilespmem:s12], [sflag:$0x2] =	stream.linear.gather [hbm4b:s1+s2], $0xA000, $0x38;
	[tilespmem:$0x14000] =	vst v63  }
0x7c: {  	_ =	swait.ge [sflag:s10], $0xA000  }
0x7d: {  	[sflag:s10] =	ssyncset.done $0x0  }
0x7e: {  	s1 =	rddreg [dreg:$0x11];
	[sflag:s10] =	ssyncadd.s32 $0xFFFF6000  }
0x7f: {  	[tilespmem:s2], [sflag:$0x1] =	stream.linear.gather [hbm4b:s1+s2], $0xA000, $0x38;
	[tilespmem:$0x14000] =	vst v63  }
0x80: {  	_ =	swait.ge [sflag:s6], $0xA000  }
0x81: {  	[sflag:s6] =	ssyncset.done $0x0  }
0x82: {  	s1 =	rddreg [dreg:$0x12];
	[sflag:s6] =	ssyncadd.s32 $0xFFFF6000  }
0x83: {  	[tilespmem:s12], [sflag:$0x2] =	stream.linear.gather [hbm4b:s1+s2], $0xA000, $0x38;
	[tilespmem:$0x14000] =	vst v63  }
0x84: {  	_ =	swait.ge [sflag:s10], $0xA000  }
0x85: {  	[sflag:s10] =	ssyncset.done $0x0  }
0x86: {  	s1 =	rddreg [dreg:$0x13];
	[sflag:s10] =	ssyncadd.s32 $0xFFFF6000  }
0x87: {  	[tilespmem:s2], [sflag:$0x1] =	stream.linear.gather [hbm4b:s1+s2], $0xA000, $0x38;
	[tilespmem:$0x14000] =	vst v63  }
0x88: {  	_ =	swait.ge [sflag:s6], $0xA000  }
0x89: {  	[sflag:s6] =	ssyncset.done $0x0  }
0x8a: {  	s1 =	rddreg [dreg:$0x14];
	[sflag:s6] =	ssyncadd.s32 $0xFFFF6000  }
0x8b: {  	[tilespmem:s12], [sflag:$0x2] =	stream.linear.gather [hbm4b:s1+s2], $0xA000, $0x38;
	[tilespmem:$0x14000] =	vst v63  }
0x8c: {  	_ =	swait.ge [sflag:s10], $0xA000  }
0x8d: {  	[sflag:s10] =	ssyncset.done $0x0  }
0x8e: {  	s1 =	rddreg [dreg:$0x15];
	[sflag:s10] =	ssyncadd.s32 $0xFFFF6000  }
0x8f: {  	[tilespmem:s2], [sflag:$0x1] =	stream.linear.gather [hbm4b:s1+s2], $0xA000, $0x38;
	[tilespmem:$0x14000] =	vst v63  }
0x90: {  	_ =	swait.ge [sflag:s6], $0xA000  }
0x91: {  	[sflag:s6] =	ssyncset.done $0x0  }
0x92: {  	s1 =	rddreg [dreg:$0x16];
	[sflag:s6] =	ssyncadd.s32 $0xFFFF6000  }
0x93: {  	[tilespmem:s12], [sflag:$0x2] =	stream.linear.gather [hbm4b:s1+s2], $0xA000, $0x38;
	[tilespmem:$0x14000] =	vst v63  }
0x94: {  	_ =	swait.ge [sflag:s10], $0xA000  }
0x95: {  	[sflag:s10] =	ssyncset.done $0x0  }
0x96: {  	s1 =	rddreg [dreg:$0x17];
	[sflag:s10] =	ssyncadd.s32 $0xFFFF6000  }
0x97: {  	[tilespmem:s2], [sflag:$0x1] =	stream.linear.gather [hbm4b:s1+s2], $0xA000, $0x38;
	[tilespmem:$0x14000] =	vst v63  }
0x98: {  	_ =	swait.ge [sflag:s6], $0xA000  }
0x99: {  	[sflag:s6] =	ssyncset.done $0x0  }
0x9a: {  	s1 =	rddreg [dreg:$0x18];
	[sflag:s6] =	ssyncadd.s32 $0xFFFF6000  }
0x9b: {  	[tilespmem:s12], [sflag:$0x2] =	stream.linear.gather [hbm4b:s1+s2], $0xA000, $0x38;
	[tilespmem:$0x14000] =	vst v63  }
0x9c: {  	_ =	swait.ge [sflag:s10], $0xA000  }
0x9d: {  	[sflag:s10] =	ssyncset.done $0x0  }
0x9e: {  	s1 =	rddreg [dreg:$0x19];
	[sflag:s10] =	ssyncadd.s32 $0xFFFF6000  }
0x9f: {  	[tilespmem:s2], [sflag:$0x1] =	stream.linear.gather [hbm4b:s1+s2], $0xA000, $0x38;
	[tilespmem:$0x14000] =	vst v63  }
0xa0: {  	_ =	swait.ge [sflag:s6], $0xA000  }
0xa1: {  	[sflag:s6] =	ssyncset.done $0x0  }
0xa2: {  	s1 =	rddreg [dreg:$0x1a];
	[sflag:s6] =	ssyncadd.s32 $0xFFFF6000  }
0xa3: {  	[tilespmem:s12], [sflag:$0x2] =	stream.linear.gather [hbm4b:s1+s2], $0xA000, $0x38;
	[tilespmem:$0x14000] =	vst v63  }
0xa4: {  	_ =	swait.ge [sflag:s10], $0xA000  }
0xa5: {  	[sflag:s10] =	ssyncset.done $0x0  }
0xa6: {  	s1 =	rddreg [dreg:$0x1b];
	[sflag:s10] =	ssyncadd.s32 $0xFFFF6000  }
0xa7: {  	[tilespmem:s2], [sflag:$0x1] =	stream.linear.gather [hbm4b:s1+s2], $0xA000, $0x38;
	[tilespmem:$0x14000] =	vst v63  }
0xa8: {  	_ =	swait.ge [sflag:s6], $0xA000  }
0xa9: {  	[sflag:s6] =	ssyncset.done $0x0  }
0xaa: {  	s1 =	rddreg [dreg:$0x1c];
	[sflag:s6] =	ssyncadd.s32 $0xFFFF6000  }
0xab: {  	[tilespmem:s12], [sflag:$0x2] =	stream.linear.gather [hbm4b:s1+s2], $0xA000, $0x38;
	[tilespmem:$0x14000] =	vst v63  }
0xac: {  	_ =	swait.ge [sflag:s10], $0xA000  }
0xad: {  	[sflag:s10] =	ssyncset.done $0x0  }
0xae: {  	s1 =	rddreg [dreg:$0x1d];
	[sflag:s10] =	ssyncadd.s32 $0xFFFF6000  }
0xaf: {  	[tilespmem:s2], [sflag:$0x1] =	stream.linear.gather [hbm4b:s1+s2], $0xA000, $0x38;
	[tilespmem:$0x14000] =	vst v63  }
0xb0: {  	_ =	swait.ge [sflag:s6], $0xA000  }
0xb1: {  	[sflag:s6] =	ssyncset.done $0x0  }
0xb2: {  	s1 =	rddreg [dreg:$0x1e];
	[sflag:s6] =	ssyncadd.s32 $0xFFFF6000  }
0xb3: {  	[tilespmem:s12], [sflag:$0x2] =	stream.linear.gather [hbm4b:s1+s2], $0xA000, $0x38;
	[tilespmem:$0x14000] =	vst v63  }
0xb4: {  	_ =	swait.ge [sflag:s10], $0xA000  }
0xb5: {  	[sflag:s10] =	ssyncset.done $0x0  }
0xb6: {  	s1 =	rddreg [dreg:$0x1f];
	[sflag:s10] =	ssyncadd.s32 $0xFFFF6000  }
0xb7: {  	[tilespmem:s2], [sflag:$0x1] =	stream.linear.gather [hbm4b:s1+s2], $0xA000, $0x38;
	[tilespmem:$0x14000] =	vst v63  }
0xb8: {  	_ =	swait.ge [sflag:s6], $0xA000  }
0xb9: {  	s1 =	sld [smem:$0x7E2]  }
0xba: {  	[sflag:s6] =	ssyncset.done $0x0  }
0xbb: {  	[sflag:s6] =	ssyncadd.s32 $0xFFFF6000  }
0xbc: {  	[tilespmem:s12], [sflag:$0x2] =	stream.linear.gather [hbm4b:s1+s2], $0xA000, $0x38;
	[tilespmem:$0x14000] =	vst v63  }
0xbd: {  	_ =	swait.ge [sflag:s10], $0xA000  }
0xbe: {  	s1 =	sld [smem:$0x7E3]  }
0xbf: {  	[sflag:s10] =	ssyncset.done $0x0  }
0xc0: {  	[sflag:s10] =	ssyncadd.s32 $0xFFFF6000  }
0xc1: {  	[tilespmem:s2], [sflag:$0x1] =	stream.linear.gather [hbm4b:s1+s2], $0xA000, $0x38;
	[tilespmem:$0x14000] =	vst v63  }
0xc2: {  	_ =	swait.ge [sflag:s6], $0xA000  }
0xc3: {  	s1 =	sld [smem:$0x7E4]  }
0xc4: {  	[sflag:s6] =	ssyncset.done $0x0  }
0xc5: {  	[sflag:s6] =	ssyncadd.s32 $0xFFFF6000  }
0xc6: {  	[tilespmem:s12], [sflag:$0x2] =	stream.linear.gather [hbm4b:s1+s2], $0xA000, $0x38;
	[tilespmem:$0x14000] =	vst v63  }
0xc7: {  	_ =	swait.ge [sflag:s10], $0xA000  }
0xc8: {  	s1 =	sld [smem:$0x7E5]  }
0xc9: {  	[sflag:s10] =	ssyncset.done $0x0  }
0xca: {  	[sflag:s10] =	ssyncadd.s32 $0xFFFF6000  }
0xcb: {  	[tilespmem:s2], [sflag:$0x1] =	stream.linear.gather [hbm4b:s1+s2], $0xA000, $0x38;
	[tilespmem:$0x14000] =	vst v63  }
0xcc: {  	_ =	swait.ge [sflag:s6], $0xA000  }
0xcd: {  	s1 =	sld [smem:$0x7E6]  }
0xce: {  	[sflag:s6] =	ssyncset.done $0x0  }
0xcf: {  	[sflag:s6] =	ssyncadd.s32 $0xFFFF6000  }
0xd0: {  	[tilespmem:s12], [sflag:$0x2] =	stream.linear.gather [hbm4b:s1+s2], $0xA000, $0x38;
	[tilespmem:$0x14000] =	vst v63  }
0xd1: {  	_ =	swait.ge [sflag:s10], $0xA000  }
0xd2: {  	s1 =	sld [smem:$0x7E7]  }
0xd3: {  	[sflag:s10] =	ssyncset.done $0x0  }
0xd4: {  	[sflag:s10] =	ssyncadd.s32 $0xFFFF6000  }
0xd5: {  	[tilespmem:s2], [sflag:$0x1] =	stream.linear.gather [hbm4b:s1+s2], $0xA000, $0x38;
	[tilespmem:$0x14000] =	vst v63  }
0xd6: {  	_ =	swait.ge [sflag:s6], $0xA000  }
0xd7: {  	s1 =	sld [smem:$0x7E8]  }
0xd8: {  	[sflag:s6] =	ssyncset.done $0x0  }
0xd9: {  	[sflag:s6] =	ssyncadd.s32 $0xFFFF6000  }
0xda: {  	[tilespmem:s12], [sflag:$0x2] =	stream.linear.gather [hbm4b:s1+s2], $0xA000, $0x38;
	[tilespmem:$0x14000] =	vst v63  }
0xdb: {  	_ =	swait.ge [sflag:s10], $0xA000  }
0xdc: {  	s1 =	sld [smem:$0x7E9]  }
0xdd: {  	[sflag:s10] =	ssyncset.done $0x0  }
0xde: {  	[sflag:s10] =	ssyncadd.s32 $0xFFFF6000  }
0xdf: {  	[tilespmem:s2], [sflag:$0x1] =	stream.linear.gather [hbm4b:s1+s2], $0xA000, $0x38;
	[tilespmem:$0x14000] =	vst v63  }
0xe0: {  	_ =	swait.ge [sflag:s6], $0xA000  }
0xe1: {  	s1 =	sld [smem:$0x7EA]  }
0xe2: {  	[sflag:s6] =	ssyncset.done $0x0  }
0xe3: {  	[sflag:s6] =	ssyncadd.s32 $0xFFFF6000  }
0xe4: {  	[tilespmem:s12], [sflag:$0x2] =	stream.linear.gather [hbm4b:s1+s2], $0xA000, $0x38;
	[tilespmem:$0x14000] =	vst v63  }
0xe5: {  	_ =	swait.ge [sflag:s10], $0xA000  }
0xe6: {  	s1 =	sld [smem:$0x7EB]  }
0xe7: {  	[sflag:s10] =	ssyncset.done $0x0  }
0xe8: {  	[sflag:s10] =	ssyncadd.s32 $0xFFFF6000  }
0xe9: {  	[tilespmem:s2], [sflag:$0x1] =	stream.linear.gather [hbm4b:s1+s2], $0xA000, $0x38;
	[tilespmem:$0x14000] =	vst v63  }
0xea: {  	_ =	swait.ge [sflag:s6], $0xA000  }
0xeb: {  	s1 =	sld [smem:$0x7EC]  }
0xec: {  	[sflag:s6] =	ssyncset.done $0x0  }
0xed: {  	[sflag:s6] =	ssyncadd.s32 $0xFFFF6000  }
0xee: {  	[tilespmem:s12], [sflag:$0x2] =	stream.linear.gather [hbm4b:s1+s2], $0xA000, $0x38;
	[tilespmem:$0x14000] =	vst v63  }
0xef: {  	_ =	swait.ge [sflag:s10], $0xA000  }
0xf0: {  	s1 =	sld [smem:$0x7ED]  }
0xf1: {  	[sflag:s10] =	ssyncset.done $0x0  }
0xf2: {  	[sflag:s10] =	ssyncadd.s32 $0xFFFF6000  }
0xf3: {  	[tilespmem:s2], [sflag:$0x1] =	stream.linear.gather [hbm4b:s1+s2], $0xA000, $0x38;
	[tilespmem:$0x14000] =	vst v63  }
0xf4: {  	_ =	swait.ge [sflag:s6], $0xA000  }
0xf5: {  	s1 =	sld [smem:$0x7EE]  }
0xf6: {  	[sflag:s6] =	ssyncset.done $0x0  }
0xf7: {  	[sflag:s6] =	ssyncadd.s32 $0xFFFF6000  }
0xf8: {  	[tilespmem:s12], [sflag:$0x2] =	stream.linear.gather [hbm4b:s1+s2], $0xA000, $0x38;
	[tilespmem:$0x14000] =	vst v63  }
0xf9: {  	_ =	swait.ge [sflag:s10], $0xA000  }
0xfa: {  	s1 =	sld [smem:$0x7EF]  }
0xfb: {  	[sflag:s10] =	ssyncset.done $0x0  }
0xfc: {  	[sflag:s10] =	ssyncadd.s32 $0xFFFF6000  }
0xfd: {  	[tilespmem:s2], [sflag:$0x1] =	stream.linear.gather [hbm4b:s1+s2], $0xA000, $0x38;
	[tilespmem:$0x14000] =	vst v63  }
0xfe: {  	_ =	swait.ge [sflag:s6], $0xA000  }
0xff: {  	s1 =	sld [smem:$0x7F0]  }
0x100: {  	[sflag:s6] =	ssyncset.done $0x0  }
0x101: {  	[sflag:s6] =	ssyncadd.s32 $0xFFFF6000  }
0x102: {  	[tilespmem:s12], [sflag:$0x2] =	stream.linear.gather [hbm4b:s1+s2], $0xA000, $0x38;
	[tilespmem:$0x14000] =	vst v63  }
0x103: {  	_ =	swait.ge [sflag:s10], $0xA000  }
0x104: {  	s1 =	sld [smem:$0x7F1]  }
0x105: {  	[sflag:s10] =	ssyncset.done $0x0  }
0x106: {  	[sflag:s10] =	ssyncadd.s32 $0xFFFF6000  }
0x107: {  	[tilespmem:s2], [sflag:$0x1] =	stream.linear.gather [hbm4b:s1+s2], $0xA000, $0x38;
	[tilespmem:$0x14000] =	vst v63  }
0x108: {  	_ =	swait.ge [sflag:s6], $0xA000  }
0x109: {  	s1 =	sld [smem:$0x7F2]  }
0x10a: {  	[sflag:s6] =	ssyncset.done $0x0  }
0x10b: {  	[sflag:s6] =	ssyncadd.s32 $0xFFFF6000  }
0x10c: {  	[tilespmem:s12], [sflag:$0x2] =	stream.linear.gather [hbm4b:s1+s2], $0xA000, $0x38;
	[tilespmem:$0x14000] =	vst v63  }
0x10d: {  	_ =	swait.ge [sflag:s10], $0xA000  }
0x10e: {  	s1 =	sld [smem:$0x7F3]  }
0x10f: {  	[sflag:s10] =	ssyncset.done $0x0  }
0x110: {  	[sflag:s10] =	ssyncadd.s32 $0xFFFF6000  }
0x111: {  	[tilespmem:s2], [sflag:$0x1] =	stream.linear.gather [hbm4b:s1+s2], $0xA000, $0x38;
	[tilespmem:$0x14000] =	vst v63  }
0x112: {  	_ =	swait.ge [sflag:s6], $0xA000  }
0x113: {  	s1 =	sld [smem:$0x7F4]  }
0x114: {  	[sflag:s6] =	ssyncset.done $0x0  }
0x115: {  	[sflag:s6] =	ssyncadd.s32 $0xFFFF6000  }
0x116: {  	[tilespmem:s12], [sflag:$0x2] =	stream.linear.gather [hbm4b:s1+s2], $0xA000, $0x38;
	[tilespmem:$0x14000] =	vst v63  }
0x117: {  	_ =	swait.ge [sflag:s10], $0xA000  }
0x118: {  	s1 =	sld [smem:$0x7F5]  }
0x119: {  	[sflag:s10] =	ssyncset.done $0x0  }
0x11a: {  	[sflag:s10] =	ssyncadd.s32 $0xFFFF6000  }
0x11b: {  	[tilespmem:s2], [sflag:$0x1] =	stream.linear.gather [hbm4b:s1+s2], $0xA000, $0x38;
	[tilespmem:$0x14000] =	vst v63  }
0x11c: {  	_ =	swait.ge [sflag:s6], $0xA000  }
0x11d: {  	s1 =	sld [smem:$0x7F6]  }
0x11e: {  	[sflag:s6] =	ssyncset.done $0x0  }
0x11f: {  	[sflag:s6] =	ssyncadd.s32 $0xFFFF6000  }
0x120: {  	[tilespmem:s12], [sflag:$0x2] =	stream.linear.gather [hbm4b:s1+s2], $0xA000, $0x38;
	[tilespmem:$0x14000] =	vst v63  }
0x121: {  	_ =	swait.ge [sflag:s10], $0xA000  }
0x122: {  	s1 =	sld [smem:$0x7F7]  }
0x123: {  	[sflag:s10] =	ssyncset.done $0x0  }
0x124: {  	[sflag:s10] =	ssyncadd.s32 $0xFFFF6000  }
0x125: {  	[tilespmem:s2], [sflag:$0x1] =	stream.linear.gather [hbm4b:s1+s2], $0xA000, $0x38;
	[tilespmem:$0x14000] =	vst v63  }
0x126: {  	_ =	swait.ge [sflag:s6], $0xA000  }
0x127: {  	s1 =	sld [smem:$0x7F8]  }
0x128: {  	[sflag:s6] =	ssyncset.done $0x0  }
0x129: {  	[sflag:s6] =	ssyncadd.s32 $0xFFFF6000  }
0x12a: {  	[tilespmem:s12], [sflag:$0x2] =	stream.linear.gather [hbm4b:s1+s2], $0xA000, $0x38;
	[tilespmem:$0x14000] =	vst v63  }
0x12b: {  	_ =	swait.ge [sflag:s10], $0xA000  }
0x12c: {  	s1 =	sld [smem:$0x7F9]  }
0x12d: {  	[sflag:s10] =	ssyncset.done $0x0  }
0x12e: {  	[sflag:s10] =	ssyncadd.s32 $0xFFFF6000  }
0x12f: {  	[tilespmem:s2], [sflag:$0x1] =	stream.linear.gather [hbm4b:s1+s2], $0xA000, $0x38;
	[tilespmem:$0x14000] =	vst v63  }
0x130: {  	_ =	swait.ge [sflag:s6], $0xA000  }
0x131: {  	s1 =	sld [smem:$0x7FA]  }
0x132: {  	[sflag:s6] =	ssyncset.done $0x0  }
0x133: {  	[sflag:s6] =	ssyncadd.s32 $0xFFFF6000  }
0x134: {  	[tilespmem:s12], [sflag:$0x2] =	stream.linear.gather [hbm4b:s1+s2], $0xA000, $0x38;
	[tilespmem:$0x14000] =	vst v63  }
0x135: {  	_ =	swait.ge [sflag:s10], $0xA000  }
0x136: {  	s1 =	sld [smem:$0x7FB]  }
0x137: {  	[sflag:s10] =	ssyncset.done $0x0  }
0x138: {  	[sflag:s10] =	ssyncadd.s32 $0xFFFF6000  }
0x139: {  	[tilespmem:s2], [sflag:$0x1] =	stream.linear.gather [hbm4b:s1+s2], $0xA000, $0x38;
	[tilespmem:$0x14000] =	vst v63  }
0x13a: {  	_ =	swait.ge [sflag:s6], $0xA000  }
0x13b: {  	s1 =	sld [smem:$0x7FC]  }
0x13c: {  	[sflag:s6] =	ssyncset.done $0x0  }
0x13d: {  	[sflag:s6] =	ssyncadd.s32 $0xFFFF6000  }
0x13e: {  	[tilespmem:s12], [sflag:$0x2] =	stream.linear.gather [hbm4b:s1+s2], $0xA000, $0x38;
	[tilespmem:$0x14000] =	vst v63  }
0x13f: {  	_ =	swait.ge [sflag:s10], $0xA000  }
0x140: {  	s1 =	sld [smem:$0x7FD]  }
0x141: {  	[sflag:s10] =	ssyncset.done $0x0  }
0x142: {  	[sflag:s10] =	ssyncadd.s32 $0xFFFF6000  }
0x143: {  	[tilespmem:s2], [sflag:$0x1] =	stream.linear.gather [hbm4b:s1+s2], $0xA000, $0x38;
	[tilespmem:$0x14000] =	vst v63  }
0x144: {  	_ =	swait.ge [sflag:s6], $0xA000  }
0x145: {  	[sflag:s6] =	ssyncset.done $0x0  }
0x146: {  	[sflag:s6] =	ssyncadd.s32 $0xFFFF6000  }
0x147: {  	[tilespmem:s12], [sflag:$0x2] =	stream.linear.gather [hbm4b:s31+s2], $0xA000, $0x38;
	[tilespmem:$0x14000] =	vst v63  }
0x148: {  	_ =	swait.ge [sflag:s10], $0xA000  }
0x149: {  	[sflag:s10] =	ssyncset.done $0x0  }
0x14a: {  	[sflag:s10] =	ssyncadd.s32 $0xFFFF6000  }
0x14b: {  	[tilespmem:s2], [sflag:$0x1] =	stream.linear.gather [hbm4b:s30+s2], $0xA000, $0x38;
	[tilespmem:$0x14000] =	vst v63  }
0x14c: {  	_ =	swait.ge [sflag:s6], $0xA000  }
0x14d: {  	[sflag:s6] =	ssyncset.done $0x0  }
0x14e: {  	[sflag:s6] =	ssyncadd.s32 $0xFFFF6000  }
0x14f: {  	[tilespmem:s12], [sflag:$0x2] =	stream.linear.gather [hbm4b:s29+s2], $0xA000, $0x38;
	[tilespmem:$0x14000] =	vst v63  }
0x150: {  	_ =	swait.ge [sflag:s10], $0xA000  }
0x151: {  	[sflag:s10] =	ssyncset.done $0x0  }
0x152: {  	[sflag:s10] =	ssyncadd.s32 $0xFFFF6000  }
0x153: {  	[tilespmem:s2], [sflag:$0x1] =	stream.linear.gather [hbm4b:s28+s2], $0xA000, $0x38;
	[tilespmem:$0x14000] =	vst v63  }
0x154: {  	_ =	swait.ge [sflag:s6], $0xA000  }
0x155: {  	[sflag:s6] =	ssyncset.done $0x0  }
0x156: {  	[sflag:s6] =	ssyncadd.s32 $0xFFFF6000  }
0x157: {  	[tilespmem:s12], [sflag:$0x2] =	stream.linear.gather [hbm4b:s26+s2], $0xA000, $0x38;
	[tilespmem:$0x14000] =	vst v63  }
0x158: {  	_ =	swait.ge [sflag:s10], $0xA000  }
0x159: {  	[sflag:s10] =	ssyncset.done $0x0  }
0x15a: {  	[sflag:s10] =	ssyncadd.s32 $0xFFFF6000  }
0x15b: {  	[tilespmem:s2], [sflag:$0x1] =	stream.linear.gather [hbm4b:s25+s2], $0xA000, $0x38;
	[tilespmem:$0x14000] =	vst v63  }
0x15c: {  	_ =	swait.ge [sflag:s6], $0xA000  }
0x15d: {  	[sflag:s6] =	ssyncset.done $0x0  }
0x15e: {  	[sflag:s6] =	ssyncadd.s32 $0xFFFF6000  }
0x15f: {  	[tilespmem:s12], [sflag:$0x2] =	stream.linear.gather [hbm4b:s24+s2], $0xA000, $0x38;
	[tilespmem:$0x14000] =	vst v63  }
0x160: {  	_ =	swait.ge [sflag:s10], $0xA000  }
0x161: {  	[sflag:s10] =	ssyncset.done $0x0  }
0x162: {  	[sflag:s10] =	ssyncadd.s32 $0xFFFF6000  }
0x163: {  	[tilespmem:s2], [sflag:$0x1] =	stream.linear.gather [hbm4b:s23+s2], $0xA000, $0x38;
	[tilespmem:$0x14000] =	vst v63  }
0x164: {  	_ =	swait.ge [sflag:s6], $0xA000  }
0x165: {  	[sflag:s6] =	ssyncset.done $0x0  }
0x166: {  	[sflag:s6] =	ssyncadd.s32 $0xFFFF6000  }
0x167: {  	[tilespmem:s12], [sflag:$0x2] =	stream.linear.gather [hbm4b:s22+s2], $0xA000, $0x38;
	[tilespmem:$0x14000] =	vst v63  }
0x168: {  	_ =	swait.ge [sflag:s10], $0xA000  }
0x169: {  	[sflag:s10] =	ssyncset.done $0x0  }
0x16a: {  	[sflag:s10] =	ssyncadd.s32 $0xFFFF6000  }
0x16b: {  	[tilespmem:s2], [sflag:$0x1] =	stream.linear.gather [hbm4b:s21+s2], $0xA000, $0x38;
	[tilespmem:$0x14000] =	vst v63  }
0x16c: {  	_ =	swait.ge [sflag:s6], $0xA000  }
0x16d: {  	[sflag:s6] =	ssyncset.done $0x0  }
0x16e: {  	[sflag:s6] =	ssyncadd.s32 $0xFFFF6000  }
0x16f: {  	[tilespmem:s12], [sflag:$0x2] =	stream.linear.gather [hbm4b:s20+s2], $0xA000, $0x38;
	[tilespmem:$0x14000] =	vst v63  }
0x170: {  	_ =	swait.ge [sflag:s10], $0xA000  }
0x171: {  	[sflag:s10] =	ssyncset.done $0x0  }
0x172: {  	[sflag:s10] =	ssyncadd.s32 $0xFFFF6000  }
0x173: {  	[tilespmem:s2], [sflag:$0x1] =	stream.linear.gather [hbm4b:s19+s2], $0xA000, $0x38;
	[tilespmem:$0x14000] =	vst v63  }
0x174: {  	_ =	swait.ge [sflag:s6], $0xA000  }
0x175: {  	[sflag:s6] =	ssyncset.done $0x0  }
0x176: {  	[sflag:s6] =	ssyncadd.s32 $0xFFFF6000  }
0x177: {  	[tilespmem:s12], [sflag:$0x2] =	stream.linear.gather [hbm4b:s18+s2], $0xA000, $0x38;
	[tilespmem:$0x14000] =	vst v63  }
0x178: {  	_ =	swait.ge [sflag:s10], $0xA000  }
0x179: {  	[sflag:s10] =	ssyncset.done $0x0  }
0x17a: {  	[sflag:s10] =	ssyncadd.s32 $0xFFFF6000  }
0x17b: {  	[tilespmem:s2], [sflag:$0x1] =	stream.linear.gather [hbm4b:s17+s2], $0xA000, $0x38;
	[tilespmem:$0x14000] =	vst v63  }
0x17c: {  	_ =	swait.ge [sflag:s6], $0xA000  }
0x17d: {  	[sflag:s6] =	ssyncset.done $0x0  }
0x17e: {  	[sflag:s6] =	ssyncadd.s32 $0xFFFF6000  }
0x17f: {  	[tilespmem:s12], [sflag:$0x2] =	stream.linear.gather [hbm4b:s16+s2], $0xA000, $0x38;
	[tilespmem:$0x14000] =	vst v63  }
0x180: {  	_ =	swait.ge [sflag:s10], $0xA000  }
0x181: {  	[sflag:s10] =	ssyncset.done $0x0  }
0x182: {  	[sflag:s10] =	ssyncadd.s32 $0xFFFF6000  }
0x183: {  	[tilespmem:s2], [sflag:$0x1] =	stream.linear.gather [hbm4b:s15+s2], $0xA000, $0x38;
	[tilespmem:$0x14000] =	vst v63  }
0x184: {  	_ =	swait.ge [sflag:s6], $0xA000  }
0x185: {  	[sflag:s6] =	ssyncset.done $0x0  }
0x186: {  	[sflag:s6] =	ssyncadd.s32 $0xFFFF6000  }
0x187: {  	[tilespmem:s12], [sflag:$0x2] =	stream.linear.gather [hbm4b:s14+s2], $0xA000, $0x38;
	[tilespmem:$0x14000] =	vst v63  }
0x188: {  	_ =	swait.ge [sflag:s10], $0xA000  }
0x189: {  	[sflag:s10] =	ssyncset.done $0x0  }
0x18a: {  	[sflag:s10] =	ssyncadd.s32 $0xFFFF6000  }
0x18b: {  	[tilespmem:s2], [sflag:$0x1] =	stream.linear.gather [hbm4b:s13+s2], $0xA000, $0x38;
	[tilespmem:$0x14000] =	vst v63  }
0x18c: {  	_ =	swait.ge [sflag:s6], $0xA000  }
0x18d: {  	[sflag:s6] =	ssyncset.done $0x0  }
0x18e: {  	[sflag:s6] =	ssyncadd.s32 $0xFFFF6000  }
0x18f: {  	[tilespmem:s12], [sflag:$0x2] =	stream.linear.gather [hbm4b:s11+s2], $0xA000, $0x38;
	[tilespmem:$0x14000] =	vst v63  }
0x190: {  	_ =	swait.ge [sflag:s10], $0xA000  }
0x191: {  	[sflag:s10] =	ssyncset.done $0x0  }
0x192: {  	[sflag:s10] =	ssyncadd.s32 $0xFFFF6000  }
0x193: {  	[tilespmem:s2], [sflag:$0x1] =	stream.linear.gather [hbm4b:s9+s2], $0xA000, $0x38;
	[tilespmem:$0x14000] =	vst v63  }
0x194: {  	_ =	swait.ge [sflag:s6], $0xA000  }
0x195: {  	[sflag:s6] =	ssyncset.done $0x0  }
0x196: {  	[sflag:s6] =	ssyncadd.s32 $0xFFFF6000  }
0x197: {  	[tilespmem:s12], [sflag:$0x2] =	stream.linear.gather [hbm4b:s5+s2], $0xA000, $0x38;
	[tilespmem:$0x14000] =	vst v63  }
0x198: {  	_ =	swait.ge [sflag:s10], $0xA000  }
0x199: {  	[sflag:s10] =	ssyncset.done $0x0  }
0x19a: {  	[sflag:s10] =	ssyncadd.s32 $0xFFFF6000  }
0x19b: {  	_ =	swait.ge [sflag:s6], $0xA000  }
0x19c: {  	[sflag:s6] =	ssyncset.done $0x0;
	s1 =	sld [smem:$0x7E1]  }
0x19d: {  	[sflag:s6] =	ssyncadd.s32 $0xFFFF6000  }
0x19e: {  	[hbm4b:s3+s7] =	stream.strided.scatter [tilespmem:s2], [sflag:$0x3], $0x0, s8, s7, $0x38;
	[tilespmem:$0x14000] =	vst v63  }
0x19f: {  	p1 =	sne.s32 s1, $0x1  }
.Ltmp1:
0x1a0: {  	_ = 	snop;
	(pc) =	sbr.rel @!p1 .LBB2_3-.Ltmp1, $4  }
0x1a1: {  	_ = 	snop  }
0x1a2: {  	[hbm4b:s3+s2] =	stream.linear.scatter [tilespmem:s2], [sflag:$0x3], $0x10, $0x38;
	[tilespmem:$0x14000] =	vst v63  }
0x1a3: {  	_ =	swait.ge [sflag:s4], $0x10  }
0x1a4: {  	p0 =	por $0x1, $0x1;
	s1 =	sadd.s32 $0xFFFFFFFF, s1;
	[sflag:s4] =	ssyncset.done $0x0  }
.LBB2_2:
0x1a5: {  	s0 =	rddreg [dreg:$0x3];
	[sflag:s4] =	ssyncadd.s32 $0xFFFFFFF0  }
0x1a6: {  	[tilespmem:s2], [sflag:$0x1] =	stream.linear.gather [hbm4b:s0+s2], $0xA000, $0x38;
	[tilespmem:$0x14000] =	vst v63  }
0x1a7: {  	s7 =	rddreg [dreg:$0x4]  }
0x1a8: {  	[tilespmem:s12], [sflag:$0x2] =	stream.linear.gather [hbm4b:s7+s2], $0xA000, $0x38;
	[tilespmem:$0x14000] =	vst v63  }
0x1a9: {  	_ =	swait.ge [sflag:s10], $0xA000  }
0x1aa: {  	[sflag:s10] =	ssyncset.done $0x0  }
0x1ab: {  	s0 =	rddreg [dreg:$0x5];
	[sflag:s10] =	ssyncadd.s32 $0xFFFF6000  }
0x1ac: {  	[tilespmem:s2], [sflag:$0x1] =	stream.linear.gather [hbm4b:s0+s2], $0xA000, $0x38;
	[tilespmem:$0x14000] =	vst v63  }
0x1ad: {  	_ =	swait.ge [sflag:s6], $0xA000  }
0x1ae: {  	[sflag:s6] =	ssyncset.done $0x0  }
0x1af: {  	s0 =	rddreg [dreg:$0x6];
	[sflag:s6] =	ssyncadd.s32 $0xFFFF6000  }
0x1b0: {  	[tilespmem:s12], [sflag:$0x2] =	stream.linear.gather [hbm4b:s0+s2], $0xA000, $0x38;
	[tilespmem:$0x14000] =	vst v63  }
0x1b1: {  	_ =	swait.ge [sflag:s10], $0xA000  }
0x1b2: {  	[sflag:s10] =	ssyncset.done $0x0  }
0x1b3: {  	s0 =	rddreg [dreg:$0x7];
	[sflag:s10] =	ssyncadd.s32 $0xFFFF6000  }
0x1b4: {  	[tilespmem:s2], [sflag:$0x1] =	stream.linear.gather [hbm4b:s0+s2], $0xA000, $0x38;
	[tilespmem:$0x14000] =	vst v63  }
0x1b5: {  	_ =	swait.ge [sflag:s6], $0xA000  }
0x1b6: {  	[sflag:s6] =	ssyncset.done $0x0  }
0x1b7: {  	s0 =	rddreg [dreg:$0x8];
	[sflag:s6] =	ssyncadd.s32 $0xFFFF6000  }
0x1b8: {  	[tilespmem:s12], [sflag:$0x2] =	stream.linear.gather [hbm4b:s0+s2], $0xA000, $0x38;
	[tilespmem:$0x14000] =	vst v63  }
0x1b9: {  	_ =	swait.ge [sflag:s10], $0xA000  }
0x1ba: {  	[sflag:s10] =	ssyncset.done $0x0  }
0x1bb: {  	s0 =	rddreg [dreg:$0x9];
	[sflag:s10] =	ssyncadd.s32 $0xFFFF6000  }
0x1bc: {  	[tilespmem:s2], [sflag:$0x1] =	stream.linear.gather [hbm4b:s0+s2], $0xA000, $0x38;
	[tilespmem:$0x14000] =	vst v63  }
0x1bd: {  	_ =	swait.ge [sflag:s6], $0xA000  }
0x1be: {  	[sflag:s6] =	ssyncset.done $0x0  }
0x1bf: {  	s0 =	rddreg [dreg:$0xa];
	[sflag:s6] =	ssyncadd.s32 $0xFFFF6000  }
0x1c0: {  	[tilespmem:s12], [sflag:$0x2] =	stream.linear.gather [hbm4b:s0+s2], $0xA000, $0x38;
	[tilespmem:$0x14000] =	vst v63  }
0x1c1: {  	_ =	swait.ge [sflag:s10], $0xA000  }
0x1c2: {  	[sflag:s10] =	ssyncset.done $0x0  }
0x1c3: {  	s0 =	rddreg [dreg:$0xb];
	[sflag:s10] =	ssyncadd.s32 $0xFFFF6000  }
0x1c4: {  	[tilespmem:s2], [sflag:$0x1] =	stream.linear.gather [hbm4b:s0+s2], $0xA000, $0x38;
	[tilespmem:$0x14000] =	vst v63  }
0x1c5: {  	_ =	swait.ge [sflag:s6], $0xA000  }
0x1c6: {  	[sflag:s6] =	ssyncset.done $0x0  }
0x1c7: {  	s0 =	rddreg [dreg:$0xc];
	[sflag:s6] =	ssyncadd.s32 $0xFFFF6000  }
0x1c8: {  	[tilespmem:s12], [sflag:$0x2] =	stream.linear.gather [hbm4b:s0+s2], $0xA000, $0x38;
	[tilespmem:$0x14000] =	vst v63  }
0x1c9: {  	_ =	swait.ge [sflag:s10], $0xA000  }
0x1ca: {  	[sflag:s10] =	ssyncset.done $0x0  }
0x1cb: {  	s0 =	rddreg [dreg:$0xd];
	[sflag:s10] =	ssyncadd.s32 $0xFFFF6000  }
0x1cc: {  	[tilespmem:s2], [sflag:$0x1] =	stream.linear.gather [hbm4b:s0+s2], $0xA000, $0x38;
	[tilespmem:$0x14000] =	vst v63  }
0x1cd: {  	_ =	swait.ge [sflag:s6], $0xA000  }
0x1ce: {  	[sflag:s6] =	ssyncset.done $0x0  }
0x1cf: {  	s0 =	rddreg [dreg:$0xe];
	[sflag:s6] =	ssyncadd.s32 $0xFFFF6000  }
0x1d0: {  	[tilespmem:s12], [sflag:$0x2] =	stream.linear.gather [hbm4b:s0+s2], $0xA000, $0x38;
	[tilespmem:$0x14000] =	vst v63  }
0x1d1: {  	_ =	swait.ge [sflag:s10], $0xA000  }
0x1d2: {  	[sflag:s10] =	ssyncset.done $0x0  }
0x1d3: {  	s0 =	rddreg [dreg:$0xf];
	[sflag:s10] =	ssyncadd.s32 $0xFFFF6000  }
0x1d4: {  	[tilespmem:s2], [sflag:$0x1] =	stream.linear.gather [hbm4b:s0+s2], $0xA000, $0x38;
	[tilespmem:$0x14000] =	vst v63  }
0x1d5: {  	_ =	swait.ge [sflag:s6], $0xA000  }
0x1d6: {  	[sflag:s6] =	ssyncset.done $0x0  }
0x1d7: {  	s0 =	rddreg [dreg:$0x10];
	[sflag:s6] =	ssyncadd.s32 $0xFFFF6000  }
0x1d8: {  	[tilespmem:s12], [sflag:$0x2] =	stream.linear.gather [hbm4b:s0+s2], $0xA000, $0x38;
	[tilespmem:$0x14000] =	vst v63  }
0x1d9: {  	_ =	swait.ge [sflag:s10], $0xA000  }
0x1da: {  	[sflag:s10] =	ssyncset.done $0x0  }
0x1db: {  	s0 =	rddreg [dreg:$0x11];
	[sflag:s10] =	ssyncadd.s32 $0xFFFF6000  }
0x1dc: {  	[tilespmem:s2], [sflag:$0x1] =	stream.linear.gather [hbm4b:s0+s2], $0xA000, $0x38;
	[tilespmem:$0x14000] =	vst v63  }
0x1dd: {  	_ =	swait.ge [sflag:s6], $0xA000  }
0x1de: {  	[sflag:s6] =	ssyncset.done $0x0  }
0x1df: {  	s0 =	rddreg [dreg:$0x12];
	[sflag:s6] =	ssyncadd.s32 $0xFFFF6000  }
0x1e0: {  	[tilespmem:s12], [sflag:$0x2] =	stream.linear.gather [hbm4b:s0+s2], $0xA000, $0x38;
	[tilespmem:$0x14000] =	vst v63  }
0x1e1: {  	_ =	swait.ge [sflag:s10], $0xA000  }
0x1e2: {  	[sflag:s10] =	ssyncset.done $0x0  }
0x1e3: {  	s0 =	rddreg [dreg:$0x13];
	[sflag:s10] =	ssyncadd.s32 $0xFFFF6000  }
0x1e4: {  	[tilespmem:s2], [sflag:$0x1] =	stream.linear.gather [hbm4b:s0+s2], $0xA000, $0x38;
	[tilespmem:$0x14000] =	vst v63  }
0x1e5: {  	_ =	swait.ge [sflag:s6], $0xA000  }
0x1e6: {  	[sflag:s6] =	ssyncset.done $0x0  }
0x1e7: {  	s0 =	rddreg [dreg:$0x14];
	[sflag:s6] =	ssyncadd.s32 $0xFFFF6000  }
0x1e8: {  	[tilespmem:s12], [sflag:$0x2] =	stream.linear.gather [hbm4b:s0+s2], $0xA000, $0x38;
	[tilespmem:$0x14000] =	vst v63  }
0x1e9: {  	_ =	swait.ge [sflag:s10], $0xA000  }
0x1ea: {  	[sflag:s10] =	ssyncset.done $0x0  }
0x1eb: {  	s0 =	rddreg [dreg:$0x15];
	[sflag:s10] =	ssyncadd.s32 $0xFFFF6000  }
0x1ec: {  	[tilespmem:s2], [sflag:$0x1] =	stream.linear.gather [hbm4b:s0+s2], $0xA000, $0x38;
	[tilespmem:$0x14000] =	vst v63  }
0x1ed: {  	_ =	swait.ge [sflag:s6], $0xA000  }
0x1ee: {  	[sflag:s6] =	ssyncset.done $0x0  }
0x1ef: {  	s0 =	rddreg [dreg:$0x16];
	[sflag:s6] =	ssyncadd.s32 $0xFFFF6000  }
0x1f0: {  	[tilespmem:s12], [sflag:$0x2] =	stream.linear.gather [hbm4b:s0+s2], $0xA000, $0x38;
	[tilespmem:$0x14000] =	vst v63  }
0x1f1: {  	_ =	swait.ge [sflag:s10], $0xA000  }
0x1f2: {  	[sflag:s10] =	ssyncset.done $0x0  }
0x1f3: {  	s0 =	rddreg [dreg:$0x17];
	[sflag:s10] =	ssyncadd.s32 $0xFFFF6000  }
0x1f4: {  	[tilespmem:s2], [sflag:$0x1] =	stream.linear.gather [hbm4b:s0+s2], $0xA000, $0x38;
	[tilespmem:$0x14000] =	vst v63  }
0x1f5: {  	_ =	swait.ge [sflag:s6], $0xA000  }
0x1f6: {  	[sflag:s6] =	ssyncset.done $0x0  }
0x1f7: {  	s0 =	rddreg [dreg:$0x18];
	[sflag:s6] =	ssyncadd.s32 $0xFFFF6000  }
0x1f8: {  	[tilespmem:s12], [sflag:$0x2] =	stream.linear.gather [hbm4b:s0+s2], $0xA000, $0x38;
	[tilespmem:$0x14000] =	vst v63  }
0x1f9: {  	_ =	swait.ge [sflag:s10], $0xA000  }
0x1fa: {  	[sflag:s10] =	ssyncset.done $0x0  }
0x1fb: {  	s0 =	rddreg [dreg:$0x19];
	[sflag:s10] =	ssyncadd.s32 $0xFFFF6000  }
0x1fc: {  	[tilespmem:s2], [sflag:$0x1] =	stream.linear.gather [hbm4b:s0+s2], $0xA000, $0x38;
	[tilespmem:$0x14000] =	vst v63  }
0x1fd: {  	_ =	swait.ge [sflag:s6], $0xA000  }
0x1fe: {  	[sflag:s6] =	ssyncset.done $0x0  }
0x1ff: {  	s0 =	rddreg [dreg:$0x1a];
	[sflag:s6] =	ssyncadd.s32 $0xFFFF6000  }
0x200: {  	[tilespmem:s12], [sflag:$0x2] =	stream.linear.gather [hbm4b:s0+s2], $0xA000, $0x38;
	[tilespmem:$0x14000] =	vst v63  }
0x201: {  	_ =	swait.ge [sflag:s10], $0xA000  }
0x202: {  	[sflag:s10] =	ssyncset.done $0x0  }
0x203: {  	s0 =	rddreg [dreg:$0x1b];
	[sflag:s10] =	ssyncadd.s32 $0xFFFF6000  }
0x204: {  	[tilespmem:s2], [sflag:$0x1] =	stream.linear.gather [hbm4b:s0+s2], $0xA000, $0x38;
	[tilespmem:$0x14000] =	vst v63  }
0x205: {  	_ =	swait.ge [sflag:s6], $0xA000  }
0x206: {  	[sflag:s6] =	ssyncset.done $0x0  }
0x207: {  	s0 =	rddreg [dreg:$0x1c];
	[sflag:s6] =	ssyncadd.s32 $0xFFFF6000  }
0x208: {  	[tilespmem:s12], [sflag:$0x2] =	stream.linear.gather [hbm4b:s0+s2], $0xA000, $0x38;
	[tilespmem:$0x14000] =	vst v63  }
0x209: {  	_ =	swait.ge [sflag:s10], $0xA000  }
0x20a: {  	[sflag:s10] =	ssyncset.done $0x0  }
0x20b: {  	s0 =	rddreg [dreg:$0x1d];
	[sflag:s10] =	ssyncadd.s32 $0xFFFF6000  }
0x20c: {  	[tilespmem:s2], [sflag:$0x1] =	stream.linear.gather [hbm4b:s0+s2], $0xA000, $0x38;
	[tilespmem:$0x14000] =	vst v63  }
0x20d: {  	_ =	swait.ge [sflag:s6], $0xA000  }
0x20e: {  	[sflag:s6] =	ssyncset.done $0x0  }
0x20f: {  	s0 =	rddreg [dreg:$0x1e];
	[sflag:s6] =	ssyncadd.s32 $0xFFFF6000  }
0x210: {  	[tilespmem:s12], [sflag:$0x2] =	stream.linear.gather [hbm4b:s0+s2], $0xA000, $0x38;
	[tilespmem:$0x14000] =	vst v63  }
0x211: {  	_ =	swait.ge [sflag:s10], $0xA000  }
0x212: {  	[sflag:s10] =	ssyncset.done $0x0  }
0x213: {  	s0 =	rddreg [dreg:$0x1f];
	[sflag:s10] =	ssyncadd.s32 $0xFFFF6000  }
0x214: {  	[tilespmem:s2], [sflag:$0x1] =	stream.linear.gather [hbm4b:s0+s2], $0xA000, $0x38;
	[tilespmem:$0x14000] =	vst v63  }
0x215: {  	_ =	swait.ge [sflag:s6], $0xA000  }
0x216: {  	s0 =	sld [smem:$0x7E2]  }
0x217: {  	[sflag:s6] =	ssyncset.done $0x0  }
0x218: {  	[sflag:s6] =	ssyncadd.s32 $0xFFFF6000  }
0x219: {  	[tilespmem:s12], [sflag:$0x2] =	stream.linear.gather [hbm4b:s0+s2], $0xA000, $0x38;
	[tilespmem:$0x14000] =	vst v63  }
0x21a: {  	_ =	swait.ge [sflag:s10], $0xA000  }
0x21b: {  	s0 =	sld [smem:$0x7E3]  }
0x21c: {  	[sflag:s10] =	ssyncset.done $0x0  }
0x21d: {  	[sflag:s10] =	ssyncadd.s32 $0xFFFF6000  }
0x21e: {  	[tilespmem:s2], [sflag:$0x1] =	stream.linear.gather [hbm4b:s0+s2], $0xA000, $0x38;
	[tilespmem:$0x14000] =	vst v63  }
0x21f: {  	_ =	swait.ge [sflag:s6], $0xA000  }
0x220: {  	s0 =	sld [smem:$0x7E4]  }
0x221: {  	[sflag:s6] =	ssyncset.done $0x0  }
0x222: {  	[sflag:s6] =	ssyncadd.s32 $0xFFFF6000  }
0x223: {  	[tilespmem:s12], [sflag:$0x2] =	stream.linear.gather [hbm4b:s0+s2], $0xA000, $0x38;
	[tilespmem:$0x14000] =	vst v63  }
0x224: {  	_ =	swait.ge [sflag:s10], $0xA000  }
0x225: {  	s0 =	sld [smem:$0x7E5]  }
0x226: {  	[sflag:s10] =	ssyncset.done $0x0  }
0x227: {  	[sflag:s10] =	ssyncadd.s32 $0xFFFF6000  }
0x228: {  	[tilespmem:s2], [sflag:$0x1] =	stream.linear.gather [hbm4b:s0+s2], $0xA000, $0x38;
	[tilespmem:$0x14000] =	vst v63  }
0x229: {  	_ =	swait.ge [sflag:s6], $0xA000  }
0x22a: {  	s0 =	sld [smem:$0x7E6]  }
0x22b: {  	[sflag:s6] =	ssyncset.done $0x0  }
0x22c: {  	[sflag:s6] =	ssyncadd.s32 $0xFFFF6000  }
0x22d: {  	[tilespmem:s12], [sflag:$0x2] =	stream.linear.gather [hbm4b:s0+s2], $0xA000, $0x38;
	[tilespmem:$0x14000] =	vst v63  }
0x22e: {  	_ =	swait.ge [sflag:s10], $0xA000  }
0x22f: {  	s0 =	sld [smem:$0x7E7]  }
0x230: {  	[sflag:s10] =	ssyncset.done $0x0  }
0x231: {  	[sflag:s10] =	ssyncadd.s32 $0xFFFF6000  }
0x232: {  	[tilespmem:s2], [sflag:$0x1] =	stream.linear.gather [hbm4b:s0+s2], $0xA000, $0x38;
	[tilespmem:$0x14000] =	vst v63  }
0x233: {  	_ =	swait.ge [sflag:s6], $0xA000  }
0x234: {  	s0 =	sld [smem:$0x7E8]  }
0x235: {  	[sflag:s6] =	ssyncset.done $0x0  }
0x236: {  	[sflag:s6] =	ssyncadd.s32 $0xFFFF6000  }
0x237: {  	[tilespmem:s12], [sflag:$0x2] =	stream.linear.gather [hbm4b:s0+s2], $0xA000, $0x38;
	[tilespmem:$0x14000] =	vst v63  }
0x238: {  	_ =	swait.ge [sflag:s10], $0xA000  }
0x239: {  	s0 =	sld [smem:$0x7E9]  }
0x23a: {  	[sflag:s10] =	ssyncset.done $0x0  }
0x23b: {  	[sflag:s10] =	ssyncadd.s32 $0xFFFF6000  }
0x23c: {  	[tilespmem:s2], [sflag:$0x1] =	stream.linear.gather [hbm4b:s0+s2], $0xA000, $0x38;
	[tilespmem:$0x14000] =	vst v63  }
0x23d: {  	_ =	swait.ge [sflag:s6], $0xA000  }
0x23e: {  	s0 =	sld [smem:$0x7EA]  }
0x23f: {  	[sflag:s6] =	ssyncset.done $0x0  }
0x240: {  	[sflag:s6] =	ssyncadd.s32 $0xFFFF6000  }
0x241: {  	[tilespmem:s12], [sflag:$0x2] =	stream.linear.gather [hbm4b:s0+s2], $0xA000, $0x38;
	[tilespmem:$0x14000] =	vst v63  }
0x242: {  	_ =	swait.ge [sflag:s10], $0xA000  }
0x243: {  	s0 =	sld [smem:$0x7EB]  }
0x244: {  	[sflag:s10] =	ssyncset.done $0x0  }
0x245: {  	[sflag:s10] =	ssyncadd.s32 $0xFFFF6000  }
0x246: {  	[tilespmem:s2], [sflag:$0x1] =	stream.linear.gather [hbm4b:s0+s2], $0xA000, $0x38;
	[tilespmem:$0x14000] =	vst v63  }
0x247: {  	_ =	swait.ge [sflag:s6], $0xA000  }
0x248: {  	s0 =	sld [smem:$0x7EC]  }
0x249: {  	[sflag:s6] =	ssyncset.done $0x0  }
0x24a: {  	[sflag:s6] =	ssyncadd.s32 $0xFFFF6000  }
0x24b: {  	[tilespmem:s12], [sflag:$0x2] =	stream.linear.gather [hbm4b:s0+s2], $0xA000, $0x38;
	[tilespmem:$0x14000] =	vst v63  }
0x24c: {  	_ =	swait.ge [sflag:s10], $0xA000  }
0x24d: {  	s0 =	sld [smem:$0x7ED]  }
0x24e: {  	[sflag:s10] =	ssyncset.done $0x0  }
0x24f: {  	[sflag:s10] =	ssyncadd.s32 $0xFFFF6000  }
0x250: {  	[tilespmem:s2], [sflag:$0x1] =	stream.linear.gather [hbm4b:s0+s2], $0xA000, $0x38;
	[tilespmem:$0x14000] =	vst v63  }
0x251: {  	_ =	swait.ge [sflag:s6], $0xA000  }
0x252: {  	s0 =	sld [smem:$0x7EE]  }
0x253: {  	[sflag:s6] =	ssyncset.done $0x0  }
0x254: {  	[sflag:s6] =	ssyncadd.s32 $0xFFFF6000  }
0x255: {  	[tilespmem:s12], [sflag:$0x2] =	stream.linear.gather [hbm4b:s0+s2], $0xA000, $0x38;
	[tilespmem:$0x14000] =	vst v63  }
0x256: {  	_ =	swait.ge [sflag:s10], $0xA000  }
0x257: {  	s0 =	sld [smem:$0x7EF]  }
0x258: {  	[sflag:s10] =	ssyncset.done $0x0  }
0x259: {  	[sflag:s10] =	ssyncadd.s32 $0xFFFF6000  }
0x25a: {  	[tilespmem:s2], [sflag:$0x1] =	stream.linear.gather [hbm4b:s0+s2], $0xA000, $0x38;
	[tilespmem:$0x14000] =	vst v63  }
0x25b: {  	_ =	swait.ge [sflag:s6], $0xA000  }
0x25c: {  	s0 =	sld [smem:$0x7F0]  }
0x25d: {  	[sflag:s6] =	ssyncset.done $0x0  }
0x25e: {  	[sflag:s6] =	ssyncadd.s32 $0xFFFF6000  }
0x25f: {  	[tilespmem:s12], [sflag:$0x2] =	stream.linear.gather [hbm4b:s0+s2], $0xA000, $0x38;
	[tilespmem:$0x14000] =	vst v63  }
0x260: {  	_ =	swait.ge [sflag:s10], $0xA000  }
0x261: {  	s0 =	sld [smem:$0x7F1]  }
0x262: {  	[sflag:s10] =	ssyncset.done $0x0  }
0x263: {  	[sflag:s10] =	ssyncadd.s32 $0xFFFF6000  }
0x264: {  	[tilespmem:s2], [sflag:$0x1] =	stream.linear.gather [hbm4b:s0+s2], $0xA000, $0x38;
	[tilespmem:$0x14000] =	vst v63  }
0x265: {  	_ =	swait.ge [sflag:s6], $0xA000  }
0x266: {  	s0 =	sld [smem:$0x7F2]  }
0x267: {  	[sflag:s6] =	ssyncset.done $0x0  }
0x268: {  	[sflag:s6] =	ssyncadd.s32 $0xFFFF6000  }
0x269: {  	[tilespmem:s12], [sflag:$0x2] =	stream.linear.gather [hbm4b:s0+s2], $0xA000, $0x38;
	[tilespmem:$0x14000] =	vst v63  }
0x26a: {  	_ =	swait.ge [sflag:s10], $0xA000  }
0x26b: {  	s0 =	sld [smem:$0x7F3]  }
0x26c: {  	[sflag:s10] =	ssyncset.done $0x0  }
0x26d: {  	[sflag:s10] =	ssyncadd.s32 $0xFFFF6000  }
0x26e: {  	[tilespmem:s2], [sflag:$0x1] =	stream.linear.gather [hbm4b:s0+s2], $0xA000, $0x38;
	[tilespmem:$0x14000] =	vst v63  }
0x26f: {  	_ =	swait.ge [sflag:s6], $0xA000  }
0x270: {  	s0 =	sld [smem:$0x7F4]  }
0x271: {  	[sflag:s6] =	ssyncset.done $0x0  }
0x272: {  	[sflag:s6] =	ssyncadd.s32 $0xFFFF6000  }
0x273: {  	[tilespmem:s12], [sflag:$0x2] =	stream.linear.gather [hbm4b:s0+s2], $0xA000, $0x38;
	[tilespmem:$0x14000] =	vst v63  }
0x274: {  	_ =	swait.ge [sflag:s10], $0xA000  }
0x275: {  	s0 =	sld [smem:$0x7F5]  }
0x276: {  	[sflag:s10] =	ssyncset.done $0x0  }
0x277: {  	[sflag:s10] =	ssyncadd.s32 $0xFFFF6000  }
0x278: {  	[tilespmem:s2], [sflag:$0x1] =	stream.linear.gather [hbm4b:s0+s2], $0xA000, $0x38;
	[tilespmem:$0x14000] =	vst v63  }
0x279: {  	_ =	swait.ge [sflag:s6], $0xA000  }
0x27a: {  	s0 =	sld [smem:$0x7F6]  }
0x27b: {  	[sflag:s6] =	ssyncset.done $0x0  }
0x27c: {  	[sflag:s6] =	ssyncadd.s32 $0xFFFF6000  }
0x27d: {  	[tilespmem:s12], [sflag:$0x2] =	stream.linear.gather [hbm4b:s0+s2], $0xA000, $0x38;
	[tilespmem:$0x14000] =	vst v63  }
0x27e: {  	_ =	swait.ge [sflag:s10], $0xA000  }
0x27f: {  	s0 =	sld [smem:$0x7F7]  }
0x280: {  	[sflag:s10] =	ssyncset.done $0x0  }
0x281: {  	[sflag:s10] =	ssyncadd.s32 $0xFFFF6000  }
0x282: {  	[tilespmem:s2], [sflag:$0x1] =	stream.linear.gather [hbm4b:s0+s2], $0xA000, $0x38;
	[tilespmem:$0x14000] =	vst v63  }
0x283: {  	_ =	swait.ge [sflag:s6], $0xA000  }
0x284: {  	s0 =	sld [smem:$0x7F8]  }
0x285: {  	[sflag:s6] =	ssyncset.done $0x0  }
0x286: {  	[sflag:s6] =	ssyncadd.s32 $0xFFFF6000  }
0x287: {  	[tilespmem:s12], [sflag:$0x2] =	stream.linear.gather [hbm4b:s0+s2], $0xA000, $0x38;
	[tilespmem:$0x14000] =	vst v63  }
0x288: {  	_ =	swait.ge [sflag:s10], $0xA000  }
0x289: {  	s0 =	sld [smem:$0x7F9]  }
0x28a: {  	[sflag:s10] =	ssyncset.done $0x0  }
0x28b: {  	[sflag:s10] =	ssyncadd.s32 $0xFFFF6000  }
0x28c: {  	[tilespmem:s2], [sflag:$0x1] =	stream.linear.gather [hbm4b:s0+s2], $0xA000, $0x38;
	[tilespmem:$0x14000] =	vst v63  }
0x28d: {  	_ =	swait.ge [sflag:s6], $0xA000  }
0x28e: {  	s0 =	sld [smem:$0x7FA]  }
0x28f: {  	[sflag:s6] =	ssyncset.done $0x0  }
0x290: {  	[sflag:s6] =	ssyncadd.s32 $0xFFFF6000  }
0x291: {  	[tilespmem:s12], [sflag:$0x2] =	stream.linear.gather [hbm4b:s0+s2], $0xA000, $0x38;
	[tilespmem:$0x14000] =	vst v63  }
0x292: {  	_ =	swait.ge [sflag:s10], $0xA000  }
0x293: {  	s0 =	sld [smem:$0x7FB]  }
0x294: {  	[sflag:s10] =	ssyncset.done $0x0  }
0x295: {  	[sflag:s10] =	ssyncadd.s32 $0xFFFF6000  }
0x296: {  	[tilespmem:s2], [sflag:$0x1] =	stream.linear.gather [hbm4b:s0+s2], $0xA000, $0x38;
	[tilespmem:$0x14000] =	vst v63  }
0x297: {  	_ =	swait.ge [sflag:s6], $0xA000  }
0x298: {  	s0 =	sld [smem:$0x7FC]  }
0x299: {  	[sflag:s6] =	ssyncset.done $0x0  }
0x29a: {  	[sflag:s6] =	ssyncadd.s32 $0xFFFF6000  }
0x29b: {  	[tilespmem:s12], [sflag:$0x2] =	stream.linear.gather [hbm4b:s0+s2], $0xA000, $0x38;
	[tilespmem:$0x14000] =	vst v63  }
0x29c: {  	_ =	swait.ge [sflag:s10], $0xA000  }
0x29d: {  	s0 =	sld [smem:$0x7FD]  }
0x29e: {  	[sflag:s10] =	ssyncset.done $0x0  }
0x29f: {  	[sflag:s10] =	ssyncadd.s32 $0xFFFF6000  }
0x2a0: {  	[tilespmem:s2], [sflag:$0x1] =	stream.linear.gather [hbm4b:s0+s2], $0xA000, $0x38;
	[tilespmem:$0x14000] =	vst v63  }
0x2a1: {  	_ =	swait.ge [sflag:s6], $0xA000  }
0x2a2: {  	[sflag:s6] =	ssyncset.done $0x0  }
0x2a3: {  	[sflag:s6] =	ssyncadd.s32 $0xFFFF6000  }
0x2a4: {  	[tilespmem:s12], [sflag:$0x2] =	stream.linear.gather [hbm4b:s31+s2], $0xA000, $0x38;
	[tilespmem:$0x14000] =	vst v63  }
0x2a5: {  	_ =	swait.ge [sflag:s10], $0xA000  }
0x2a6: {  	[sflag:s10] =	ssyncset.done $0x0  }
0x2a7: {  	[sflag:s10] =	ssyncadd.s32 $0xFFFF6000  }
0x2a8: {  	[tilespmem:s2], [sflag:$0x1] =	stream.linear.gather [hbm4b:s30+s2], $0xA000, $0x38;
	[tilespmem:$0x14000] =	vst v63  }
0x2a9: {  	_ =	swait.ge [sflag:s6], $0xA000  }
0x2aa: {  	[sflag:s6] =	ssyncset.done $0x0  }
0x2ab: {  	[sflag:s6] =	ssyncadd.s32 $0xFFFF6000  }
0x2ac: {  	[tilespmem:s12], [sflag:$0x2] =	stream.linear.gather [hbm4b:s29+s2], $0xA000, $0x38;
	[tilespmem:$0x14000] =	vst v63  }
0x2ad: {  	_ =	swait.ge [sflag:s10], $0xA000  }
0x2ae: {  	[sflag:s10] =	ssyncset.done $0x0  }
0x2af: {  	[sflag:s10] =	ssyncadd.s32 $0xFFFF6000  }
0x2b0: {  	[tilespmem:s2], [sflag:$0x1] =	stream.linear.gather [hbm4b:s28+s2], $0xA000, $0x38;
	[tilespmem:$0x14000] =	vst v63  }
0x2b1: {  	_ =	swait.ge [sflag:s6], $0xA000  }
0x2b2: {  	[sflag:s6] =	ssyncset.done $0x0  }
0x2b3: {  	[sflag:s6] =	ssyncadd.s32 $0xFFFF6000  }
0x2b4: {  	[tilespmem:s12], [sflag:$0x2] =	stream.linear.gather [hbm4b:s26+s2], $0xA000, $0x38;
	[tilespmem:$0x14000] =	vst v63  }
0x2b5: {  	_ =	swait.ge [sflag:s10], $0xA000  }
0x2b6: {  	[sflag:s10] =	ssyncset.done $0x0  }
0x2b7: {  	[sflag:s10] =	ssyncadd.s32 $0xFFFF6000  }
0x2b8: {  	[tilespmem:s2], [sflag:$0x1] =	stream.linear.gather [hbm4b:s25+s2], $0xA000, $0x38;
	[tilespmem:$0x14000] =	vst v63  }
0x2b9: {  	_ =	swait.ge [sflag:s6], $0xA000  }
0x2ba: {  	[sflag:s6] =	ssyncset.done $0x0  }
0x2bb: {  	[sflag:s6] =	ssyncadd.s32 $0xFFFF6000  }
0x2bc: {  	[tilespmem:s12], [sflag:$0x2] =	stream.linear.gather [hbm4b:s24+s2], $0xA000, $0x38;
	[tilespmem:$0x14000] =	vst v63  }
0x2bd: {  	_ =	swait.ge [sflag:s10], $0xA000  }
0x2be: {  	[sflag:s10] =	ssyncset.done $0x0  }
0x2bf: {  	[sflag:s10] =	ssyncadd.s32 $0xFFFF6000  }
0x2c0: {  	[tilespmem:s2], [sflag:$0x1] =	stream.linear.gather [hbm4b:s23+s2], $0xA000, $0x38;
	[tilespmem:$0x14000] =	vst v63  }
0x2c1: {  	_ =	swait.ge [sflag:s6], $0xA000  }
0x2c2: {  	[sflag:s6] =	ssyncset.done $0x0  }
0x2c3: {  	[sflag:s6] =	ssyncadd.s32 $0xFFFF6000  }
0x2c4: {  	[tilespmem:s12], [sflag:$0x2] =	stream.linear.gather [hbm4b:s22+s2], $0xA000, $0x38;
	[tilespmem:$0x14000] =	vst v63  }
0x2c5: {  	_ =	swait.ge [sflag:s10], $0xA000  }
0x2c6: {  	[sflag:s10] =	ssyncset.done $0x0  }
0x2c7: {  	[sflag:s10] =	ssyncadd.s32 $0xFFFF6000  }
0x2c8: {  	[tilespmem:s2], [sflag:$0x1] =	stream.linear.gather [hbm4b:s21+s2], $0xA000, $0x38;
	[tilespmem:$0x14000] =	vst v63  }
0x2c9: {  	_ =	swait.ge [sflag:s6], $0xA000  }
0x2ca: {  	[sflag:s6] =	ssyncset.done $0x0  }
0x2cb: {  	[sflag:s6] =	ssyncadd.s32 $0xFFFF6000  }
0x2cc: {  	[tilespmem:s12], [sflag:$0x2] =	stream.linear.gather [hbm4b:s20+s2], $0xA000, $0x38;
	[tilespmem:$0x14000] =	vst v63  }
0x2cd: {  	_ =	swait.ge [sflag:s10], $0xA000  }
0x2ce: {  	[sflag:s10] =	ssyncset.done $0x0  }
0x2cf: {  	[sflag:s10] =	ssyncadd.s32 $0xFFFF6000  }
0x2d0: {  	[tilespmem:s2], [sflag:$0x1] =	stream.linear.gather [hbm4b:s19+s2], $0xA000, $0x38;
	[tilespmem:$0x14000] =	vst v63  }
0x2d1: {  	_ =	swait.ge [sflag:s6], $0xA000  }
0x2d2: {  	[sflag:s6] =	ssyncset.done $0x0  }
0x2d3: {  	[sflag:s6] =	ssyncadd.s32 $0xFFFF6000  }
0x2d4: {  	[tilespmem:s12], [sflag:$0x2] =	stream.linear.gather [hbm4b:s18+s2], $0xA000, $0x38;
	[tilespmem:$0x14000] =	vst v63  }
0x2d5: {  	_ =	swait.ge [sflag:s10], $0xA000  }
0x2d6: {  	[sflag:s10] =	ssyncset.done $0x0  }
0x2d7: {  	[sflag:s10] =	ssyncadd.s32 $0xFFFF6000  }
0x2d8: {  	[tilespmem:s2], [sflag:$0x1] =	stream.linear.gather [hbm4b:s17+s2], $0xA000, $0x38;
	[tilespmem:$0x14000] =	vst v63  }
0x2d9: {  	_ =	swait.ge [sflag:s6], $0xA000  }
0x2da: {  	[sflag:s6] =	ssyncset.done $0x0  }
0x2db: {  	[sflag:s6] =	ssyncadd.s32 $0xFFFF6000  }
0x2dc: {  	[tilespmem:s12], [sflag:$0x2] =	stream.linear.gather [hbm4b:s16+s2], $0xA000, $0x38;
	[tilespmem:$0x14000] =	vst v63  }
0x2dd: {  	_ =	swait.ge [sflag:s10], $0xA000  }
0x2de: {  	[sflag:s10] =	ssyncset.done $0x0  }
0x2df: {  	[sflag:s10] =	ssyncadd.s32 $0xFFFF6000  }
0x2e0: {  	[tilespmem:s2], [sflag:$0x1] =	stream.linear.gather [hbm4b:s15+s2], $0xA000, $0x38;
	[tilespmem:$0x14000] =	vst v63  }
0x2e1: {  	_ =	swait.ge [sflag:s6], $0xA000  }
0x2e2: {  	[sflag:s6] =	ssyncset.done $0x0  }
0x2e3: {  	[sflag:s6] =	ssyncadd.s32 $0xFFFF6000  }
0x2e4: {  	[tilespmem:s12], [sflag:$0x2] =	stream.linear.gather [hbm4b:s14+s2], $0xA000, $0x38;
	[tilespmem:$0x14000] =	vst v63  }
0x2e5: {  	_ =	swait.ge [sflag:s10], $0xA000  }
0x2e6: {  	[sflag:s10] =	ssyncset.done $0x0  }
0x2e7: {  	[sflag:s10] =	ssyncadd.s32 $0xFFFF6000  }
0x2e8: {  	[tilespmem:s2], [sflag:$0x1] =	stream.linear.gather [hbm4b:s13+s2], $0xA000, $0x38;
	[tilespmem:$0x14000] =	vst v63  }
0x2e9: {  	_ =	swait.ge [sflag:s6], $0xA000  }
0x2ea: {  	[sflag:s6] =	ssyncset.done $0x0  }
0x2eb: {  	[sflag:s6] =	ssyncadd.s32 $0xFFFF6000  }
0x2ec: {  	[tilespmem:s12], [sflag:$0x2] =	stream.linear.gather [hbm4b:s11+s2], $0xA000, $0x38;
	[tilespmem:$0x14000] =	vst v63  }
0x2ed: {  	_ =	swait.ge [sflag:s10], $0xA000  }
0x2ee: {  	[sflag:s10] =	ssyncset.done $0x0  }
0x2ef: {  	[sflag:s10] =	ssyncadd.s32 $0xFFFF6000  }
0x2f0: {  	[tilespmem:s2], [sflag:$0x1] =	stream.linear.gather [hbm4b:s9+s2], $0xA000, $0x38;
	[tilespmem:$0x14000] =	vst v63  }
0x2f1: {  	_ =	swait.ge [sflag:s6], $0xA000  }
0x2f2: {  	[sflag:s6] =	ssyncset.done $0x0  }
0x2f3: {  	[sflag:s6] =	ssyncadd.s32 $0xFFFF6000  }
0x2f4: {  	[tilespmem:s12], [sflag:$0x2] =	stream.linear.gather [hbm4b:s5+s2], $0xA000, $0x38;
	[tilespmem:$0x14000] =	vst v63  }
0x2f5: {  	_ =	swait.ge [sflag:s10], $0xA000  }
0x2f6: {  	[sflag:s10] =	ssyncset.done $0x0  }
0x2f7: {  	[sflag:s10] =	ssyncadd.s32 $0xFFFF6000  }
0x2f8: {  	_ =	swait.ge [sflag:s6], $0xA000  }
0x2f9: {  	[sflag:s6] =	ssyncset.done $0x0  }
0x2fa: {  	p1 =	sne.s32 s1, $0x1;
	s7 =	simm.s32 $0x80;
	[sflag:s6] =	ssyncadd.s32 $0xFFFF6000  }
0x2fb: {  	[hbm4b:s3+s7] =	stream.strided.scatter [tilespmem:s2], [sflag:$0x3], $0x0, s8, s7, $0x38;
	[tilespmem:$0x14000] =	vst v63  }
.Ltmp2:
0x2fc: {  	_ = 	snop;
	(pc) =	sbr.rel @p1 .LBB2_2-.Ltmp2, $4  }
0x2fd: {  	_ = 	snop  }
0x2fe: {  	[hbm4b:s3+s2] =	stream.linear.scatter [tilespmem:s2], [sflag:$0x3], $0x10, $0x38;
	[tilespmem:$0x14000] =	vst v63  }
0x2ff: {  	_ =	swait.ge [sflag:s4], $0x10  }
0x300: {  	s1 =	sadd.s32 $0xFFFFFFFF, s1;
	[sflag:s4] =	ssyncset.done $0x0  }
.LBB2_3:
0x301: {  	s0 =	rddreg [dreg:$0x3];
	[sflag:s4] =	ssyncadd.s32 @p0 $0xFFFFFFF0  }
0x302: {  	[tilespmem:s2], [sflag:$0x1] =	stream.linear.gather [hbm4b:s0+s2], $0xA000, $0x38;
	[tilespmem:$0x14000] =	vst v63  }
0x303: {  	s1 =	rddreg [dreg:$0x4]  }
0x304: {  	[tilespmem:s12], [sflag:$0x2] =	stream.linear.gather [hbm4b:s1+s2], $0xA000, $0x38;
	[tilespmem:$0x14000] =	vst v63  }
0x305: {  	_ =	swait.ge [sflag:s10], $0xA000  }
0x306: {  	[sflag:s10] =	ssyncset.done $0x0  }
0x307: {  	s1 =	rddreg [dreg:$0x5];
	[sflag:s10] =	ssyncadd.s32 $0xFFFF6000  }
0x308: {  	[tilespmem:s2], [sflag:$0x1] =	stream.linear.gather [hbm4b:s1+s2], $0xA000, $0x38;
	[tilespmem:$0x14000] =	vst v63  }
0x309: {  	_ =	swait.ge [sflag:s6], $0xA000  }
0x30a: {  	[sflag:s6] =	ssyncset.done $0x0  }
0x30b: {  	s1 =	rddreg [dreg:$0x6];
	[sflag:s6] =	ssyncadd.s32 $0xFFFF6000  }
0x30c: {  	[tilespmem:s12], [sflag:$0x2] =	stream.linear.gather [hbm4b:s1+s2], $0xA000, $0x38;
	[tilespmem:$0x14000] =	vst v63  }
0x30d: {  	_ =	swait.ge [sflag:s10], $0xA000  }
0x30e: {  	[sflag:s10] =	ssyncset.done $0x0  }
0x30f: {  	s1 =	rddreg [dreg:$0x7];
	[sflag:s10] =	ssyncadd.s32 $0xFFFF6000  }
0x310: {  	[tilespmem:s2], [sflag:$0x1] =	stream.linear.gather [hbm4b:s1+s2], $0xA000, $0x38;
	[tilespmem:$0x14000] =	vst v63  }
0x311: {  	_ =	swait.ge [sflag:s6], $0xA000  }
0x312: {  	[sflag:s6] =	ssyncset.done $0x0  }
0x313: {  	s1 =	rddreg [dreg:$0x8];
	[sflag:s6] =	ssyncadd.s32 $0xFFFF6000  }
0x314: {  	[tilespmem:s12], [sflag:$0x2] =	stream.linear.gather [hbm4b:s1+s2], $0xA000, $0x38;
	[tilespmem:$0x14000] =	vst v63  }
0x315: {  	_ =	swait.ge [sflag:s10], $0xA000  }
0x316: {  	[sflag:s10] =	ssyncset.done $0x0  }
0x317: {  	s1 =	rddreg [dreg:$0x9];
	[sflag:s10] =	ssyncadd.s32 $0xFFFF6000  }
0x318: {  	[tilespmem:s2], [sflag:$0x1] =	stream.linear.gather [hbm4b:s1+s2], $0xA000, $0x38;
	[tilespmem:$0x14000] =	vst v63  }
0x319: {  	_ =	swait.ge [sflag:s6], $0xA000  }
0x31a: {  	[sflag:s6] =	ssyncset.done $0x0  }
0x31b: {  	s1 =	rddreg [dreg:$0xa];
	[sflag:s6] =	ssyncadd.s32 $0xFFFF6000  }
0x31c: {  	[tilespmem:s12], [sflag:$0x2] =	stream.linear.gather [hbm4b:s1+s2], $0xA000, $0x38;
	[tilespmem:$0x14000] =	vst v63  }
0x31d: {  	_ =	swait.ge [sflag:s10], $0xA000  }
0x31e: {  	[sflag:s10] =	ssyncset.done $0x0  }
0x31f: {  	s1 =	rddreg [dreg:$0xb];
	[sflag:s10] =	ssyncadd.s32 $0xFFFF6000  }
0x320: {  	[tilespmem:s2], [sflag:$0x1] =	stream.linear.gather [hbm4b:s1+s2], $0xA000, $0x38;
	[tilespmem:$0x14000] =	vst v63  }
0x321: {  	_ =	swait.ge [sflag:s6], $0xA000  }
0x322: {  	[sflag:s6] =	ssyncset.done $0x0  }
0x323: {  	s1 =	rddreg [dreg:$0xc];
	[sflag:s6] =	ssyncadd.s32 $0xFFFF6000  }
0x324: {  	[tilespmem:s12], [sflag:$0x2] =	stream.linear.gather [hbm4b:s1+s2], $0xA000, $0x38;
	[tilespmem:$0x14000] =	vst v63  }
0x325: {  	_ =	swait.ge [sflag:s10], $0xA000  }
0x326: {  	[sflag:s10] =	ssyncset.done $0x0  }
0x327: {  	s1 =	rddreg [dreg:$0xd];
	[sflag:s10] =	ssyncadd.s32 $0xFFFF6000  }
0x328: {  	[tilespmem:s2], [sflag:$0x1] =	stream.linear.gather [hbm4b:s1+s2], $0xA000, $0x38;
	[tilespmem:$0x14000] =	vst v63  }
0x329: {  	_ =	swait.ge [sflag:s6], $0xA000  }
0x32a: {  	[sflag:s6] =	ssyncset.done $0x0  }
0x32b: {  	s1 =	rddreg [dreg:$0xe];
	[sflag:s6] =	ssyncadd.s32 $0xFFFF6000  }
0x32c: {  	[tilespmem:s12], [sflag:$0x2] =	stream.linear.gather [hbm4b:s1+s2], $0xA000, $0x38;
	[tilespmem:$0x14000] =	vst v63  }
0x32d: {  	_ =	swait.ge [sflag:s10], $0xA000  }
0x32e: {  	[sflag:s10] =	ssyncset.done $0x0  }
0x32f: {  	s1 =	rddreg [dreg:$0xf];
	[sflag:s10] =	ssyncadd.s32 $0xFFFF6000  }
0x330: {  	[tilespmem:s2], [sflag:$0x1] =	stream.linear.gather [hbm4b:s1+s2], $0xA000, $0x38;
	[tilespmem:$0x14000] =	vst v63  }
0x331: {  	_ =	swait.ge [sflag:s6], $0xA000  }
0x332: {  	[sflag:s6] =	ssyncset.done $0x0  }
0x333: {  	s1 =	rddreg [dreg:$0x10];
	[sflag:s6] =	ssyncadd.s32 $0xFFFF6000  }
0x334: {  	[tilespmem:s12], [sflag:$0x2] =	stream.linear.gather [hbm4b:s1+s2], $0xA000, $0x38;
	[tilespmem:$0x14000] =	vst v63  }
0x335: {  	_ =	swait.ge [sflag:s10], $0xA000  }
0x336: {  	[sflag:s10] =	ssyncset.done $0x0  }
0x337: {  	s1 =	rddreg [dreg:$0x11];
	[sflag:s10] =	ssyncadd.s32 $0xFFFF6000  }
0x338: {  	[tilespmem:s2], [sflag:$0x1] =	stream.linear.gather [hbm4b:s1+s2], $0xA000, $0x38;
	[tilespmem:$0x14000] =	vst v63  }
0x339: {  	_ =	swait.ge [sflag:s6], $0xA000  }
0x33a: {  	[sflag:s6] =	ssyncset.done $0x0  }
0x33b: {  	s1 =	rddreg [dreg:$0x12];
	[sflag:s6] =	ssyncadd.s32 $0xFFFF6000  }
0x33c: {  	[tilespmem:s12], [sflag:$0x2] =	stream.linear.gather [hbm4b:s1+s2], $0xA000, $0x38;
	[tilespmem:$0x14000] =	vst v63  }
0x33d: {  	_ =	swait.ge [sflag:s10], $0xA000  }
0x33e: {  	[sflag:s10] =	ssyncset.done $0x0  }
0x33f: {  	s1 =	rddreg [dreg:$0x13];
	[sflag:s10] =	ssyncadd.s32 $0xFFFF6000  }
0x340: {  	[tilespmem:s2], [sflag:$0x1] =	stream.linear.gather [hbm4b:s1+s2], $0xA000, $0x38;
	[tilespmem:$0x14000] =	vst v63  }
0x341: {  	_ =	swait.ge [sflag:s6], $0xA000  }
0x342: {  	[sflag:s6] =	ssyncset.done $0x0  }
0x343: {  	s1 =	rddreg [dreg:$0x14];
	[sflag:s6] =	ssyncadd.s32 $0xFFFF6000  }
0x344: {  	[tilespmem:s12], [sflag:$0x2] =	stream.linear.gather [hbm4b:s1+s2], $0xA000, $0x38;
	[tilespmem:$0x14000] =	vst v63  }
0x345: {  	_ =	swait.ge [sflag:s10], $0xA000  }
0x346: {  	[sflag:s10] =	ssyncset.done $0x0  }
0x347: {  	s1 =	rddreg [dreg:$0x15];
	[sflag:s10] =	ssyncadd.s32 $0xFFFF6000  }
0x348: {  	[tilespmem:s2], [sflag:$0x1] =	stream.linear.gather [hbm4b:s1+s2], $0xA000, $0x38;
	[tilespmem:$0x14000] =	vst v63  }
0x349: {  	_ =	swait.ge [sflag:s6], $0xA000  }
0x34a: {  	[sflag:s6] =	ssyncset.done $0x0  }
0x34b: {  	s1 =	rddreg [dreg:$0x16];
	[sflag:s6] =	ssyncadd.s32 $0xFFFF6000  }
0x34c: {  	[tilespmem:s12], [sflag:$0x2] =	stream.linear.gather [hbm4b:s1+s2], $0xA000, $0x38;
	[tilespmem:$0x14000] =	vst v63  }
0x34d: {  	_ =	swait.ge [sflag:s10], $0xA000  }
0x34e: {  	[sflag:s10] =	ssyncset.done $0x0  }
0x34f: {  	s1 =	rddreg [dreg:$0x17];
	[sflag:s10] =	ssyncadd.s32 $0xFFFF6000  }
0x350: {  	[tilespmem:s2], [sflag:$0x1] =	stream.linear.gather [hbm4b:s1+s2], $0xA000, $0x38;
	[tilespmem:$0x14000] =	vst v63  }
0x351: {  	_ =	swait.ge [sflag:s6], $0xA000  }
0x352: {  	[sflag:s6] =	ssyncset.done $0x0  }
0x353: {  	s1 =	rddreg [dreg:$0x18];
	[sflag:s6] =	ssyncadd.s32 $0xFFFF6000  }
0x354: {  	[tilespmem:s12], [sflag:$0x2] =	stream.linear.gather [hbm4b:s1+s2], $0xA000, $0x38;
	[tilespmem:$0x14000] =	vst v63  }
0x355: {  	_ =	swait.ge [sflag:s10], $0xA000  }
0x356: {  	[sflag:s10] =	ssyncset.done $0x0  }
0x357: {  	s1 =	rddreg [dreg:$0x19];
	[sflag:s10] =	ssyncadd.s32 $0xFFFF6000  }
0x358: {  	[tilespmem:s2], [sflag:$0x1] =	stream.linear.gather [hbm4b:s1+s2], $0xA000, $0x38;
	[tilespmem:$0x14000] =	vst v63  }
0x359: {  	_ =	swait.ge [sflag:s6], $0xA000  }
0x35a: {  	[sflag:s6] =	ssyncset.done $0x0  }
0x35b: {  	s1 =	rddreg [dreg:$0x1a];
	[sflag:s6] =	ssyncadd.s32 $0xFFFF6000  }
0x35c: {  	[tilespmem:s12], [sflag:$0x2] =	stream.linear.gather [hbm4b:s1+s2], $0xA000, $0x38;
	[tilespmem:$0x14000] =	vst v63  }
0x35d: {  	_ =	swait.ge [sflag:s10], $0xA000  }
0x35e: {  	[sflag:s10] =	ssyncset.done $0x0  }
0x35f: {  	s1 =	rddreg [dreg:$0x1b];
	[sflag:s10] =	ssyncadd.s32 $0xFFFF6000  }
0x360: {  	[tilespmem:s2], [sflag:$0x1] =	stream.linear.gather [hbm4b:s1+s2], $0xA000, $0x38;
	[tilespmem:$0x14000] =	vst v63  }
0x361: {  	_ =	swait.ge [sflag:s6], $0xA000  }
0x362: {  	[sflag:s6] =	ssyncset.done $0x0  }
0x363: {  	s1 =	rddreg [dreg:$0x1c];
	[sflag:s6] =	ssyncadd.s32 $0xFFFF6000  }
0x364: {  	[tilespmem:s12], [sflag:$0x2] =	stream.linear.gather [hbm4b:s1+s2], $0xA000, $0x38;
	[tilespmem:$0x14000] =	vst v63  }
0x365: {  	_ =	swait.ge [sflag:s10], $0xA000  }
0x366: {  	[sflag:s10] =	ssyncset.done $0x0  }
0x367: {  	s1 =	rddreg [dreg:$0x1d];
	[sflag:s10] =	ssyncadd.s32 $0xFFFF6000  }
0x368: {  	[tilespmem:s2], [sflag:$0x1] =	stream.linear.gather [hbm4b:s1+s2], $0xA000, $0x38;
	[tilespmem:$0x14000] =	vst v63  }
0x369: {  	_ =	swait.ge [sflag:s6], $0xA000  }
0x36a: {  	[sflag:s6] =	ssyncset.done $0x0  }
0x36b: {  	s1 =	rddreg [dreg:$0x1e];
	[sflag:s6] =	ssyncadd.s32 $0xFFFF6000  }
0x36c: {  	[tilespmem:s12], [sflag:$0x2] =	stream.linear.gather [hbm4b:s1+s2], $0xA000, $0x38;
	[tilespmem:$0x14000] =	vst v63  }
0x36d: {  	_ =	swait.ge [sflag:s10], $0xA000  }
0x36e: {  	[sflag:s10] =	ssyncset.done $0x0  }
0x36f: {  	s1 =	rddreg [dreg:$0x1f];
	[sflag:s10] =	ssyncadd.s32 $0xFFFF6000  }
0x370: {  	[tilespmem:s2], [sflag:$0x1] =	stream.linear.gather [hbm4b:s1+s2], $0xA000, $0x38;
	[tilespmem:$0x14000] =	vst v63  }
0x371: {  	_ =	swait.ge [sflag:s6], $0xA000  }
0x372: {  	s1 =	sld [smem:$0x7E2]  }
0x373: {  	[sflag:s6] =	ssyncset.done $0x0  }
0x374: {  	[sflag:s6] =	ssyncadd.s32 $0xFFFF6000  }
0x375: {  	[tilespmem:s12], [sflag:$0x2] =	stream.linear.gather [hbm4b:s1+s2], $0xA000, $0x38;
	[tilespmem:$0x14000] =	vst v63  }
0x376: {  	_ =	swait.ge [sflag:s10], $0xA000  }
0x377: {  	s1 =	sld [smem:$0x7E3]  }
0x378: {  	[sflag:s10] =	ssyncset.done $0x0  }
0x379: {  	[sflag:s10] =	ssyncadd.s32 $0xFFFF6000  }
0x37a: {  	[tilespmem:s2], [sflag:$0x1] =	stream.linear.gather [hbm4b:s1+s2], $0xA000, $0x38;
	[tilespmem:$0x14000] =	vst v63  }
0x37b: {  	_ =	swait.ge [sflag:s6], $0xA000  }
0x37c: {  	s1 =	sld [smem:$0x7E4]  }
0x37d: {  	[sflag:s6] =	ssyncset.done $0x0  }
0x37e: {  	[sflag:s6] =	ssyncadd.s32 $0xFFFF6000  }
0x37f: {  	[tilespmem:s12], [sflag:$0x2] =	stream.linear.gather [hbm4b:s1+s2], $0xA000, $0x38;
	[tilespmem:$0x14000] =	vst v63  }
0x380: {  	_ =	swait.ge [sflag:s10], $0xA000  }
0x381: {  	s1 =	sld [smem:$0x7E5]  }
0x382: {  	[sflag:s10] =	ssyncset.done $0x0  }
0x383: {  	[sflag:s10] =	ssyncadd.s32 $0xFFFF6000  }
0x384: {  	[tilespmem:s2], [sflag:$0x1] =	stream.linear.gather [hbm4b:s1+s2], $0xA000, $0x38;
	[tilespmem:$0x14000] =	vst v63  }
0x385: {  	_ =	swait.ge [sflag:s6], $0xA000  }
0x386: {  	s1 =	sld [smem:$0x7E6]  }
0x387: {  	[sflag:s6] =	ssyncset.done $0x0  }
0x388: {  	[sflag:s6] =	ssyncadd.s32 $0xFFFF6000  }
0x389: {  	[tilespmem:s12], [sflag:$0x2] =	stream.linear.gather [hbm4b:s1+s2], $0xA000, $0x38;
	[tilespmem:$0x14000] =	vst v63  }
0x38a: {  	_ =	swait.ge [sflag:s10], $0xA000  }
0x38b: {  	s1 =	sld [smem:$0x7E7]  }
0x38c: {  	[sflag:s10] =	ssyncset.done $0x0  }
0x38d: {  	[sflag:s10] =	ssyncadd.s32 $0xFFFF6000  }
0x38e: {  	[tilespmem:s2], [sflag:$0x1] =	stream.linear.gather [hbm4b:s1+s2], $0xA000, $0x38;
	[tilespmem:$0x14000] =	vst v63  }
0x38f: {  	_ =	swait.ge [sflag:s6], $0xA000  }
0x390: {  	s1 =	sld [smem:$0x7E8]  }
0x391: {  	[sflag:s6] =	ssyncset.done $0x0  }
0x392: {  	[sflag:s6] =	ssyncadd.s32 $0xFFFF6000  }
0x393: {  	[tilespmem:s12], [sflag:$0x2] =	stream.linear.gather [hbm4b:s1+s2], $0xA000, $0x38;
	[tilespmem:$0x14000] =	vst v63  }
0x394: {  	_ =	swait.ge [sflag:s10], $0xA000  }
0x395: {  	s1 =	sld [smem:$0x7E9]  }
0x396: {  	[sflag:s10] =	ssyncset.done $0x0  }
0x397: {  	[sflag:s10] =	ssyncadd.s32 $0xFFFF6000  }
0x398: {  	[tilespmem:s2], [sflag:$0x1] =	stream.linear.gather [hbm4b:s1+s2], $0xA000, $0x38;
	[tilespmem:$0x14000] =	vst v63  }
0x399: {  	_ =	swait.ge [sflag:s6], $0xA000  }
0x39a: {  	s1 =	sld [smem:$0x7EA]  }
0x39b: {  	[sflag:s6] =	ssyncset.done $0x0  }
0x39c: {  	[sflag:s6] =	ssyncadd.s32 $0xFFFF6000  }
0x39d: {  	[tilespmem:s12], [sflag:$0x2] =	stream.linear.gather [hbm4b:s1+s2], $0xA000, $0x38;
	[tilespmem:$0x14000] =	vst v63  }
0x39e: {  	_ =	swait.ge [sflag:s10], $0xA000  }
0x39f: {  	s1 =	sld [smem:$0x7EB]  }
0x3a0: {  	[sflag:s10] =	ssyncset.done $0x0  }
0x3a1: {  	[sflag:s10] =	ssyncadd.s32 $0xFFFF6000  }
0x3a2: {  	[tilespmem:s2], [sflag:$0x1] =	stream.linear.gather [hbm4b:s1+s2], $0xA000, $0x38;
	[tilespmem:$0x14000] =	vst v63  }
0x3a3: {  	_ =	swait.ge [sflag:s6], $0xA000  }
0x3a4: {  	s1 =	sld [smem:$0x7EC]  }
0x3a5: {  	[sflag:s6] =	ssyncset.done $0x0  }
0x3a6: {  	[sflag:s6] =	ssyncadd.s32 $0xFFFF6000  }
0x3a7: {  	[tilespmem:s12], [sflag:$0x2] =	stream.linear.gather [hbm4b:s1+s2], $0xA000, $0x38;
	[tilespmem:$0x14000] =	vst v63  }
0x3a8: {  	_ =	swait.ge [sflag:s10], $0xA000  }
0x3a9: {  	s1 =	sld [smem:$0x7ED]  }
0x3aa: {  	[sflag:s10] =	ssyncset.done $0x0  }
0x3ab: {  	[sflag:s10] =	ssyncadd.s32 $0xFFFF6000  }
0x3ac: {  	[tilespmem:s2], [sflag:$0x1] =	stream.linear.gather [hbm4b:s1+s2], $0xA000, $0x38;
	[tilespmem:$0x14000] =	vst v63  }
0x3ad: {  	_ =	swait.ge [sflag:s6], $0xA000  }
0x3ae: {  	s1 =	sld [smem:$0x7EE]  }
0x3af: {  	[sflag:s6] =	ssyncset.done $0x0  }
0x3b0: {  	[sflag:s6] =	ssyncadd.s32 $0xFFFF6000  }
0x3b1: {  	[tilespmem:s12], [sflag:$0x2] =	stream.linear.gather [hbm4b:s1+s2], $0xA000, $0x38;
	[tilespmem:$0x14000] =	vst v63  }
0x3b2: {  	_ =	swait.ge [sflag:s10], $0xA000  }
0x3b3: {  	s1 =	sld [smem:$0x7EF]  }
0x3b4: {  	[sflag:s10] =	ssyncset.done $0x0  }
0x3b5: {  	[sflag:s10] =	ssyncadd.s32 $0xFFFF6000  }
0x3b6: {  	[tilespmem:s2], [sflag:$0x1] =	stream.linear.gather [hbm4b:s1+s2], $0xA000, $0x38;
	[tilespmem:$0x14000] =	vst v63  }
0x3b7: {  	_ =	swait.ge [sflag:s6], $0xA000  }
0x3b8: {  	s1 =	sld [smem:$0x7F0]  }
0x3b9: {  	[sflag:s6] =	ssyncset.done $0x0  }
0x3ba: {  	[sflag:s6] =	ssyncadd.s32 $0xFFFF6000  }
0x3bb: {  	[tilespmem:s12], [sflag:$0x2] =	stream.linear.gather [hbm4b:s1+s2], $0xA000, $0x38;
	[tilespmem:$0x14000] =	vst v63  }
0x3bc: {  	_ =	swait.ge [sflag:s10], $0xA000  }
0x3bd: {  	s1 =	sld [smem:$0x7F1]  }
0x3be: {  	[sflag:s10] =	ssyncset.done $0x0  }
0x3bf: {  	[sflag:s10] =	ssyncadd.s32 $0xFFFF6000  }
0x3c0: {  	[tilespmem:s2], [sflag:$0x1] =	stream.linear.gather [hbm4b:s1+s2], $0xA000, $0x38;
	[tilespmem:$0x14000] =	vst v63  }
0x3c1: {  	_ =	swait.ge [sflag:s6], $0xA000  }
0x3c2: {  	s1 =	sld [smem:$0x7F2]  }
0x3c3: {  	[sflag:s6] =	ssyncset.done $0x0  }
0x3c4: {  	[sflag:s6] =	ssyncadd.s32 $0xFFFF6000  }
0x3c5: {  	[tilespmem:s12], [sflag:$0x2] =	stream.linear.gather [hbm4b:s1+s2], $0xA000, $0x38;
	[tilespmem:$0x14000] =	vst v63  }
0x3c6: {  	_ =	swait.ge [sflag:s10], $0xA000  }
0x3c7: {  	s1 =	sld [smem:$0x7F3]  }
0x3c8: {  	[sflag:s10] =	ssyncset.done $0x0  }
0x3c9: {  	[sflag:s10] =	ssyncadd.s32 $0xFFFF6000  }
0x3ca: {  	[tilespmem:s2], [sflag:$0x1] =	stream.linear.gather [hbm4b:s1+s2], $0xA000, $0x38;
	[tilespmem:$0x14000] =	vst v63  }
0x3cb: {  	_ =	swait.ge [sflag:s6], $0xA000  }
0x3cc: {  	s1 =	sld [smem:$0x7F4]  }
0x3cd: {  	[sflag:s6] =	ssyncset.done $0x0  }
0x3ce: {  	[sflag:s6] =	ssyncadd.s32 $0xFFFF6000  }
0x3cf: {  	[tilespmem:s12], [sflag:$0x2] =	stream.linear.gather [hbm4b:s1+s2], $0xA000, $0x38;
	[tilespmem:$0x14000] =	vst v63  }
0x3d0: {  	_ =	swait.ge [sflag:s10], $0xA000  }
0x3d1: {  	s1 =	sld [smem:$0x7F5]  }
0x3d2: {  	[sflag:s10] =	ssyncset.done $0x0  }
0x3d3: {  	[sflag:s10] =	ssyncadd.s32 $0xFFFF6000  }
0x3d4: {  	[tilespmem:s2], [sflag:$0x1] =	stream.linear.gather [hbm4b:s1+s2], $0xA000, $0x38;
	[tilespmem:$0x14000] =	vst v63  }
0x3d5: {  	_ =	swait.ge [sflag:s6], $0xA000  }
0x3d6: {  	s1 =	sld [smem:$0x7F6]  }
0x3d7: {  	[sflag:s6] =	ssyncset.done $0x0  }
0x3d8: {  	[sflag:s6] =	ssyncadd.s32 $0xFFFF6000  }
0x3d9: {  	[tilespmem:s12], [sflag:$0x2] =	stream.linear.gather [hbm4b:s1+s2], $0xA000, $0x38;
	[tilespmem:$0x14000] =	vst v63  }
0x3da: {  	_ =	swait.ge [sflag:s10], $0xA000  }
0x3db: {  	s1 =	sld [smem:$0x7F7]  }
0x3dc: {  	[sflag:s10] =	ssyncset.done $0x0  }
0x3dd: {  	[sflag:s10] =	ssyncadd.s32 $0xFFFF6000  }
0x3de: {  	[tilespmem:s2], [sflag:$0x1] =	stream.linear.gather [hbm4b:s1+s2], $0xA000, $0x38;
	[tilespmem:$0x14000] =	vst v63  }
0x3df: {  	_ =	swait.ge [sflag:s6], $0xA000  }
0x3e0: {  	s1 =	sld [smem:$0x7F8]  }
0x3e1: {  	[sflag:s6] =	ssyncset.done $0x0  }
0x3e2: {  	[sflag:s6] =	ssyncadd.s32 $0xFFFF6000  }
0x3e3: {  	[tilespmem:s12], [sflag:$0x2] =	stream.linear.gather [hbm4b:s1+s2], $0xA000, $0x38;
	[tilespmem:$0x14000] =	vst v63  }
0x3e4: {  	_ =	swait.ge [sflag:s10], $0xA000  }
0x3e5: {  	s1 =	sld [smem:$0x7F9]  }
0x3e6: {  	[sflag:s10] =	ssyncset.done $0x0  }
0x3e7: {  	[sflag:s10] =	ssyncadd.s32 $0xFFFF6000  }
0x3e8: {  	[tilespmem:s2], [sflag:$0x1] =	stream.linear.gather [hbm4b:s1+s2], $0xA000, $0x38;
	[tilespmem:$0x14000] =	vst v63  }
0x3e9: {  	_ =	swait.ge [sflag:s6], $0xA000  }
0x3ea: {  	s1 =	sld [smem:$0x7FA]  }
0x3eb: {  	[sflag:s6] =	ssyncset.done $0x0  }
0x3ec: {  	[sflag:s6] =	ssyncadd.s32 $0xFFFF6000  }
0x3ed: {  	[tilespmem:s12], [sflag:$0x2] =	stream.linear.gather [hbm4b:s1+s2], $0xA000, $0x38;
	[tilespmem:$0x14000] =	vst v63  }
0x3ee: {  	_ =	swait.ge [sflag:s10], $0xA000  }
0x3ef: {  	s1 =	sld [smem:$0x7FB]  }
0x3f0: {  	[sflag:s10] =	ssyncset.done $0x0  }
0x3f1: {  	[sflag:s10] =	ssyncadd.s32 $0xFFFF6000  }
0x3f2: {  	[tilespmem:s2], [sflag:$0x1] =	stream.linear.gather [hbm4b:s1+s2], $0xA000, $0x38;
	[tilespmem:$0x14000] =	vst v63  }
0x3f3: {  	_ =	swait.ge [sflag:s6], $0xA000  }
0x3f4: {  	s1 =	sld [smem:$0x7FC]  }
0x3f5: {  	[sflag:s6] =	ssyncset.done $0x0  }
0x3f6: {  	[sflag:s6] =	ssyncadd.s32 $0xFFFF6000  }
0x3f7: {  	[tilespmem:s12], [sflag:$0x2] =	stream.linear.gather [hbm4b:s1+s2], $0xA000, $0x38;
	[tilespmem:$0x14000] =	vst v63  }
0x3f8: {  	_ =	swait.ge [sflag:s10], $0xA000  }
0x3f9: {  	s1 =	sld [smem:$0x7FD]  }
0x3fa: {  	[sflag:s10] =	ssyncset.done $0x0  }
0x3fb: {  	[sflag:s10] =	ssyncadd.s32 $0xFFFF6000  }
0x3fc: {  	[tilespmem:s2], [sflag:$0x1] =	stream.linear.gather [hbm4b:s1+s2], $0xA000, $0x38;
	[tilespmem:$0x14000] =	vst v63  }
0x3fd: {  	_ =	swait.ge [sflag:s6], $0xA000  }
0x3fe: {  	[sflag:s6] =	ssyncset.done $0x0  }
0x3ff: {  	[sflag:s6] =	ssyncadd.s32 $0xFFFF6000  }
0x400: {  	[tilespmem:s12], [sflag:$0x2] =	stream.linear.gather [hbm4b:s31+s2], $0xA000, $0x38;
	[tilespmem:$0x14000] =	vst v63  }
0x401: {  	_ =	swait.ge [sflag:s10], $0xA000  }
0x402: {  	[sflag:s10] =	ssyncset.done $0x0  }
0x403: {  	[sflag:s10] =	ssyncadd.s32 $0xFFFF6000  }
0x404: {  	[tilespmem:s2], [sflag:$0x1] =	stream.linear.gather [hbm4b:s30+s2], $0xA000, $0x38;
	[tilespmem:$0x14000] =	vst v63  }
0x405: {  	_ =	swait.ge [sflag:s6], $0xA000  }
0x406: {  	[sflag:s6] =	ssyncset.done $0x0  }
0x407: {  	[sflag:s6] =	ssyncadd.s32 $0xFFFF6000  }
0x408: {  	[tilespmem:s12], [sflag:$0x2] =	stream.linear.gather [hbm4b:s29+s2], $0xA000, $0x38;
	[tilespmem:$0x14000] =	vst v63  }
0x409: {  	_ =	swait.ge [sflag:s10], $0xA000  }
0x40a: {  	[sflag:s10] =	ssyncset.done $0x0  }
0x40b: {  	[sflag:s10] =	ssyncadd.s32 $0xFFFF6000  }
0x40c: {  	[tilespmem:s2], [sflag:$0x1] =	stream.linear.gather [hbm4b:s28+s2], $0xA000, $0x38;
	[tilespmem:$0x14000] =	vst v63  }
0x40d: {  	_ =	swait.ge [sflag:s6], $0xA000  }
0x40e: {  	[sflag:s6] =	ssyncset.done $0x0  }
0x40f: {  	[sflag:s6] =	ssyncadd.s32 $0xFFFF6000  }
0x410: {  	[tilespmem:s12], [sflag:$0x2] =	stream.linear.gather [hbm4b:s26+s2], $0xA000, $0x38;
	[tilespmem:$0x14000] =	vst v63  }
0x411: {  	_ =	swait.ge [sflag:s10], $0xA000  }
0x412: {  	[sflag:s10] =	ssyncset.done $0x0  }
0x413: {  	[sflag:s10] =	ssyncadd.s32 $0xFFFF6000  }
0x414: {  	[tilespmem:s2], [sflag:$0x1] =	stream.linear.gather [hbm4b:s25+s2], $0xA000, $0x38;
	[tilespmem:$0x14000] =	vst v63  }
0x415: {  	_ =	swait.ge [sflag:s6], $0xA000  }
0x416: {  	[sflag:s6] =	ssyncset.done $0x0  }
0x417: {  	[sflag:s6] =	ssyncadd.s32 $0xFFFF6000  }
0x418: {  	[tilespmem:s12], [sflag:$0x2] =	stream.linear.gather [hbm4b:s24+s2], $0xA000, $0x38;
	[tilespmem:$0x14000] =	vst v63  }
0x419: {  	_ =	swait.ge [sflag:s10], $0xA000  }
0x41a: {  	[sflag:s10] =	ssyncset.done $0x0  }
0x41b: {  	[sflag:s10] =	ssyncadd.s32 $0xFFFF6000  }
0x41c: {  	[tilespmem:s2], [sflag:$0x1] =	stream.linear.gather [hbm4b:s23+s2], $0xA000, $0x38;
	[tilespmem:$0x14000] =	vst v63  }
0x41d: {  	_ =	swait.ge [sflag:s6], $0xA000  }
0x41e: {  	[sflag:s6] =	ssyncset.done $0x0  }
0x41f: {  	[sflag:s6] =	ssyncadd.s32 $0xFFFF6000  }
0x420: {  	[tilespmem:s12], [sflag:$0x2] =	stream.linear.gather [hbm4b:s22+s2], $0xA000, $0x38;
	[tilespmem:$0x14000] =	vst v63  }
0x421: {  	_ =	swait.ge [sflag:s10], $0xA000  }
0x422: {  	[sflag:s10] =	ssyncset.done $0x0  }
0x423: {  	[sflag:s10] =	ssyncadd.s32 $0xFFFF6000  }
0x424: {  	[tilespmem:s2], [sflag:$0x1] =	stream.linear.gather [hbm4b:s21+s2], $0xA000, $0x38;
	[tilespmem:$0x14000] =	vst v63  }
0x425: {  	_ =	swait.ge [sflag:s6], $0xA000  }
0x426: {  	[sflag:s6] =	ssyncset.done $0x0  }
0x427: {  	[sflag:s6] =	ssyncadd.s32 $0xFFFF6000  }
0x428: {  	[tilespmem:s12], [sflag:$0x2] =	stream.linear.gather [hbm4b:s20+s2], $0xA000, $0x38;
	[tilespmem:$0x14000] =	vst v63  }
0x429: {  	_ =	swait.ge [sflag:s10], $0xA000  }
0x42a: {  	[sflag:s10] =	ssyncset.done $0x0  }
0x42b: {  	[sflag:s10] =	ssyncadd.s32 $0xFFFF6000  }
0x42c: {  	[tilespmem:s2], [sflag:$0x1] =	stream.linear.gather [hbm4b:s19+s2], $0xA000, $0x38;
	[tilespmem:$0x14000] =	vst v63  }
0x42d: {  	_ =	swait.ge [sflag:s6], $0xA000  }
0x42e: {  	[sflag:s6] =	ssyncset.done $0x0  }
0x42f: {  	[sflag:s6] =	ssyncadd.s32 $0xFFFF6000  }
0x430: {  	[tilespmem:s12], [sflag:$0x2] =	stream.linear.gather [hbm4b:s18+s2], $0xA000, $0x38;
	[tilespmem:$0x14000] =	vst v63  }
0x431: {  	_ =	swait.ge [sflag:s10], $0xA000  }
0x432: {  	[sflag:s10] =	ssyncset.done $0x0  }
0x433: {  	[sflag:s10] =	ssyncadd.s32 $0xFFFF6000  }
0x434: {  	[tilespmem:s2], [sflag:$0x1] =	stream.linear.gather [hbm4b:s17+s2], $0xA000, $0x38;
	[tilespmem:$0x14000] =	vst v63  }
0x435: {  	_ =	swait.ge [sflag:s6], $0xA000  }
0x436: {  	[sflag:s6] =	ssyncset.done $0x0  }
0x437: {  	[sflag:s6] =	ssyncadd.s32 $0xFFFF6000  }
0x438: {  	[tilespmem:s12], [sflag:$0x2] =	stream.linear.gather [hbm4b:s16+s2], $0xA000, $0x38;
	[tilespmem:$0x14000] =	vst v63  }
0x439: {  	_ =	swait.ge [sflag:s10], $0xA000  }
0x43a: {  	[sflag:s10] =	ssyncset.done $0x0  }
0x43b: {  	[sflag:s10] =	ssyncadd.s32 $0xFFFF6000  }
0x43c: {  	[tilespmem:s2], [sflag:$0x1] =	stream.linear.gather [hbm4b:s15+s2], $0xA000, $0x38;
	[tilespmem:$0x14000] =	vst v63  }
0x43d: {  	_ =	swait.ge [sflag:s6], $0xA000  }
0x43e: {  	[sflag:s6] =	ssyncset.done $0x0  }
0x43f: {  	[sflag:s6] =	ssyncadd.s32 $0xFFFF6000  }
0x440: {  	[tilespmem:s12], [sflag:$0x2] =	stream.linear.gather [hbm4b:s14+s2], $0xA000, $0x38;
	[tilespmem:$0x14000] =	vst v63  }
0x441: {  	_ =	swait.ge [sflag:s10], $0xA000  }
0x442: {  	[sflag:s10] =	ssyncset.done $0x0  }
0x443: {  	[sflag:s10] =	ssyncadd.s32 $0xFFFF6000  }
0x444: {  	[tilespmem:s2], [sflag:$0x1] =	stream.linear.gather [hbm4b:s13+s2], $0xA000, $0x38;
	[tilespmem:$0x14000] =	vst v63  }
0x445: {  	_ =	swait.ge [sflag:s6], $0xA000  }
0x446: {  	[sflag:s6] =	ssyncset.done $0x0  }
0x447: {  	[sflag:s6] =	ssyncadd.s32 $0xFFFF6000  }
0x448: {  	[tilespmem:s12], [sflag:$0x2] =	stream.linear.gather [hbm4b:s11+s2], $0xA000, $0x38;
	[tilespmem:$0x14000] =	vst v63  }
0x449: {  	_ =	swait.ge [sflag:s10], $0xA000  }
0x44a: {  	[sflag:s10] =	ssyncset.done $0x0  }
0x44b: {  	[sflag:s10] =	ssyncadd.s32 $0xFFFF6000  }
0x44c: {  	[tilespmem:s2], [sflag:$0x1] =	stream.linear.gather [hbm4b:s9+s2], $0xA000, $0x38;
	[tilespmem:$0x14000] =	vst v63  }
0x44d: {  	_ =	swait.ge [sflag:s6], $0xA000  }
0x44e: {  	[sflag:s6] =	ssyncset.done $0x0  }
0x44f: {  	[sflag:s6] =	ssyncadd.s32 $0xFFFF6000  }
0x450: {  	[tilespmem:s12], [sflag:$0x2] =	stream.linear.gather [hbm4b:s5+s2], $0xA000, $0x38;
	[tilespmem:$0x14000] =	vst v63  }
0x451: {  	_ =	swait.ge [sflag:s10], $0xA000  }
0x452: {  	[sflag:s10] =	ssyncset.done $0x0  }
0x453: {  	[sflag:s10] =	ssyncadd.s32 $0xFFFF6000  }
0x454: {  	_ =	swait.ge [sflag:s6], $0xA000  }
0x455: {  	[sflag:s6] =	ssyncset.done $0x0  }
0x456: {  	[sflag:s6] =	ssyncadd.s32 $0xFFFF6000  }
0x457: {  	[hbm4b:s3+s7] =	stream.strided.scatter [tilespmem:s2], [sflag:$0x3], $0x0, s8, s7, $0x38;
	[tilespmem:$0x14000] =	vst v63  }
0x458: {  	_ = 	snop  }
0x459: {  	[hbm4b:s3+s2] =	stream.linear.scatter [tilespmem:s2], [sflag:$0x3], $0x10, $0x38;
	[tilespmem:$0x14000] =	vst v63  }
0x45a: {  	_ =	swait.ge [sflag:s4], $0x10  }
0x45b: {  	[sflag:s4] =	ssyncset.done $0x0  }
0x45c: {  	[sflag:s4] =	ssyncadd.s32 $0xFFFFFFF0  }
0x45d: {  	_ =	sfence.sel $0x180000  }
0x45e: {  	[bflag:$0x0] =	sbarrier.arrive $0xFFFF  }
0x45f: {  	_ =	strace $0x90000047  }
0x460: {  	s31 =	stileid.u32;
	[bflag:$0x2] =	sbarrier.arrive $0xFFFF  }
0x461: {  	p0 =	sne.s32 s31, $0x0;
	s0 =	rddreg [dreg:$0x2]  }
0x462: {  	s0 =	sadd.s32 @!p0 $0x100000, s0  }
0x463: {  	[sflag:s0] =	ssyncadd.tile.s32 @!p0 $0x1;
	_ =	shalt  }
.Lfunc_end2:
_tile_overlayer_lowered:
.L_overlay_start_2:
0x464: {  	(tag) =	ssettag $0x2  }
0x465: {  	s0 =	rddreg [dreg:$0x0];
	s2 =	stileid.u32  }
0x466: {  	s1 =	rddreg [dreg:$0x1];
	p0 =	sne.s32 s2, $0x0  }
0x467: {  	s3 =	rddreg [dreg:$0x2];
	[bflag:$0x3] =	sbarrier.arrive $0xFFFF;
	s2 =	simm.s32 @!p0 $0x1C03  }
0x468: {  	[timem:s3], [sflag:s2] =	dma.local @!p0 [hbm:s0], s1  }
0x469: {  	s0 =	simm.s32 @!p0 $0x3  }
0x46a: {  	_ =	swait.ge @!p0 [sflag:s0], s1  }
0x46b: {  	s1 =	ssub.s32 @!p0 $0x0, s1;
	[sflag:s0] =	ssyncset.done @!p0 $0x0  }
0x46c: {  	[sflag:s0] =	ssyncadd.s32 @!p0 s1  }
0x46d: {  	[bflag:$0x3] =	sbarrier.arrive $0xFFFF  }
0x46e: {  	_ =	shalt  }

</sc_bundles>
